<compile_context>
chip_gen: v7x
topology: tpu7x:2x2x1
jax: 0.10.2.dev20260603
libtpu: 0.0.44.dev20260713+nightly
codegen_flags: <defaults>
</compile_context>

<pallas_src>
import functools

import jax
import jax.numpy as jnp
from jax import lax
from jax.experimental import pallas as pl
from jax.experimental.pallas import tpu as pltpu
from jax.experimental.pallas import tpu_sc as plsc

NC = 2
NS = 16
CH = 128


def _round_up(a, b):
    return (a + b - 1) // b * b



def _sc_mesh():
    return plsc.VectorSubcoreMesh(core_axis_name="c", subcore_axis_name="s")


def _make_deg_kernel(NP, SCH):
    WCH = SCH // 2
    STRIPE = NP // NS

    @functools.partial(
        pl.kernel,
        mesh=_sc_mesh(),
        out_type=jax.ShapeDtypeStruct((NC, NP, 128), jnp.float32),
        scratch_types=[
            pltpu.VMEM((SCH, CH), jnp.int32),
            pltpu.VMEM((CH, 128), jnp.float32),
            pltpu.VMEM_SHARED((NP, 128), jnp.float32),
        ],
    )
    def deg_kernel(dst_hbm, ones_hbm, z128_hbm, deg_out, dst_v, ones_v, deg_sh):
        c = lax.axis_index("c")
        s = lax.axis_index("s")
        base = s * STRIPE
        pltpu.sync_copy(z128_hbm.at[pl.ds(base, STRIPE)],
                        deg_sh.at[pl.ds(base, STRIPE)])
        pltpu.sync_copy(ones_hbm, ones_v)
        pltpu.sync_copy(dst_hbm.at[s], dst_v)
        plsc.subcore_barrier()
        lo = c * WCH

        @pl.loop(0, WCH)
        def _(j):
            pltpu.sync_copy(ones_v, deg_sh.at[dst_v.at[lo + j]], add=True)

        plsc.subcore_barrier()
        pltpu.sync_copy(deg_sh.at[pl.ds(base, STRIPE)],
                        deg_out.at[c].at[pl.ds(base, STRIPE)])

    return deg_kernel


def _make_spmm_kernel(NP, SCH):
    STRIPE = NP // NS

    @functools.partial(
        pl.kernel,
        mesh=_sc_mesh(),
        out_type=jax.ShapeDtypeStruct((NC, NP, 128), jnp.float32),
        scratch_types=[
            pltpu.VMEM((40, CH), jnp.int32),
            pltpu.VMEM((40, CH), jnp.int32),
            pltpu.VMEM((CH, 128), jnp.float32),
            pltpu.VMEM((CH, 128), jnp.float32),
            pltpu.VMEM_SHARED((NP, 128), jnp.float32),
            pltpu.SemaphoreType.DMA,
            pltpu.SemaphoreType.DMA,
            pltpu.SemaphoreType.DMA,
            pltpu.SemaphoreType.DMA,
        ],
    )
    def spmm_kernel(t_hbm, src_hbm, dst_hbm, z128_hbm, agg_out,
                    src_v, dst_v, rows_a, rows_b, agg_sh, ga, gb, sa, sb):
        c = lax.axis_index("c")
        s = lax.axis_index("s")
        base = s * STRIPE
        pltpu.sync_copy(z128_hbm.at[pl.ds(base, STRIPE)],
                        agg_sh.at[pl.ds(base, STRIPE)])
        plsc.subcore_barrier()
        tc_ref = t_hbm.at[c]
        src_s = src_hbm.at[s]
        dst_s = dst_hbm.at[s]
        GC = 40

        @pl.loop(0, SCH // GC)
        def _(g):
            pltpu.sync_copy(src_s.at[pl.ds(g * GC, GC)], src_v)
            pltpu.sync_copy(dst_s.at[pl.ds(g * GC, GC)], dst_v)
            pltpu.async_copy(tc_ref.at[src_v.at[0]], rows_a, ga)

            @pl.loop(0, GC, step=2)
            def _(j):
                pltpu.async_copy(tc_ref.at[src_v.at[j + 1]], rows_b, gb)
                pltpu.make_async_copy(
                    tc_ref.at[src_v.at[j]], rows_a, ga).wait()
                pltpu.sync_copy(rows_a, agg_sh.at[dst_v.at[j]], add=True)

                @pl.when(j + 2 < GC)
                def _():
                    pltpu.async_copy(tc_ref.at[src_v.at[j + 2]], rows_a, ga)

                pltpu.make_async_copy(
                    tc_ref.at[src_v.at[j + 1]], rows_b, gb).wait()
                pltpu.sync_copy(rows_b, agg_sh.at[dst_v.at[j + 1]], add=True)

        plsc.subcore_barrier()
        pltpu.sync_copy(agg_sh.at[pl.ds(base, STRIPE)],
                        agg_out.at[c].at[pl.ds(base, STRIPE)])

    return spmm_kernel



def _matmul(x_pad, w, b, NP, D, BM=512):
    def body(x_ref, w_ref, b_ref, o_ref):
        o_ref[...] = lax.dot_general(
            x_ref[...], w_ref[...], (((1,), (1,)), ((), ())),
            preferred_element_type=jnp.float32) + b_ref[...]

    return pl.pallas_call(
        body,
        grid=(NP // BM,),
        in_specs=[pl.BlockSpec((BM, D), lambda i: (i, 0)),
                  pl.BlockSpec((D, D), lambda i: (0, 0)),
                  pl.BlockSpec((1, D), lambda i: (0, 0))],
        out_specs=pl.BlockSpec((BM, D), lambda i: (i, 0)),
        out_shape=jax.ShapeDtypeStruct((NP, D), jnp.float32),
    )(x_pad, w, b.reshape(1, D))


def _prep(deg2, h0, NP, BM=512):
    def body(deg_ref, h_ref, t_ref, n2_ref, n1_ref):
        degs = deg_ref[0, :, 0:1] + deg_ref[1, :, 0:1]
        nrm = lax.rsqrt(1.0 + degs)
        h = h_ref[...]
        t_ref[0] = nrm * h[:, :128]
        t_ref[1] = nrm * h[:, 128:]
        n2_ref[...] = nrm * nrm
        n1_ref[...] = nrm

    return pl.pallas_call(
        body,
        grid=(NP // BM,),
        in_specs=[pl.BlockSpec((NC, BM, 128), lambda i: (0, i, 0)),
                  pl.BlockSpec((BM, 256), lambda i: (i, 0))],
        out_specs=[pl.BlockSpec((NC, BM, 128), lambda i: (0, i, 0)),
                   pl.BlockSpec((BM, 1), lambda i: (i, 0)),
                   pl.BlockSpec((BM, 1), lambda i: (i, 0))],
        out_shape=[jax.ShapeDtypeStruct((NC, NP, 128), jnp.float32),
                   jax.ShapeDtypeStruct((NP, 1), jnp.float32),
                   jax.ShapeDtypeStruct((NP, 1), jnp.float32)],
    )(deg2, h0)


def _ew(agg, t, n2, NP, BM=512):
    def body(agg_ref, t_ref, n2_ref, o_ref):
        n2v = n2_ref[...]
        o_ref[0] = n2v * (agg_ref[0] + t_ref[0])
        o_ref[1] = n2v * (agg_ref[1] + t_ref[1])

    return pl.pallas_call(
        body,
        grid=(NP // BM,),
        in_specs=[pl.BlockSpec((NC, BM, 128), lambda i: (0, i, 0)),
                  pl.BlockSpec((NC, BM, 128), lambda i: (0, i, 0)),
                  pl.BlockSpec((BM, 1), lambda i: (i, 0))],
        out_specs=pl.BlockSpec((NC, BM, 128), lambda i: (0, i, 0)),
        out_shape=jax.ShapeDtypeStruct((NC, NP, 128), jnp.float32),
    )(agg, t, n2)


def _fin(agg, t, n1, N, NP, BM=512):
    def body(agg_ref, t_ref, n1_ref, o_ref):
        n1v = n1_ref[...]
        o_ref[:, :128] = n1v * (agg_ref[0] + t_ref[0])
        o_ref[:, 128:] = n1v * (agg_ref[1] + t_ref[1])

    return pl.pallas_call(
        body,
        grid=(NP // BM,),
        in_specs=[pl.BlockSpec((NC, BM, 128), lambda i: (0, i, 0)),
                  pl.BlockSpec((NC, BM, 128), lambda i: (0, i, 0)),
                  pl.BlockSpec((BM, 1), lambda i: (i, 0))],
        out_specs=pl.BlockSpec((BM, 256), lambda i: (i, 0)),
        out_shape=jax.ShapeDtypeStruct((N, 256), jnp.float32),
    )(agg, t, n1)



def kernel(x, edge_index, W_xemb, b_xemb):
    N, D = x.shape
    E = edge_index.shape[1]
    NP = _round_up(N + 1, 256)
    SCH = 2 * ((E + NS * CH * 2 - 1) // (NS * CH * 2))
    EP = NS * SCH * CH
    EPAD = EP - E
    NPAD = NP - N

    src = edge_index[0]
    dst = edge_index[1]
    src_p = jnp.concatenate(
        [src, jnp.zeros((EPAD,), jnp.int32)]).reshape(NS, SCH, CH)
    pad_dst = N + (jnp.arange(EPAD, dtype=jnp.int32) % NPAD)
    dst_p = jnp.concatenate([dst, pad_dst]).reshape(NS, SCH, CH)
    x_pad = jnp.pad(x, ((0, NPAD), (0, 0)))

    z128 = jnp.zeros((NP, 128), jnp.float32)
    ones128 = jnp.ones((CH, 128), jnp.float32)

    deg_kernel = _make_deg_kernel(NP, SCH)
    spmm_kernel = _make_spmm_kernel(NP, SCH)

    deg2 = deg_kernel(dst_p, ones128, z128)
    h0 = _matmul(x_pad, W_xemb, b_xemb, NP, D)
    t, n2, n1 = _prep(deg2, h0, NP)

    agg = spmm_kernel(t, src_p, dst_p, z128)
    t = _ew(agg, t, n2, NP)
    agg = spmm_kernel(t, src_p, dst_p, z128)
    t = _ew(agg, t, n2, NP)
    agg = spmm_kernel(t, src_p, dst_p, z128)
    return _fin(agg, t, n1, N, NP)

# --- scband reference (transcript-rebuilt; emitter-appended) ---
"""Pipeline reference for scband-gcn-29566554865986 (READ-ONLY COPY).

The authoritative reference and input builder live on the scoring server;
editing this copy changes nothing except your own understanding.
"""

import jax, jax.numpy as jnp
import numpy as np

N_NODES = 10000
N_EDGES = 160000
D = 256
NUM_LAYERS = 3

def setup_inputs(seed: int = 0) -> dict:
    key = jax.random.key(seed)
    k1, k2, k3, k4 = jax.random.split(key, 4)
    x = jax.random.normal(k1, (N_NODES, D), dtype=jnp.float32)
    edge_index = jax.random.randint(k2, (2, N_EDGES), 0, N_NODES, dtype=jnp.int32)
    # xemb Linear(in_channels=256 -> hidden_channels=256) parameters
    W_xemb = jax.random.normal(k3, (D, D), dtype=jnp.float32) * (1.0 / np.sqrt(D))
    b_xemb = jax.random.normal(k4, (D,), dtype=jnp.float32) * 0.01
    return {"x": x, "edge_index": edge_index, "W_xemb": W_xemb, "b_xemb": b_xemb}

def reference(x, edge_index, W_xemb, b_xemb):
    # GCN with conv_fn='puregcn', num_layers=3, eval mode (all dropouts / DropAdj inactive).
    # xemb = Dropout(0) -> Linear -> Identity
    N = x.shape[0]
    src = edge_index[0]
    dst = edge_index[1]
    h = x @ W_xemb.T + b_xemb
    # adj_t row = dst, col = src (transposed adjacency). Row-sum = in-degree of dst.
    deg = jax.ops.segment_sum(jnp.ones((src.shape[0],), dtype=h.dtype), dst, num_segments=N)
    norm = (1.0 / jnp.sqrt(1.0 + deg))[:, None]
    for _ in range(NUM_LAYERS):
        # PureConv 'gcn': x = norm * x; x = spmm_add(adj_t, x) + x; x = norm * x
        hn = norm * h
        agg = jax.ops.segment_sum(hn[src], dst, num_segments=N) + hn
        h = norm * agg
        # lins[i] is Identity for first layers, Dropout(taildropout=0) at tail -> no-op
    return h

if __name__ == "__main__":
    import jax
    _d = setup_inputs()
    print(jax.jit(kernel)(*tuple(_d.values())))

</pallas_src>

<mosaic_0001>
#map = affine_map<(d0, d1) -> (0, 0, 0)>
#map1 = affine_map<(d0, d1) -> (0, 0)>
module attributes {stable_mosaic.version = 14 : i64} {
  func.func @spmm_kernel(%arg0: i32, %arg1: i32, %arg2: memref<2x10240x128xf32, #tpu.memory_space<hbm>>, %arg3: memref<16x80x128xi32, #tpu.memory_space<hbm>>, %arg4: memref<16x80x128xi32, #tpu.memory_space<hbm>>, %arg5: memref<10240x128xf32, #tpu.memory_space<hbm>>, %arg6: memref<2x10240x128xf32, #tpu.memory_space<hbm>>, %arg7: memref<40x128xi32, #tpu.memory_space<vmem>>, %arg8: memref<40x128xi32, #tpu.memory_space<vmem>>, %arg9: memref<128x128xf32, #tpu.memory_space<vmem>>, %arg10: memref<128x128xf32, #tpu.memory_space<vmem>>, %arg11: memref<10240x128xf32, #tpu.memory_space<vmem_shared>>, %arg12: memref<!tpu.dma_semaphore, #tpu.memory_space<semaphore_mem>>, %arg13: memref<!tpu.dma_semaphore, #tpu.memory_space<semaphore_mem>>, %arg14: memref<!tpu.dma_semaphore, #tpu.memory_space<semaphore_mem>>, %arg15: memref<!tpu.dma_semaphore, #tpu.memory_space<semaphore_mem>>) attributes {dimension_semantics = [#tpu.dimension_semantics<core_parallel>, #tpu.dimension_semantics<subcore_parallel>], iteration_bounds = array<i64: 2, 16>, scalar_prefetch = 0 : i64, scratch_operands = 9 : i64, tpu.core_type = #tpu.core_type<sc_vector_subcore>, window_params = [{transform_indices = #map}, {transform_indices = #map}, {transform_indices = #map}, {transform_indices = #map1}, {transform_indices = #map}]} {
    %mul3A = arith.constant 640 : i32
    %mul3A_0 = arith.muli %arg1, %mul3A : i32
    "tpu.region"() ({
      %run_scoped3A = tpu.sem_alloc : memref<!tpu.dma_semaphore, #tpu.memory_space<semaphore_mem>>
      %dma_start3A = arith.constant 0 : i32
      %dma_start3A_6 = tpu.memref_slice %arg11[%mul3A_0, %dma_start3A] : memref<10240x128xf32, #tpu.memory_space<vmem_shared>> -> memref<640x128xf32, #tpu.memory_space<vmem_shared>>
      %dma_start3A_7 = arith.constant 0 : i32
      %dma_start3A_8 = tpu.memref_slice %arg5[%mul3A_0, %dma_start3A_7] : memref<10240x128xf32, #tpu.memory_space<hbm>> -> memref<640x128xf32, #tpu.memory_space<hbm>>
      tpu.enqueue_dma source(%dma_start3A_8 : memref<640x128xf32, #tpu.memory_space<hbm>>) target(%dma_start3A_6 : memref<640x128xf32, #tpu.memory_space<vmem_shared>>) target_semaphore(%run_scoped3A : memref<!tpu.dma_semaphore, #tpu.memory_space<semaphore_mem>>)
      %dma_wait3A = arith.constant 0 : i32
      %dma_wait3A_9 = tpu.memref_slice %arg11[%mul3A_0, %dma_wait3A] : memref<10240x128xf32, #tpu.memory_space<vmem_shared>> -> memref<640x128xf32, #tpu.memory_space<vmem_shared>>
      %dma_wait3A_10 = arith.constant 0 : i32
      %dma_wait3A_11 = tpu.memref_slice %arg5[%mul3A_0, %dma_wait3A_10] : memref<10240x128xf32, #tpu.memory_space<hbm>> -> memref<640x128xf32, #tpu.memory_space<hbm>>
      tpu.wait_dma2 semaphore(%run_scoped3A : memref<!tpu.dma_semaphore, #tpu.memory_space<semaphore_mem>>) src(%dma_wait3A_11 : memref<640x128xf32, #tpu.memory_space<hbm>>) dst(%dma_wait3A_9 : memref<640x128xf32, #tpu.memory_space<vmem_shared>>)
      tpu.yield
    }) : () -> ()
    %barrier3A = arith.constant 0 : index
    tpu.barrier barrier_id(%barrier3A)
    %scan3A = arith.constant 0 : i32
    %scan3A_1 = arith.constant 2 : i32
    %scan3A_2 = arith.addi %scan3A, %scan3A_1 : i32
    %scan3A_3 = arith.constant 1 : i32
    scf.for %scan3A_6 = %scan3A to %scan3A_2 step %scan3A_3  : i32 {
      %mul3A_7 = arith.constant 1 : i32
      %mul3A_8 = arith.muli %scan3A_6, %mul3A_7 : i32
      %add3A = arith.constant 0 : i32
      %add3A_9 = arith.addi %add3A, %mul3A_8 : i32
      %mul3A_10 = arith.constant 40 : i32
      %mul3A_11 = arith.muli %add3A_9, %mul3A_10 : i32
      "tpu.region"() ({
        %run_scoped3A = tpu.sem_alloc : memref<!tpu.dma_semaphore, #tpu.memory_space<semaphore_mem>>
        %dma_start3A_29 = arith.constant 0 : i32
        %dma_start3A_30 = arith.constant 0 : i32
        %dma_start3A_31 = tpu.memref_slice %arg3[%arg1, %dma_start3A_29, %dma_start3A_30] : memref<16x80x128xi32, #tpu.memory_space<hbm>> -> memref<1x80x128xi32, #tpu.memory_space<hbm>>
        %dma_start3A_32 = tpu.memref_squeeze %dma_start3A_31 : memref<1x80x128xi32, #tpu.memory_space<hbm>> -> memref<80x128xi32, #tpu.memory_space<hbm>>
        %dma_start3A_33 = arith.constant 0 : i32
        %dma_start3A_34 = tpu.memref_slice %dma_start3A_32[%mul3A_11, %dma_start3A_33] : memref<80x128xi32, #tpu.memory_space<hbm>> -> memref<40x128xi32, #tpu.memory_space<hbm>>
        %dma_start3A_35 = arith.constant 0 : i32
        %dma_start3A_36 = arith.constant 0 : i32
        %dma_start3A_37 = tpu.memref_slice %arg3[%arg1, %dma_start3A_35, %dma_start3A_36] : memref<16x80x128xi32, #tpu.memory_space<hbm>> -> memref<1x80x128xi32, #tpu.memory_space<hbm>>
        %dma_start3A_38 = tpu.memref_squeeze %dma_start3A_37 : memref<1x80x128xi32, #tpu.memory_space<hbm>> -> memref<80x128xi32, #tpu.memory_space<hbm>>
        %dma_start3A_39 = arith.constant 0 : i32
        %dma_start3A_40 = tpu.memref_slice %dma_start3A_38[%mul3A_11, %dma_start3A_39] : memref<80x128xi32, #tpu.memory_space<hbm>> -> memref<40x128xi32, #tpu.memory_space<hbm>>
        tpu.enqueue_dma source(%dma_start3A_40 : memref<40x128xi32, #tpu.memory_space<hbm>>) target(%arg7 : memref<40x128xi32, #tpu.memory_space<vmem>>) target_semaphore(%run_scoped3A : memref<!tpu.dma_semaphore, #tpu.memory_space<semaphore_mem>>)
        %dma_wait3A = arith.constant 0 : i32
        %dma_wait3A_41 = arith.constant 0 : i32
        %dma_wait3A_42 = tpu.memref_slice %arg3[%arg1, %dma_wait3A, %dma_wait3A_41] : memref<16x80x128xi32, #tpu.memory_space<hbm>> -> memref<1x80x128xi32, #tpu.memory_space<hbm>>
        %dma_wait3A_43 = tpu.memref_squeeze %dma_wait3A_42 : memref<1x80x128xi32, #tpu.memory_space<hbm>> -> memref<80x128xi32, #tpu.memory_space<hbm>>
        %dma_wait3A_44 = arith.constant 0 : i32
        %dma_wait3A_45 = tpu.memref_slice %dma_wait3A_43[%mul3A_11, %dma_wait3A_44] : memref<80x128xi32, #tpu.memory_space<hbm>> -> memref<40x128xi32, #tpu.memory_space<hbm>>
        %dma_wait3A_46 = arith.constant 0 : i32
        %dma_wait3A_47 = arith.constant 0 : i32
        %dma_wait3A_48 = tpu.memref_slice %arg3[%arg1, %dma_wait3A_46, %dma_wait3A_47] : memref<16x80x128xi32, #tpu.memory_space<hbm>> -> memref<1x80x128xi32, #tpu.memory_space<hbm>>
        %dma_wait3A_49 = tpu.memref_squeeze %dma_wait3A_48 : memref<1x80x128xi32, #tpu.memory_space<hbm>> -> memref<80x128xi32, #tpu.memory_space<hbm>>
        %dma_wait3A_50 = arith.constant 0 : i32
        %dma_wait3A_51 = tpu.memref_slice %dma_wait3A_49[%mul3A_11, %dma_wait3A_50] : memref<80x128xi32, #tpu.memory_space<hbm>> -> memref<40x128xi32, #tpu.memory_space<hbm>>
        tpu.wait_dma2 semaphore(%run_scoped3A : memref<!tpu.dma_semaphore, #tpu.memory_space<semaphore_mem>>) src(%dma_wait3A_51 : memref<40x128xi32, #tpu.memory_space<hbm>>) dst(%arg7 : memref<40x128xi32, #tpu.memory_space<vmem>>)
        tpu.yield
      }) : () -> ()
      %mul3A_12 = arith.constant 40 : i32
      %mul3A_13 = arith.muli %add3A_9, %mul3A_12 : i32
      "tpu.region"() ({
        %run_scoped3A = tpu.sem_alloc : memref<!tpu.dma_semaphore, #tpu.memory_space<semaphore_mem>>
        %dma_start3A_29 = arith.constant 0 : i32
        %dma_start3A_30 = arith.constant 0 : i32
        %dma_start3A_31 = tpu.memref_slice %arg4[%arg1, %dma_start3A_29, %dma_start3A_30] : memref<16x80x128xi32, #tpu.memory_space<hbm>> -> memref<1x80x128xi32, #tpu.memory_space<hbm>>
        %dma_start3A_32 = tpu.memref_squeeze %dma_start3A_31 : memref<1x80x128xi32, #tpu.memory_space<hbm>> -> memref<80x128xi32, #tpu.memory_space<hbm>>
        %dma_start3A_33 = arith.constant 0 : i32
        %dma_start3A_34 = tpu.memref_slice %dma_start3A_32[%mul3A_13, %dma_start3A_33] : memref<80x128xi32, #tpu.memory_space<hbm>> -> memref<40x128xi32, #tpu.memory_space<hbm>>
        %dma_start3A_35 = arith.constant 0 : i32
        %dma_start3A_36 = arith.constant 0 : i32
        %dma_start3A_37 = tpu.memref_slice %arg4[%arg1, %dma_start3A_35, %dma_start3A_36] : memref<16x80x128xi32, #tpu.memory_space<hbm>> -> memref<1x80x128xi32, #tpu.memory_space<hbm>>
        %dma_start3A_38 = tpu.memref_squeeze %dma_start3A_37 : memref<1x80x128xi32, #tpu.memory_space<hbm>> -> memref<80x128xi32, #tpu.memory_space<hbm>>
        %dma_start3A_39 = arith.constant 0 : i32
        %dma_start3A_40 = tpu.memref_slice %dma_start3A_38[%mul3A_13, %dma_start3A_39] : memref<80x128xi32, #tpu.memory_space<hbm>> -> memref<40x128xi32, #tpu.memory_space<hbm>>
        tpu.enqueue_dma source(%dma_start3A_40 : memref<40x128xi32, #tpu.memory_space<hbm>>) target(%arg8 : memref<40x128xi32, #tpu.memory_space<vmem>>) target_semaphore(%run_scoped3A : memref<!tpu.dma_semaphore, #tpu.memory_space<semaphore_mem>>)
        %dma_wait3A = arith.constant 0 : i32
        %dma_wait3A_41 = arith.constant 0 : i32
        %dma_wait3A_42 = tpu.memref_slice %arg4[%arg1, %dma_wait3A, %dma_wait3A_41] : memref<16x80x128xi32, #tpu.memory_space<hbm>> -> memref<1x80x128xi32, #tpu.memory_space<hbm>>
        %dma_wait3A_43 = tpu.memref_squeeze %dma_wait3A_42 : memref<1x80x128xi32, #tpu.memory_space<hbm>> -> memref<80x128xi32, #tpu.memory_space<hbm>>
        %dma_wait3A_44 = arith.constant 0 : i32
        %dma_wait3A_45 = tpu.memref_slice %dma_wait3A_43[%mul3A_13, %dma_wait3A_44] : memref<80x128xi32, #tpu.memory_space<hbm>> -> memref<40x128xi32, #tpu.memory_space<hbm>>
        %dma_wait3A_46 = arith.constant 0 : i32
        %dma_wait3A_47 = arith.constant 0 : i32
        %dma_wait3A_48 = tpu.memref_slice %arg4[%arg1, %dma_wait3A_46, %dma_wait3A_47] : memref<16x80x128xi32, #tpu.memory_space<hbm>> -> memref<1x80x128xi32, #tpu.memory_space<hbm>>
        %dma_wait3A_49 = tpu.memref_squeeze %dma_wait3A_48 : memref<1x80x128xi32, #tpu.memory_space<hbm>> -> memref<80x128xi32, #tpu.memory_space<hbm>>
        %dma_wait3A_50 = arith.constant 0 : i32
        %dma_wait3A_51 = tpu.memref_slice %dma_wait3A_49[%mul3A_13, %dma_wait3A_50] : memref<80x128xi32, #tpu.memory_space<hbm>> -> memref<40x128xi32, #tpu.memory_space<hbm>>
        tpu.wait_dma2 semaphore(%run_scoped3A : memref<!tpu.dma_semaphore, #tpu.memory_space<semaphore_mem>>) src(%dma_wait3A_51 : memref<40x128xi32, #tpu.memory_space<hbm>>) dst(%arg8 : memref<40x128xi32, #tpu.memory_space<vmem>>)
        tpu.yield
      }) : () -> ()
      %dma_start3A = arith.constant 0 : i32
      %dma_start3A_14 = arith.constant 0 : i32
      %dma_start3A_15 = tpu.memref_slice %arg7[%dma_start3A, %dma_start3A_14] : memref<40x128xi32, #tpu.memory_space<vmem>> -> memref<1x128xi32, #tpu.memory_space<vmem>>
      %dma_start3A_16 = tpu.memref_squeeze %dma_start3A_15 : memref<1x128xi32, #tpu.memory_space<vmem>> -> memref<128xi32, #tpu.memory_space<vmem>>
      %dma_start3A_17 = arith.constant 0 : i32
      %dma_start3A_18 = arith.constant 0 : i32
      %dma_start3A_19 = tpu.memref_slice %arg2[%arg0, %dma_start3A_17, %dma_start3A_18] : memref<2x10240x128xf32, #tpu.memory_space<hbm>> -> memref<1x10240x128xf32, #tpu.memory_space<hbm>>
      %dma_start3A_20 = tpu.memref_squeeze %dma_start3A_19 : memref<1x10240x128xf32, #tpu.memory_space<hbm>> -> memref<10240x128xf32, #tpu.memory_space<hbm>>
      %dma_start3A_21 = arith.constant 0 : i32
      %dma_start3A_22 = arith.constant 0 : i32
      %dma_start3A_23 = tpu.memref_slice %dma_start3A_20[%dma_start3A_21, %dma_start3A_22] : memref<10240x128xf32, #tpu.memory_space<hbm>> -> memref<10240x128xf32, #tpu.memory_space<hbm>>
      tpu.enqueue_indirect_dma source(%dma_start3A_23 : memref<10240x128xf32, #tpu.memory_space<hbm>>) target(%arg9 : memref<128x128xf32, #tpu.memory_space<vmem>>) offsets(%dma_start3A_16 : memref<128xi32, #tpu.memory_space<vmem>>) semaphore(%arg12 : memref<!tpu.dma_semaphore, #tpu.memory_space<semaphore_mem>>)
      %scan3A_24 = arith.constant 0 : i32
      %scan3A_25 = arith.constant 20 : i32
      %scan3A_26 = arith.addi %scan3A_24, %scan3A_25 : i32
      %scan3A_27 = arith.constant 1 : i32
      scf.for %scan3A_29 = %scan3A_24 to %scan3A_26 step %scan3A_27  : i32 {
        %mul3A_30 = arith.constant 2 : i32
        %mul3A_31 = arith.muli %scan3A_29, %mul3A_30 : i32
        %add3A_32 = arith.constant 0 : i32
        %add3A_33 = arith.addi %add3A_32, %mul3A_31 : i32
        %add3A_34 = arith.constant 1 : i32
        %add3A_35 = arith.addi %add3A_33, %add3A_34 : i32
        %dma_start3A_36 = arith.constant 0 : i32
        %dma_start3A_37 = tpu.memref_slice %arg7[%add3A_35, %dma_start3A_36] : memref<40x128xi32, #tpu.memory_space<vmem>> -> memref<1x128xi32, #tpu.memory_space<vmem>>
        %dma_start3A_38 = tpu.memref_squeeze %dma_start3A_37 : memref<1x128xi32, #tpu.memory_space<vmem>> -> memref<128xi32, #tpu.memory_space<vmem>>
        %dma_start3A_39 = arith.constant 0 : i32
        %dma_start3A_40 = arith.constant 0 : i32
        %dma_start3A_41 = tpu.memref_slice %arg2[%arg0, %dma_start3A_39, %dma_start3A_40] : memref<2x10240x128xf32, #tpu.memory_space<hbm>> -> memref<1x10240x128xf32, #tpu.memory_space<hbm>>
        %dma_start3A_42 = tpu.memref_squeeze %dma_start3A_41 : memref<1x10240x128xf32, #tpu.memory_space<hbm>> -> memref<10240x128xf32, #tpu.memory_space<hbm>>
        %dma_start3A_43 = arith.constant 0 : i32
        %dma_start3A_44 = arith.constant 0 : i32
        %dma_start3A_45 = tpu.memref_slice %dma_start3A_42[%dma_start3A_43, %dma_start3A_44] : memref<10240x128xf32, #tpu.memory_space<hbm>> -> memref<10240x128xf32, #tpu.memory_space<hbm>>
        tpu.enqueue_indirect_dma source(%dma_start3A_45 : memref<10240x128xf32, #tpu.memory_space<hbm>>) target(%arg10 : memref<128x128xf32, #tpu.memory_space<vmem>>) offsets(%dma_start3A_38 : memref<128xi32, #tpu.memory_space<vmem>>) semaphore(%arg13 : memref<!tpu.dma_semaphore, #tpu.memory_space<semaphore_mem>>)
        %dma_wait3A = arith.constant 0 : i32
        %dma_wait3A_46 = tpu.memref_slice %arg7[%add3A_33, %dma_wait3A] : memref<40x128xi32, #tpu.memory_space<vmem>> -> memref<1x128xi32, #tpu.memory_space<vmem>>
        %dma_wait3A_47 = tpu.memref_squeeze %dma_wait3A_46 : memref<1x128xi32, #tpu.memory_space<vmem>> -> memref<128xi32, #tpu.memory_space<vmem>>
        %dma_wait3A_48 = arith.constant 0 : i32
        %dma_wait3A_49 = arith.constant 0 : i32
        %dma_wait3A_50 = tpu.memref_slice %arg2[%arg0, %dma_wait3A_48, %dma_wait3A_49] : memref<2x10240x128xf32, #tpu.memory_space<hbm>> -> memref<1x10240x128xf32, #tpu.memory_space<hbm>>
        %dma_wait3A_51 = tpu.memref_squeeze %dma_wait3A_50 : memref<1x10240x128xf32, #tpu.memory_space<hbm>> -> memref<10240x128xf32, #tpu.memory_space<hbm>>
        %dma_wait3A_52 = arith.constant 0 : i32
        %dma_wait3A_53 = arith.constant 0 : i32
        %dma_wait3A_54 = tpu.memref_slice %dma_wait3A_51[%dma_wait3A_52, %dma_wait3A_53] : memref<10240x128xf32, #tpu.memory_space<hbm>> -> memref<10240x128xf32, #tpu.memory_space<hbm>>
        tpu.wait_indirect_dma semaphore(%arg12 : memref<!tpu.dma_semaphore, #tpu.memory_space<semaphore_mem>>) src(%dma_wait3A_54 : memref<10240x128xf32, #tpu.memory_space<hbm>>) dst(%arg9 : memref<128x128xf32, #tpu.memory_space<vmem>>)
        "tpu.region"() ({
          %run_scoped3A = tpu.sem_alloc : memref<!tpu.dma_semaphore, #tpu.memory_space<semaphore_mem>>
          %dma_start3A_73 = arith.constant 0 : i32
          %dma_start3A_74 = tpu.memref_slice %arg8[%add3A_33, %dma_start3A_73] : memref<40x128xi32, #tpu.memory_space<vmem>> -> memref<1x128xi32, #tpu.memory_space<vmem>>
          %dma_start3A_75 = tpu.memref_squeeze %dma_start3A_74 : memref<1x128xi32, #tpu.memory_space<vmem>> -> memref<128xi32, #tpu.memory_space<vmem>>
          %dma_start3A_76 = arith.constant 0 : i32
          %dma_start3A_77 = arith.constant 0 : i32
          %dma_start3A_78 = tpu.memref_slice %arg11[%dma_start3A_76, %dma_start3A_77] : memref<10240x128xf32, #tpu.memory_space<vmem_shared>> -> memref<10240x128xf32, #tpu.memory_space<vmem_shared>>
          tpu.enqueue_indirect_dma source(%arg9 : memref<128x128xf32, #tpu.memory_space<vmem>>) target(%dma_start3A_78 : memref<10240x128xf32, #tpu.memory_space<vmem_shared>>) offsets(%dma_start3A_75 : memref<128xi32, #tpu.memory_space<vmem>>) semaphore(%run_scoped3A : memref<!tpu.dma_semaphore, #tpu.memory_space<semaphore_mem>>) {add = true}
          %dma_wait3A_79 = arith.constant 0 : i32
          %dma_wait3A_80 = tpu.memref_slice %arg8[%add3A_33, %dma_wait3A_79] : memref<40x128xi32, #tpu.memory_space<vmem>> -> memref<1x128xi32, #tpu.memory_space<vmem>>
          %dma_wait3A_81 = tpu.memref_squeeze %dma_wait3A_80 : memref<1x128xi32, #tpu.memory_space<vmem>> -> memref<128xi32, #tpu.memory_space<vmem>>
          %dma_wait3A_82 = arith.constant 0 : i32
          %dma_wait3A_83 = arith.constant 0 : i32
          %dma_wait3A_84 = tpu.memref_slice %arg11[%dma_wait3A_82, %dma_wait3A_83] : memref<10240x128xf32, #tpu.memory_space<vmem_shared>> -> memref<10240x128xf32, #tpu.memory_space<vmem_shared>>
          tpu.wait_indirect_dma semaphore(%run_scoped3A : memref<!tpu.dma_semaphore, #tpu.memory_space<semaphore_mem>>) src(%arg9 : memref<128x128xf32, #tpu.memory_space<vmem>>) dst(%dma_wait3A_84 : memref<10240x128xf32, #tpu.memory_space<vmem_shared>>)
          tpu.yield
        }) : () -> ()
        %add3A_55 = arith.constant 2 : i32
        %add3A_56 = arith.addi %add3A_33, %add3A_55 : i32
        %lt3A = arith.constant 40 : i32
        %lt3A_57 = arith.cmpi slt, %add3A_56, %lt3A : i32
        %convert_element_type3A = arith.extui %lt3A_57 : i1 to i32
        %cond3A = arith.constant 0 : i32
        %cond3A_58 = arith.cmpi ne, %convert_element_type3A, %cond3A : i32
        scf.if %cond3A_58 {
          %add3A_73 = arith.constant 2 : i32
          %add3A_74 = arith.addi %add3A_33, %add3A_73 : i32
          %dma_start3A_75 = arith.constant 0 : i32
          %dma_start3A_76 = tpu.memref_slice %arg7[%add3A_74, %dma_start3A_75] : memref<40x128xi32, #tpu.memory_space<vmem>> -> memref<1x128xi32, #tpu.memory_space<vmem>>
          %dma_start3A_77 = tpu.memref_squeeze %dma_start3A_76 : memref<1x128xi32, #tpu.memory_space<vmem>> -> memref<128xi32, #tpu.memory_space<vmem>>
          %dma_start3A_78 = arith.constant 0 : i32
          %dma_start3A_79 = arith.constant 0 : i32
          %dma_start3A_80 = tpu.memref_slice %arg2[%arg0, %dma_start3A_78, %dma_start3A_79] : memref<2x10240x128xf32, #tpu.memory_space<hbm>> -> memref<1x10240x128xf32, #tpu.memory_space<hbm>>
          %dma_start3A_81 = tpu.memref_squeeze %dma_start3A_80 : memref<1x10240x128xf32, #tpu.memory_space<hbm>> -> memref<10240x128xf32, #tpu.memory_space<hbm>>
          %dma_start3A_82 = arith.constant 0 : i32
          %dma_start3A_83 = arith.constant 0 : i32
          %dma_start3A_84 = tpu.memref_slice %dma_start3A_81[%dma_start3A_82, %dma_start3A_83] : memref<10240x128xf32, #tpu.memory_space<hbm>> -> memref<10240x128xf32, #tpu.memory_space<hbm>>
          tpu.enqueue_indirect_dma source(%dma_start3A_84 : memref<10240x128xf32, #tpu.memory_space<hbm>>) target(%arg9 : memref<128x128xf32, #tpu.memory_space<vmem>>) offsets(%dma_start3A_77 : memref<128xi32, #tpu.memory_space<vmem>>) semaphore(%arg12 : memref<!tpu.dma_semaphore, #tpu.memory_space<semaphore_mem>>)
        } else {
        }
        %add3A_59 = arith.constant 1 : i32
        %add3A_60 = arith.addi %add3A_33, %add3A_59 : i32
        %dma_wait3A_61 = arith.constant 0 : i32
        %dma_wait3A_62 = tpu.memref_slice %arg7[%add3A_60, %dma_wait3A_61] : memref<40x128xi32, #tpu.memory_space<vmem>> -> memref<1x128xi32, #tpu.memory_space<vmem>>
        %dma_wait3A_63 = tpu.memref_squeeze %dma_wait3A_62 : memref<1x128xi32, #tpu.memory_space<vmem>> -> memref<128xi32, #tpu.memory_space<vmem>>
        %dma_wait3A_64 = arith.constant 0 : i32
        %dma_wait3A_65 = arith.constant 0 : i32
        %dma_wait3A_66 = tpu.memref_slice %arg2[%arg0, %dma_wait3A_64, %dma_wait3A_65] : memref<2x10240x128xf32, #tpu.memory_space<hbm>> -> memref<1x10240x128xf32, #tpu.memory_space<hbm>>
        %dma_wait3A_67 = tpu.memref_squeeze %dma_wait3A_66 : memref<1x10240x128xf32, #tpu.memory_space<hbm>> -> memref<10240x128xf32, #tpu.memory_space<hbm>>
        %dma_wait3A_68 = arith.constant 0 : i32
        %dma_wait3A_69 = arith.constant 0 : i32
        %dma_wait3A_70 = tpu.memref_slice %dma_wait3A_67[%dma_wait3A_68, %dma_wait3A_69] : memref<10240x128xf32, #tpu.memory_space<hbm>> -> memref<10240x128xf32, #tpu.memory_space<hbm>>
        tpu.wait_indirect_dma semaphore(%arg13 : memref<!tpu.dma_semaphore, #tpu.memory_space<semaphore_mem>>) src(%dma_wait3A_70 : memref<10240x128xf32, #tpu.memory_space<hbm>>) dst(%arg10 : memref<128x128xf32, #tpu.memory_space<vmem>>)
        %add3A_71 = arith.constant 1 : i32
        %add3A_72 = arith.addi %add3A_33, %add3A_71 : i32
        "tpu.region"() ({
          %run_scoped3A = tpu.sem_alloc : memref<!tpu.dma_semaphore, #tpu.memory_space<semaphore_mem>>
          %dma_start3A_73 = arith.constant 0 : i32
          %dma_start3A_74 = tpu.memref_slice %arg8[%add3A_72, %dma_start3A_73] : memref<40x128xi32, #tpu.memory_space<vmem>> -> memref<1x128xi32, #tpu.memory_space<vmem>>
          %dma_start3A_75 = tpu.memref_squeeze %dma_start3A_74 : memref<1x128xi32, #tpu.memory_space<vmem>> -> memref<128xi32, #tpu.memory_space<vmem>>
          %dma_start3A_76 = arith.constant 0 : i32
          %dma_start3A_77 = arith.constant 0 : i32
          %dma_start3A_78 = tpu.memref_slice %arg11[%dma_start3A_76, %dma_start3A_77] : memref<10240x128xf32, #tpu.memory_space<vmem_shared>> -> memref<10240x128xf32, #tpu.memory_space<vmem_shared>>
          tpu.enqueue_indirect_dma source(%arg10 : memref<128x128xf32, #tpu.memory_space<vmem>>) target(%dma_start3A_78 : memref<10240x128xf32, #tpu.memory_space<vmem_shared>>) offsets(%dma_start3A_75 : memref<128xi32, #tpu.memory_space<vmem>>) semaphore(%run_scoped3A : memref<!tpu.dma_semaphore, #tpu.memory_space<semaphore_mem>>) {add = true}
          %dma_wait3A_79 = arith.constant 0 : i32
          %dma_wait3A_80 = tpu.memref_slice %arg8[%add3A_72, %dma_wait3A_79] : memref<40x128xi32, #tpu.memory_space<vmem>> -> memref<1x128xi32, #tpu.memory_space<vmem>>
          %dma_wait3A_81 = tpu.memref_squeeze %dma_wait3A_80 : memref<1x128xi32, #tpu.memory_space<vmem>> -> memref<128xi32, #tpu.memory_space<vmem>>
          %dma_wait3A_82 = arith.constant 0 : i32
          %dma_wait3A_83 = arith.constant 0 : i32
          %dma_wait3A_84 = tpu.memref_slice %arg11[%dma_wait3A_82, %dma_wait3A_83] : memref<10240x128xf32, #tpu.memory_space<vmem_shared>> -> memref<10240x128xf32, #tpu.memory_space<vmem_shared>>
          tpu.wait_indirect_dma semaphore(%run_scoped3A : memref<!tpu.dma_semaphore, #tpu.memory_space<semaphore_mem>>) src(%arg10 : memref<128x128xf32, #tpu.memory_space<vmem>>) dst(%dma_wait3A_84 : memref<10240x128xf32, #tpu.memory_space<vmem_shared>>)
          tpu.yield
        }) : () -> ()
      }
      %scan3A_28 = arith.constant 20 : i32
    }
    %scan3A_4 = arith.constant 2 : i32
    %barrier3A_5 = arith.constant 0 : index
    tpu.barrier barrier_id(%barrier3A_5)
    "tpu.region"() ({
      %run_scoped3A = tpu.sem_alloc : memref<!tpu.dma_semaphore, #tpu.memory_space<semaphore_mem>>
      %dma_start3A = arith.constant 0 : i32
      %dma_start3A_6 = arith.constant 0 : i32
      %dma_start3A_7 = tpu.memref_slice %arg6[%arg0, %dma_start3A, %dma_start3A_6] : memref<2x10240x128xf32, #tpu.memory_space<hbm>> -> memref<1x10240x128xf32, #tpu.memory_space<hbm>>
      %dma_start3A_8 = tpu.memref_squeeze %dma_start3A_7 : memref<1x10240x128xf32, #tpu.memory_space<hbm>> -> memref<10240x128xf32, #tpu.memory_space<hbm>>
      %dma_start3A_9 = arith.constant 0 : i32
      %dma_start3A_10 = tpu.memref_slice %dma_start3A_8[%mul3A_0, %dma_start3A_9] : memref<10240x128xf32, #tpu.memory_space<hbm>> -> memref<640x128xf32, #tpu.memory_space<hbm>>
      %dma_start3A_11 = arith.constant 0 : i32
      %dma_start3A_12 = tpu.memref_slice %arg11[%mul3A_0, %dma_start3A_11] : memref<10240x128xf32, #tpu.memory_space<vmem_shared>> -> memref<640x128xf32, #tpu.memory_space<vmem_shared>>
      tpu.enqueue_dma source(%dma_start3A_12 : memref<640x128xf32, #tpu.memory_space<vmem_shared>>) target(%dma_start3A_10 : memref<640x128xf32, #tpu.memory_space<hbm>>) target_semaphore(%run_scoped3A : memref<!tpu.dma_semaphore, #tpu.memory_space<semaphore_mem>>)
      %dma_wait3A = arith.constant 0 : i32
      %dma_wait3A_13 = arith.constant 0 : i32
      %dma_wait3A_14 = tpu.memref_slice %arg6[%arg0, %dma_wait3A, %dma_wait3A_13] : memref<2x10240x128xf32, #tpu.memory_space<hbm>> -> memref<1x10240x128xf32, #tpu.memory_space<hbm>>
      %dma_wait3A_15 = tpu.memref_squeeze %dma_wait3A_14 : memref<1x10240x128xf32, #tpu.memory_space<hbm>> -> memref<10240x128xf32, #tpu.memory_space<hbm>>
      %dma_wait3A_16 = arith.constant 0 : i32
      %dma_wait3A_17 = tpu.memref_slice %dma_wait3A_15[%mul3A_0, %dma_wait3A_16] : memref<10240x128xf32, #tpu.memory_space<hbm>> -> memref<640x128xf32, #tpu.memory_space<hbm>>
      %dma_wait3A_18 = arith.constant 0 : i32
      %dma_wait3A_19 = tpu.memref_slice %arg11[%mul3A_0, %dma_wait3A_18] : memref<10240x128xf32, #tpu.memory_space<vmem_shared>> -> memref<640x128xf32, #tpu.memory_space<vmem_shared>>
      tpu.wait_dma2 semaphore(%run_scoped3A : memref<!tpu.dma_semaphore, #tpu.memory_space<semaphore_mem>>) src(%dma_wait3A_19 : memref<640x128xf32, #tpu.memory_space<vmem_shared>>) dst(%dma_wait3A_17 : memref<640x128xf32, #tpu.memory_space<hbm>>)
      tpu.yield
    }) : () -> ()
    return
  }
}

#map = affine_map<(d0, d1) -> (0, 0, 0)>
#map1 = affine_map<(d0, d1) -> (0, 0)>
module attributes {stable_mosaic.version = 14 : i64} {
  func.func @deg_kernel(%arg0: i32, %arg1: i32, %arg2: memref<16x80x128xi32, #tpu.memory_space<hbm>>, %arg3: memref<128x128xf32, #tpu.memory_space<hbm>>, %arg4: memref<10240x128xf32, #tpu.memory_space<hbm>>, %arg5: memref<2x10240x128xf32, #tpu.memory_space<hbm>>, %arg6: memref<80x128xi32, #tpu.memory_space<vmem>>, %arg7: memref<128x128xf32, #tpu.memory_space<vmem>>, %arg8: memref<10240x128xf32, #tpu.memory_space<vmem_shared>>) attributes {dimension_semantics = [#tpu.dimension_semantics<core_parallel>, #tpu.dimension_semantics<subcore_parallel>], iteration_bounds = array<i64: 2, 16>, scalar_prefetch = 0 : i64, scratch_operands = 3 : i64, tpu.core_type = #tpu.core_type<sc_vector_subcore>, window_params = [{transform_indices = #map}, {transform_indices = #map1}, {transform_indices = #map1}, {transform_indices = #map}]} {
    %mul3A = arith.constant 640 : i32
    %mul3A_0 = arith.muli %arg1, %mul3A : i32
    "tpu.region"() ({
      %run_scoped3A = tpu.sem_alloc : memref<!tpu.dma_semaphore, #tpu.memory_space<semaphore_mem>>
      %dma_start3A = arith.constant 0 : i32
      %dma_start3A_8 = tpu.memref_slice %arg8[%mul3A_0, %dma_start3A] : memref<10240x128xf32, #tpu.memory_space<vmem_shared>> -> memref<640x128xf32, #tpu.memory_space<vmem_shared>>
      %dma_start3A_9 = arith.constant 0 : i32
      %dma_start3A_10 = tpu.memref_slice %arg4[%mul3A_0, %dma_start3A_9] : memref<10240x128xf32, #tpu.memory_space<hbm>> -> memref<640x128xf32, #tpu.memory_space<hbm>>
      tpu.enqueue_dma source(%dma_start3A_10 : memref<640x128xf32, #tpu.memory_space<hbm>>) target(%dma_start3A_8 : memref<640x128xf32, #tpu.memory_space<vmem_shared>>) target_semaphore(%run_scoped3A : memref<!tpu.dma_semaphore, #tpu.memory_space<semaphore_mem>>)
      %dma_wait3A = arith.constant 0 : i32
      %dma_wait3A_11 = tpu.memref_slice %arg8[%mul3A_0, %dma_wait3A] : memref<10240x128xf32, #tpu.memory_space<vmem_shared>> -> memref<640x128xf32, #tpu.memory_space<vmem_shared>>
      %dma_wait3A_12 = arith.constant 0 : i32
      %dma_wait3A_13 = tpu.memref_slice %arg4[%mul3A_0, %dma_wait3A_12] : memref<10240x128xf32, #tpu.memory_space<hbm>> -> memref<640x128xf32, #tpu.memory_space<hbm>>
      tpu.wait_dma2 semaphore(%run_scoped3A : memref<!tpu.dma_semaphore, #tpu.memory_space<semaphore_mem>>) src(%dma_wait3A_13 : memref<640x128xf32, #tpu.memory_space<hbm>>) dst(%dma_wait3A_11 : memref<640x128xf32, #tpu.memory_space<vmem_shared>>)
      tpu.yield
    }) : () -> ()
    "tpu.region"() ({
      %run_scoped3A = tpu.sem_alloc : memref<!tpu.dma_semaphore, #tpu.memory_space<semaphore_mem>>
      tpu.enqueue_dma source(%arg3 : memref<128x128xf32, #tpu.memory_space<hbm>>) target(%arg7 : memref<128x128xf32, #tpu.memory_space<vmem>>) target_semaphore(%run_scoped3A : memref<!tpu.dma_semaphore, #tpu.memory_space<semaphore_mem>>)
      tpu.wait_dma2 semaphore(%run_scoped3A : memref<!tpu.dma_semaphore, #tpu.memory_space<semaphore_mem>>) src(%arg3 : memref<128x128xf32, #tpu.memory_space<hbm>>) dst(%arg7 : memref<128x128xf32, #tpu.memory_space<vmem>>)
      tpu.yield
    }) : () -> ()
    "tpu.region"() ({
      %run_scoped3A = tpu.sem_alloc : memref<!tpu.dma_semaphore, #tpu.memory_space<semaphore_mem>>
      %dma_start3A = arith.constant 0 : i32
      %dma_start3A_8 = arith.constant 0 : i32
      %dma_start3A_9 = tpu.memref_slice %arg2[%arg1, %dma_start3A, %dma_start3A_8] : memref<16x80x128xi32, #tpu.memory_space<hbm>> -> memref<1x80x128xi32, #tpu.memory_space<hbm>>
      %dma_start3A_10 = tpu.memref_squeeze %dma_start3A_9 : memref<1x80x128xi32, #tpu.memory_space<hbm>> -> memref<80x128xi32, #tpu.memory_space<hbm>>
      %dma_start3A_11 = arith.constant 0 : i32
      %dma_start3A_12 = arith.constant 0 : i32
      %dma_start3A_13 = tpu.memref_slice %arg2[%arg1, %dma_start3A_11, %dma_start3A_12] : memref<16x80x128xi32, #tpu.memory_space<hbm>> -> memref<1x80x128xi32, #tpu.memory_space<hbm>>
      %dma_start3A_14 = tpu.memref_squeeze %dma_start3A_13 : memref<1x80x128xi32, #tpu.memory_space<hbm>> -> memref<80x128xi32, #tpu.memory_space<hbm>>
      tpu.enqueue_dma source(%dma_start3A_14 : memref<80x128xi32, #tpu.memory_space<hbm>>) target(%arg6 : memref<80x128xi32, #tpu.memory_space<vmem>>) target_semaphore(%run_scoped3A : memref<!tpu.dma_semaphore, #tpu.memory_space<semaphore_mem>>)
      %dma_wait3A = arith.constant 0 : i32
      %dma_wait3A_15 = arith.constant 0 : i32
      %dma_wait3A_16 = tpu.memref_slice %arg2[%arg1, %dma_wait3A, %dma_wait3A_15] : memref<16x80x128xi32, #tpu.memory_space<hbm>> -> memref<1x80x128xi32, #tpu.memory_space<hbm>>
      %dma_wait3A_17 = tpu.memref_squeeze %dma_wait3A_16 : memref<1x80x128xi32, #tpu.memory_space<hbm>> -> memref<80x128xi32, #tpu.memory_space<hbm>>
      %dma_wait3A_18 = arith.constant 0 : i32
      %dma_wait3A_19 = arith.constant 0 : i32
      %dma_wait3A_20 = tpu.memref_slice %arg2[%arg1, %dma_wait3A_18, %dma_wait3A_19] : memref<16x80x128xi32, #tpu.memory_space<hbm>> -> memref<1x80x128xi32, #tpu.memory_space<hbm>>
      %dma_wait3A_21 = tpu.memref_squeeze %dma_wait3A_20 : memref<1x80x128xi32, #tpu.memory_space<hbm>> -> memref<80x128xi32, #tpu.memory_space<hbm>>
      tpu.wait_dma2 semaphore(%run_scoped3A : memref<!tpu.dma_semaphore, #tpu.memory_space<semaphore_mem>>) src(%dma_wait3A_21 : memref<80x128xi32, #tpu.memory_space<hbm>>) dst(%arg6 : memref<80x128xi32, #tpu.memory_space<vmem>>)
      tpu.yield
    }) : () -> ()
    %barrier3A = arith.constant 0 : index
    tpu.barrier barrier_id(%barrier3A)
    %mul3A_1 = arith.constant 40 : i32
    %mul3A_2 = arith.muli %arg0, %mul3A_1 : i32
    %scan3A = arith.constant 0 : i32
    %scan3A_3 = arith.constant 40 : i32
    %scan3A_4 = arith.addi %scan3A, %scan3A_3 : i32
    %scan3A_5 = arith.constant 1 : i32
    scf.for %scan3A_8 = %scan3A to %scan3A_4 step %scan3A_5  : i32 {
      %mul3A_9 = arith.constant 1 : i32
      %mul3A_10 = arith.muli %scan3A_8, %mul3A_9 : i32
      %add3A = arith.constant 0 : i32
      %add3A_11 = arith.addi %add3A, %mul3A_10 : i32
      %add3A_12 = arith.addi %mul3A_2, %add3A_11 : i32
      "tpu.region"() ({
        %run_scoped3A = tpu.sem_alloc : memref<!tpu.dma_semaphore, #tpu.memory_space<semaphore_mem>>
        %dma_start3A = arith.constant 0 : i32
        %dma_start3A_13 = tpu.memref_slice %arg6[%add3A_12, %dma_start3A] : memref<80x128xi32, #tpu.memory_space<vmem>> -> memref<1x128xi32, #tpu.memory_space<vmem>>
        %dma_start3A_14 = tpu.memref_squeeze %dma_start3A_13 : memref<1x128xi32, #tpu.memory_space<vmem>> -> memref<128xi32, #tpu.memory_space<vmem>>
        %dma_start3A_15 = arith.constant 0 : i32
        %dma_start3A_16 = arith.constant 0 : i32
        %dma_start3A_17 = tpu.memref_slice %arg8[%dma_start3A_15, %dma_start3A_16] : memref<10240x128xf32, #tpu.memory_space<vmem_shared>> -> memref<10240x128xf32, #tpu.memory_space<vmem_shared>>
        tpu.enqueue_indirect_dma source(%arg7 : memref<128x128xf32, #tpu.memory_space<vmem>>) target(%dma_start3A_17 : memref<10240x128xf32, #tpu.memory_space<vmem_shared>>) offsets(%dma_start3A_14 : memref<128xi32, #tpu.memory_space<vmem>>) semaphore(%run_scoped3A : memref<!tpu.dma_semaphore, #tpu.memory_space<semaphore_mem>>) {add = true}
        %dma_wait3A = arith.constant 0 : i32
        %dma_wait3A_18 = tpu.memref_slice %arg6[%add3A_12, %dma_wait3A] : memref<80x128xi32, #tpu.memory_space<vmem>> -> memref<1x128xi32, #tpu.memory_space<vmem>>
        %dma_wait3A_19 = tpu.memref_squeeze %dma_wait3A_18 : memref<1x128xi32, #tpu.memory_space<vmem>> -> memref<128xi32, #tpu.memory_space<vmem>>
        %dma_wait3A_20 = arith.constant 0 : i32
        %dma_wait3A_21 = arith.constant 0 : i32
        %dma_wait3A_22 = tpu.memref_slice %arg8[%dma_wait3A_20, %dma_wait3A_21] : memref<10240x128xf32, #tpu.memory_space<vmem_shared>> -> memref<10240x128xf32, #tpu.memory_space<vmem_shared>>
        tpu.wait_indirect_dma semaphore(%run_scoped3A : memref<!tpu.dma_semaphore, #tpu.memory_space<semaphore_mem>>) src(%arg7 : memref<128x128xf32, #tpu.memory_space<vmem>>) dst(%dma_wait3A_22 : memref<10240x128xf32, #tpu.memory_space<vmem_shared>>)
        tpu.yield
      }) : () -> ()
    }
    %scan3A_6 = arith.constant 40 : i32
    %barrier3A_7 = arith.constant 0 : index
    tpu.barrier barrier_id(%barrier3A_7)
    "tpu.region"() ({
      %run_scoped3A = tpu.sem_alloc : memref<!tpu.dma_semaphore, #tpu.memory_space<semaphore_mem>>
      %dma_start3A = arith.constant 0 : i32
      %dma_start3A_8 = arith.constant 0 : i32
      %dma_start3A_9 = tpu.memref_slice %arg5[%arg0, %dma_start3A, %dma_start3A_8] : memref<2x10240x128xf32, #tpu.memory_space<hbm>> -> memref<1x10240x128xf32, #tpu.memory_space<hbm>>
      %dma_start3A_10 = tpu.memref_squeeze %dma_start3A_9 : memref<1x10240x128xf32, #tpu.memory_space<hbm>> -> memref<10240x128xf32, #tpu.memory_space<hbm>>
      %dma_start3A_11 = arith.constant 0 : i32
      %dma_start3A_12 = tpu.memref_slice %dma_start3A_10[%mul3A_0, %dma_start3A_11] : memref<10240x128xf32, #tpu.memory_space<hbm>> -> memref<640x128xf32, #tpu.memory_space<hbm>>
      %dma_start3A_13 = arith.constant 0 : i32
      %dma_start3A_14 = tpu.memref_slice %arg8[%mul3A_0, %dma_start3A_13] : memref<10240x128xf32, #tpu.memory_space<vmem_shared>> -> memref<640x128xf32, #tpu.memory_space<vmem_shared>>
      tpu.enqueue_dma source(%dma_start3A_14 : memref<640x128xf32, #tpu.memory_space<vmem_shared>>) target(%dma_start3A_12 : memref<640x128xf32, #tpu.memory_space<hbm>>) target_semaphore(%run_scoped3A : memref<!tpu.dma_semaphore, #tpu.memory_space<semaphore_mem>>)
      %dma_wait3A = arith.constant 0 : i32
      %dma_wait3A_15 = arith.constant 0 : i32
      %dma_wait3A_16 = tpu.memref_slice %arg5[%arg0, %dma_wait3A, %dma_wait3A_15] : memref<2x10240x128xf32, #tpu.memory_space<hbm>> -> memref<1x10240x128xf32, #tpu.memory_space<hbm>>
      %dma_wait3A_17 = tpu.memref_squeeze %dma_wait3A_16 : memref<1x10240x128xf32, #tpu.memory_space<hbm>> -> memref<10240x128xf32, #tpu.memory_space<hbm>>
      %dma_wait3A_18 = arith.constant 0 : i32
      %dma_wait3A_19 = tpu.memref_slice %dma_wait3A_17[%mul3A_0, %dma_wait3A_18] : memref<10240x128xf32, #tpu.memory_space<hbm>> -> memref<640x128xf32, #tpu.memory_space<hbm>>
      %dma_wait3A_20 = arith.constant 0 : i32
      %dma_wait3A_21 = tpu.memref_slice %arg8[%mul3A_0, %dma_wait3A_20] : memref<10240x128xf32, #tpu.memory_space<vmem_shared>> -> memref<640x128xf32, #tpu.memory_space<vmem_shared>>
      tpu.wait_dma2 semaphore(%run_scoped3A : memref<!tpu.dma_semaphore, #tpu.memory_space<semaphore_mem>>) src(%dma_wait3A_21 : memref<640x128xf32, #tpu.memory_space<vmem_shared>>) dst(%dma_wait3A_19 : memref<640x128xf32, #tpu.memory_space<hbm>>)
      tpu.yield
    }) : () -> ()
    return
  }
}

#map = affine_map<(d0, d1) -> (0, 0, 0)>
#map1 = affine_map<(d0, d1) -> (0, 0)>
module attributes {stable_mosaic.version = 14 : i64} {
  func.func @spmm_kernel(%arg0: i32, %arg1: i32, %arg2: memref<2x10240x128xf32, #tpu.memory_space<hbm>>, %arg3: memref<16x80x128xi32, #tpu.memory_space<hbm>>, %arg4: memref<16x80x128xi32, #tpu.memory_space<hbm>>, %arg5: memref<10240x128xf32, #tpu.memory_space<hbm>>, %arg6: memref<2x10240x128xf32, #tpu.memory_space<hbm>>, %arg7: memref<40x128xi32, #tpu.memory_space<vmem>>, %arg8: memref<40x128xi32, #tpu.memory_space<vmem>>, %arg9: memref<128x128xf32, #tpu.memory_space<vmem>>, %arg10: memref<128x128xf32, #tpu.memory_space<vmem>>, %arg11: memref<10240x128xf32, #tpu.memory_space<vmem_shared>>, %arg12: memref<!tpu.dma_semaphore, #tpu.memory_space<semaphore_mem>>, %arg13: memref<!tpu.dma_semaphore, #tpu.memory_space<semaphore_mem>>, %arg14: memref<!tpu.dma_semaphore, #tpu.memory_space<semaphore_mem>>, %arg15: memref<!tpu.dma_semaphore, #tpu.memory_space<semaphore_mem>>) attributes {dimension_semantics = [#tpu.dimension_semantics<core_parallel>, #tpu.dimension_semantics<subcore_parallel>], iteration_bounds = array<i64: 2, 16>, scalar_prefetch = 0 : i64, scratch_operands = 9 : i64, tpu.core_type = #tpu.core_type<sc_vector_subcore>, window_params = [{transform_indices = #map}, {transform_indices = #map}, {transform_indices = #map}, {transform_indices = #map1}, {transform_indices = #map}]} {
    %mul3A = arith.constant 640 : i32
    %mul3A_0 = arith.muli %arg1, %mul3A : i32
    "tpu.region"() ({
      %run_scoped3A = tpu.sem_alloc : memref<!tpu.dma_semaphore, #tpu.memory_space<semaphore_mem>>
      %dma_start3A = arith.constant 0 : i32
      %dma_start3A_6 = tpu.memref_slice %arg11[%mul3A_0, %dma_start3A] : memref<10240x128xf32, #tpu.memory_space<vmem_shared>> -> memref<640x128xf32, #tpu.memory_space<vmem_shared>>
      %dma_start3A_7 = arith.constant 0 : i32
      %dma_start3A_8 = tpu.memref_slice %arg5[%mul3A_0, %dma_start3A_7] : memref<10240x128xf32, #tpu.memory_space<hbm>> -> memref<640x128xf32, #tpu.memory_space<hbm>>
      tpu.enqueue_dma source(%dma_start3A_8 : memref<640x128xf32, #tpu.memory_space<hbm>>) target(%dma_start3A_6 : memref<640x128xf32, #tpu.memory_space<vmem_shared>>) target_semaphore(%run_scoped3A : memref<!tpu.dma_semaphore, #tpu.memory_space<semaphore_mem>>)
      %dma_wait3A = arith.constant 0 : i32
      %dma_wait3A_9 = tpu.memref_slice %arg11[%mul3A_0, %dma_wait3A] : memref<10240x128xf32, #tpu.memory_space<vmem_shared>> -> memref<640x128xf32, #tpu.memory_space<vmem_shared>>
      %dma_wait3A_10 = arith.constant 0 : i32
      %dma_wait3A_11 = tpu.memref_slice %arg5[%mul3A_0, %dma_wait3A_10] : memref<10240x128xf32, #tpu.memory_space<hbm>> -> memref<640x128xf32, #tpu.memory_space<hbm>>
      tpu.wait_dma2 semaphore(%run_scoped3A : memref<!tpu.dma_semaphore, #tpu.memory_space<semaphore_mem>>) src(%dma_wait3A_11 : memref<640x128xf32, #tpu.memory_space<hbm>>) dst(%dma_wait3A_9 : memref<640x128xf32, #tpu.memory_space<vmem_shared>>)
      tpu.yield
    }) : () -> ()
    %barrier3A = arith.constant 0 : index
    tpu.barrier barrier_id(%barrier3A)
    %scan3A = arith.constant 0 : i32
    %scan3A_1 = arith.constant 2 : i32
    %scan3A_2 = arith.addi %scan3A, %scan3A_1 : i32
    %scan3A_3 = arith.constant 1 : i32
    scf.for %scan3A_6 = %scan3A to %scan3A_2 step %scan3A_3  : i32 {
      %mul3A_7 = arith.constant 1 : i32
      %mul3A_8 = arith.muli %scan3A_6, %mul3A_7 : i32
      %add3A = arith.constant 0 : i32
      %add3A_9 = arith.addi %add3A, %mul3A_8 : i32
      %mul3A_10 = arith.constant 40 : i32
      %mul3A_11 = arith.muli %add3A_9, %mul3A_10 : i32
      "tpu.region"() ({
        %run_scoped3A = tpu.sem_alloc : memref<!tpu.dma_semaphore, #tpu.memory_space<semaphore_mem>>
        %dma_start3A_29 = arith.constant 0 : i32
        %dma_start3A_30 = arith.constant 0 : i32
        %dma_start3A_31 = tpu.memref_slice %arg3[%arg1, %dma_start3A_29, %dma_start3A_30] : memref<16x80x128xi32, #tpu.memory_space<hbm>> -> memref<1x80x128xi32, #tpu.memory_space<hbm>>
        %dma_start3A_32 = tpu.memref_squeeze %dma_start3A_31 : memref<1x80x128xi32, #tpu.memory_space<hbm>> -> memref<80x128xi32, #tpu.memory_space<hbm>>
        %dma_start3A_33 = arith.constant 0 : i32
        %dma_start3A_34 = tpu.memref_slice %dma_start3A_32[%mul3A_11, %dma_start3A_33] : memref<80x128xi32, #tpu.memory_space<hbm>> -> memref<40x128xi32, #tpu.memory_space<hbm>>
        %dma_start3A_35 = arith.constant 0 : i32
        %dma_start3A_36 = arith.constant 0 : i32
        %dma_start3A_37 = tpu.memref_slice %arg3[%arg1, %dma_start3A_35, %dma_start3A_36] : memref<16x80x128xi32, #tpu.memory_space<hbm>> -> memref<1x80x128xi32, #tpu.memory_space<hbm>>
        %dma_start3A_38 = tpu.memref_squeeze %dma_start3A_37 : memref<1x80x128xi32, #tpu.memory_space<hbm>> -> memref<80x128xi32, #tpu.memory_space<hbm>>
        %dma_start3A_39 = arith.constant 0 : i32
        %dma_start3A_40 = tpu.memref_slice %dma_start3A_38[%mul3A_11, %dma_start3A_39] : memref<80x128xi32, #tpu.memory_space<hbm>> -> memref<40x128xi32, #tpu.memory_space<hbm>>
        tpu.enqueue_dma source(%dma_start3A_40 : memref<40x128xi32, #tpu.memory_space<hbm>>) target(%arg7 : memref<40x128xi32, #tpu.memory_space<vmem>>) target_semaphore(%run_scoped3A : memref<!tpu.dma_semaphore, #tpu.memory_space<semaphore_mem>>)
        %dma_wait3A = arith.constant 0 : i32
        %dma_wait3A_41 = arith.constant 0 : i32
        %dma_wait3A_42 = tpu.memref_slice %arg3[%arg1, %dma_wait3A, %dma_wait3A_41] : memref<16x80x128xi32, #tpu.memory_space<hbm>> -> memref<1x80x128xi32, #tpu.memory_space<hbm>>
        %dma_wait3A_43 = tpu.memref_squeeze %dma_wait3A_42 : memref<1x80x128xi32, #tpu.memory_space<hbm>> -> memref<80x128xi32, #tpu.memory_space<hbm>>
        %dma_wait3A_44 = arith.constant 0 : i32
        %dma_wait3A_45 = tpu.memref_slice %dma_wait3A_43[%mul3A_11, %dma_wait3A_44] : memref<80x128xi32, #tpu.memory_space<hbm>> -> memref<40x128xi32, #tpu.memory_space<hbm>>
        %dma_wait3A_46 = arith.constant 0 : i32
        %dma_wait3A_47 = arith.constant 0 : i32
        %dma_wait3A_48 = tpu.memref_slice %arg3[%arg1, %dma_wait3A_46, %dma_wait3A_47] : memref<16x80x128xi32, #tpu.memory_space<hbm>> -> memref<1x80x128xi32, #tpu.memory_space<hbm>>
        %dma_wait3A_49 = tpu.memref_squeeze %dma_wait3A_48 : memref<1x80x128xi32, #tpu.memory_space<hbm>> -> memref<80x128xi32, #tpu.memory_space<hbm>>
        %dma_wait3A_50 = arith.constant 0 : i32
        %dma_wait3A_51 = tpu.memref_slice %dma_wait3A_49[%mul3A_11, %dma_wait3A_50] : memref<80x128xi32, #tpu.memory_space<hbm>> -> memref<40x128xi32, #tpu.memory_space<hbm>>
        tpu.wait_dma2 semaphore(%run_scoped3A : memref<!tpu.dma_semaphore, #tpu.memory_space<semaphore_mem>>) src(%dma_wait3A_51 : memref<40x128xi32, #tpu.memory_space<hbm>>) dst(%arg7 : memref<40x128xi32, #tpu.memory_space<vmem>>)
        tpu.yield
      }) : () -> ()
      %mul3A_12 = arith.constant 40 : i32
      %mul3A_13 = arith.muli %add3A_9, %mul3A_12 : i32
      "tpu.region"() ({
        %run_scoped3A = tpu.sem_alloc : memref<!tpu.dma_semaphore, #tpu.memory_space<semaphore_mem>>
        %dma_start3A_29 = arith.constant 0 : i32
        %dma_start3A_30 = arith.constant 0 : i32
        %dma_start3A_31 = tpu.memref_slice %arg4[%arg1, %dma_start3A_29, %dma_start3A_30] : memref<16x80x128xi32, #tpu.memory_space<hbm>> -> memref<1x80x128xi32, #tpu.memory_space<hbm>>
        %dma_start3A_32 = tpu.memref_squeeze %dma_start3A_31 : memref<1x80x128xi32, #tpu.memory_space<hbm>> -> memref<80x128xi32, #tpu.memory_space<hbm>>
        %dma_start3A_33 = arith.constant 0 : i32
        %dma_start3A_34 = tpu.memref_slice %dma_start3A_32[%mul3A_13, %dma_start3A_33] : memref<80x128xi32, #tpu.memory_space<hbm>> -> memref<40x128xi32, #tpu.memory_space<hbm>>
        %dma_start3A_35 = arith.constant 0 : i32
        %dma_start3A_36 = arith.constant 0 : i32
        %dma_start3A_37 = tpu.memref_slice %arg4[%arg1, %dma_start3A_35, %dma_start3A_36] : memref<16x80x128xi32, #tpu.memory_space<hbm>> -> memref<1x80x128xi32, #tpu.memory_space<hbm>>
        %dma_start3A_38 = tpu.memref_squeeze %dma_start3A_37 : memref<1x80x128xi32, #tpu.memory_space<hbm>> -> memref<80x128xi32, #tpu.memory_space<hbm>>
        %dma_start3A_39 = arith.constant 0 : i32
        %dma_start3A_40 = tpu.memref_slice %dma_start3A_38[%mul3A_13, %dma_start3A_39] : memref<80x128xi32, #tpu.memory_space<hbm>> -> memref<40x128xi32, #tpu.memory_space<hbm>>
        tpu.enqueue_dma source(%dma_start3A_40 : memref<40x128xi32, #tpu.memory_space<hbm>>) target(%arg8 : memref<40x128xi32, #tpu.memory_space<vmem>>) target_semaphore(%run_scoped3A : memref<!tpu.dma_semaphore, #tpu.memory_space<semaphore_mem>>)
        %dma_wait3A = arith.constant 0 : i32
        %dma_wait3A_41 = arith.constant 0 : i32
        %dma_wait3A_42 = tpu.memref_slice %arg4[%arg1, %dma_wait3A, %dma_wait3A_41] : memref<16x80x128xi32, #tpu.memory_space<hbm>> -> memref<1x80x128xi32, #tpu.memory_space<hbm>>
        %dma_wait3A_43 = tpu.memref_squeeze %dma_wait3A_42 : memref<1x80x128xi32, #tpu.memory_space<hbm>> -> memref<80x128xi32, #tpu.memory_space<hbm>>
        %dma_wait3A_44 = arith.constant 0 : i32
        %dma_wait3A_45 = tpu.memref_slice %dma_wait3A_43[%mul3A_13, %dma_wait3A_44] : memref<80x128xi32, #tpu.memory_space<hbm>> -> memref<40x128xi32, #tpu.memory_space<hbm>>
        %dma_wait3A_46 = arith.constant 0 : i32
        %dma_wait3A_47 = arith.constant 0 : i32
        %dma_wait3A_48 = tpu.memref_slice %arg4[%arg1, %dma_wait3A_46, %dma_wait3A_47] : memref<16x80x128xi32, #tpu.memory_space<hbm>> -> memref<1x80x128xi32, #tpu.memory_space<hbm>>
        %dma_wait3A_49 = tpu.memref_squeeze %dma_wait3A_48 : memref<1x80x128xi32, #tpu.memory_space<hbm>> -> memref<80x128xi32, #tpu.memory_space<hbm>>
        %dma_wait3A_50 = arith.constant 0 : i32
        %dma_wait3A_51 = tpu.memref_slice %dma_wait3A_49[%mul3A_13, %dma_wait3A_50] : memref<80x128xi32, #tpu.memory_space<hbm>> -> memref<40x128xi32, #tpu.memory_space<hbm>>
        tpu.wait_dma2 semaphore(%run_scoped3A : memref<!tpu.dma_semaphore, #tpu.memory_space<semaphore_mem>>) src(%dma_wait3A_51 : memref<40x128xi32, #tpu.memory_space<hbm>>) dst(%arg8 : memref<40x128xi32, #tpu.memory_space<vmem>>)
        tpu.yield
      }) : () -> ()
      %dma_start3A = arith.constant 0 : i32
      %dma_start3A_14 = arith.constant 0 : i32
      %dma_start3A_15 = tpu.memref_slice %arg7[%dma_start3A, %dma_start3A_14] : memref<40x128xi32, #tpu.memory_space<vmem>> -> memref<1x128xi32, #tpu.memory_space<vmem>>
      %dma_start3A_16 = tpu.memref_squeeze %dma_start3A_15 : memref<1x128xi32, #tpu.memory_space<vmem>> -> memref<128xi32, #tpu.memory_space<vmem>>
      %dma_start3A_17 = arith.constant 0 : i32
      %dma_start3A_18 = arith.constant 0 : i32
      %dma_start3A_19 = tpu.memref_slice %arg2[%arg0, %dma_start3A_17, %dma_start3A_18] : memref<2x10240x128xf32, #tpu.memory_space<hbm>> -> memref<1x10240x128xf32, #tpu.memory_space<hbm>>
      %dma_start3A_20 = tpu.memref_squeeze %dma_start3A_19 : memref<1x10240x128xf32, #tpu.memory_space<hbm>> -> memref<10240x128xf32, #tpu.memory_space<hbm>>
      %dma_start3A_21 = arith.constant 0 : i32
      %dma_start3A_22 = arith.constant 0 : i32
      %dma_start3A_23 = tpu.memref_slice %dma_start3A_20[%dma_start3A_21, %dma_start3A_22] : memref<10240x128xf32, #tpu.memory_space<hbm>> -> memref<10240x128xf32, #tpu.memory_space<hbm>>
      tpu.enqueue_indirect_dma source(%dma_start3A_23 : memref<10240x128xf32, #tpu.memory_space<hbm>>) target(%arg9 : memref<128x128xf32, #tpu.memory_space<vmem>>) offsets(%dma_start3A_16 : memref<128xi32, #tpu.memory_space<vmem>>) semaphore(%arg12 : memref<!tpu.dma_semaphore, #tpu.memory_space<semaphore_mem>>)
      %scan3A_24 = arith.constant 0 : i32
      %scan3A_25 = arith.constant 20 : i32
      %scan3A_26 = arith.addi %scan3A_24, %scan3A_25 : i32
      %scan3A_27 = arith.constant 1 : i32
      scf.for %scan3A_29 = %scan3A_24 to %scan3A_26 step %scan3A_27  : i32 {
        %mul3A_30 = arith.constant 2 : i32
        %mul3A_31 = arith.muli %scan3A_29, %mul3A_30 : i32
        %add3A_32 = arith.constant 0 : i32
        %add3A_33 = arith.addi %add3A_32, %mul3A_31 : i32
        %add3A_34 = arith.constant 1 : i32
        %add3A_35 = arith.addi %add3A_33, %add3A_34 : i32
        %dma_start3A_36 = arith.constant 0 : i32
        %dma_start3A_37 = tpu.memref_slice %arg7[%add3A_35, %dma_start3A_36] : memref<40x128xi32, #tpu.memory_space<vmem>> -> memref<1x128xi32, #tpu.memory_space<vmem>>
        %dma_start3A_38 = tpu.memref_squeeze %dma_start3A_37 : memref<1x128xi32, #tpu.memory_space<vmem>> -> memref<128xi32, #tpu.memory_space<vmem>>
        %dma_start3A_39 = arith.constant 0 : i32
        %dma_start3A_40 = arith.constant 0 : i32
        %dma_start3A_41 = tpu.memref_slice %arg2[%arg0, %dma_start3A_39, %dma_start3A_40] : memref<2x10240x128xf32, #tpu.memory_space<hbm>> -> memref<1x10240x128xf32, #tpu.memory_space<hbm>>
        %dma_start3A_42 = tpu.memref_squeeze %dma_start3A_41 : memref<1x10240x128xf32, #tpu.memory_space<hbm>> -> memref<10240x128xf32, #tpu.memory_space<hbm>>
        %dma_start3A_43 = arith.constant 0 : i32
        %dma_start3A_44 = arith.constant 0 : i32
        %dma_start3A_45 = tpu.memref_slice %dma_start3A_42[%dma_start3A_43, %dma_start3A_44] : memref<10240x128xf32, #tpu.memory_space<hbm>> -> memref<10240x128xf32, #tpu.memory_space<hbm>>
        tpu.enqueue_indirect_dma source(%dma_start3A_45 : memref<10240x128xf32, #tpu.memory_space<hbm>>) target(%arg10 : memref<128x128xf32, #tpu.memory_space<vmem>>) offsets(%dma_start3A_38 : memref<128xi32, #tpu.memory_space<vmem>>) semaphore(%arg13 : memref<!tpu.dma_semaphore, #tpu.memory_space<semaphore_mem>>)
        %dma_wait3A = arith.constant 0 : i32
        %dma_wait3A_46 = tpu.memref_slice %arg7[%add3A_33, %dma_wait3A] : memref<40x128xi32, #tpu.memory_space<vmem>> -> memref<1x128xi32, #tpu.memory_space<vmem>>
        %dma_wait3A_47 = tpu.memref_squeeze %dma_wait3A_46 : memref<1x128xi32, #tpu.memory_space<vmem>> -> memref<128xi32, #tpu.memory_space<vmem>>
        %dma_wait3A_48 = arith.constant 0 : i32
        %dma_wait3A_49 = arith.constant 0 : i32
        %dma_wait3A_50 = tpu.memref_slice %arg2[%arg0, %dma_wait3A_48, %dma_wait3A_49] : memref<2x10240x128xf32, #tpu.memory_space<hbm>> -> memref<1x10240x128xf32, #tpu.memory_space<hbm>>
        %dma_wait3A_51 = tpu.memref_squeeze %dma_wait3A_50 : memref<1x10240x128xf32, #tpu.memory_space<hbm>> -> memref<10240x128xf32, #tpu.memory_space<hbm>>
        %dma_wait3A_52 = arith.constant 0 : i32
        %dma_wait3A_53 = arith.constant 0 : i32
        %dma_wait3A_54 = tpu.memref_slice %dma_wait3A_51[%dma_wait3A_52, %dma_wait3A_53] : memref<10240x128xf32, #tpu.memory_space<hbm>> -> memref<10240x128xf32, #tpu.memory_space<hbm>>
        tpu.wait_indirect_dma semaphore(%arg12 : memref<!tpu.dma_semaphore, #tpu.memory_space<semaphore_mem>>) src(%dma_wait3A_54 : memref<10240x128xf32, #tpu.memory_space<hbm>>) dst(%arg9 : memref<128x128xf32, #tpu.memory_space<vmem>>)
        "tpu.region"() ({
          %run_scoped3A = tpu.sem_alloc : memref<!tpu.dma_semaphore, #tpu.memory_space<semaphore_mem>>
          %dma_start3A_73 = arith.constant 0 : i32
          %dma_start3A_74 = tpu.memref_slice %arg8[%add3A_33, %dma_start3A_73] : memref<40x128xi32, #tpu.memory_space<vmem>> -> memref<1x128xi32, #tpu.memory_space<vmem>>
          %dma_start3A_75 = tpu.memref_squeeze %dma_start3A_74 : memref<1x128xi32, #tpu.memory_space<vmem>> -> memref<128xi32, #tpu.memory_space<vmem>>
          %dma_start3A_76 = arith.constant 0 : i32
          %dma_start3A_77 = arith.constant 0 : i32
          %dma_start3A_78 = tpu.memref_slice %arg11[%dma_start3A_76, %dma_start3A_77] : memref<10240x128xf32, #tpu.memory_space<vmem_shared>> -> memref<10240x128xf32, #tpu.memory_space<vmem_shared>>
          tpu.enqueue_indirect_dma source(%arg9 : memref<128x128xf32, #tpu.memory_space<vmem>>) target(%dma_start3A_78 : memref<10240x128xf32, #tpu.memory_space<vmem_shared>>) offsets(%dma_start3A_75 : memref<128xi32, #tpu.memory_space<vmem>>) semaphore(%run_scoped3A : memref<!tpu.dma_semaphore, #tpu.memory_space<semaphore_mem>>) {add = true}
          %dma_wait3A_79 = arith.constant 0 : i32
          %dma_wait3A_80 = tpu.memref_slice %arg8[%add3A_33, %dma_wait3A_79] : memref<40x128xi32, #tpu.memory_space<vmem>> -> memref<1x128xi32, #tpu.memory_space<vmem>>
          %dma_wait3A_81 = tpu.memref_squeeze %dma_wait3A_80 : memref<1x128xi32, #tpu.memory_space<vmem>> -> memref<128xi32, #tpu.memory_space<vmem>>
          %dma_wait3A_82 = arith.constant 0 : i32
          %dma_wait3A_83 = arith.constant 0 : i32
          %dma_wait3A_84 = tpu.memref_slice %arg11[%dma_wait3A_82, %dma_wait3A_83] : memref<10240x128xf32, #tpu.memory_space<vmem_shared>> -> memref<10240x128xf32, #tpu.memory_space<vmem_shared>>
          tpu.wait_indirect_dma semaphore(%run_scoped3A : memref<!tpu.dma_semaphore, #tpu.memory_space<semaphore_mem>>) src(%arg9 : memref<128x128xf32, #tpu.memory_space<vmem>>) dst(%dma_wait3A_84 : memref<10240x128xf32, #tpu.memory_space<vmem_shared>>)
          tpu.yield
        }) : () -> ()
        %add3A_55 = arith.constant 2 : i32
        %add3A_56 = arith.addi %add3A_33, %add3A_55 : i32
        %lt3A = arith.constant 40 : i32
        %lt3A_57 = arith.cmpi slt, %add3A_56, %lt3A : i32
        %convert_element_type3A = arith.extui %lt3A_57 : i1 to i32
        %cond3A = arith.constant 0 : i32
        %cond3A_58 = arith.cmpi ne, %convert_element_type3A, %cond3A : i32
        scf.if %cond3A_58 {
          %add3A_73 = arith.constant 2 : i32
          %add3A_74 = arith.addi %add3A_33, %add3A_73 : i32
          %dma_start3A_75 = arith.constant 0 : i32
          %dma_start3A_76 = tpu.memref_slice %arg7[%add3A_74, %dma_start3A_75] : memref<40x128xi32, #tpu.memory_space<vmem>> -> memref<1x128xi32, #tpu.memory_space<vmem>>
          %dma_start3A_77 = tpu.memref_squeeze %dma_start3A_76 : memref<1x128xi32, #tpu.memory_space<vmem>> -> memref<128xi32, #tpu.memory_space<vmem>>
          %dma_start3A_78 = arith.constant 0 : i32
          %dma_start3A_79 = arith.constant 0 : i32
          %dma_start3A_80 = tpu.memref_slice %arg2[%arg0, %dma_start3A_78, %dma_start3A_79] : memref<2x10240x128xf32, #tpu.memory_space<hbm>> -> memref<1x10240x128xf32, #tpu.memory_space<hbm>>
          %dma_start3A_81 = tpu.memref_squeeze %dma_start3A_80 : memref<1x10240x128xf32, #tpu.memory_space<hbm>> -> memref<10240x128xf32, #tpu.memory_space<hbm>>
          %dma_start3A_82 = arith.constant 0 : i32
          %dma_start3A_83 = arith.constant 0 : i32
          %dma_start3A_84 = tpu.memref_slice %dma_start3A_81[%dma_start3A_82, %dma_start3A_83] : memref<10240x128xf32, #tpu.memory_space<hbm>> -> memref<10240x128xf32, #tpu.memory_space<hbm>>
          tpu.enqueue_indirect_dma source(%dma_start3A_84 : memref<10240x128xf32, #tpu.memory_space<hbm>>) target(%arg9 : memref<128x128xf32, #tpu.memory_space<vmem>>) offsets(%dma_start3A_77 : memref<128xi32, #tpu.memory_space<vmem>>) semaphore(%arg12 : memref<!tpu.dma_semaphore, #tpu.memory_space<semaphore_mem>>)
        } else {
        }
        %add3A_59 = arith.constant 1 : i32
        %add3A_60 = arith.addi %add3A_33, %add3A_59 : i32
        %dma_wait3A_61 = arith.constant 0 : i32
        %dma_wait3A_62 = tpu.memref_slice %arg7[%add3A_60, %dma_wait3A_61] : memref<40x128xi32, #tpu.memory_space<vmem>> -> memref<1x128xi32, #tpu.memory_space<vmem>>
        %dma_wait3A_63 = tpu.memref_squeeze %dma_wait3A_62 : memref<1x128xi32, #tpu.memory_space<vmem>> -> memref<128xi32, #tpu.memory_space<vmem>>
        %dma_wait3A_64 = arith.constant 0 : i32
        %dma_wait3A_65 = arith.constant 0 : i32
        %dma_wait3A_66 = tpu.memref_slice %arg2[%arg0, %dma_wait3A_64, %dma_wait3A_65] : memref<2x10240x128xf32, #tpu.memory_space<hbm>> -> memref<1x10240x128xf32, #tpu.memory_space<hbm>>
        %dma_wait3A_67 = tpu.memref_squeeze %dma_wait3A_66 : memref<1x10240x128xf32, #tpu.memory_space<hbm>> -> memref<10240x128xf32, #tpu.memory_space<hbm>>
        %dma_wait3A_68 = arith.constant 0 : i32
        %dma_wait3A_69 = arith.constant 0 : i32
        %dma_wait3A_70 = tpu.memref_slice %dma_wait3A_67[%dma_wait3A_68, %dma_wait3A_69] : memref<10240x128xf32, #tpu.memory_space<hbm>> -> memref<10240x128xf32, #tpu.memory_space<hbm>>
        tpu.wait_indirect_dma semaphore(%arg13 : memref<!tpu.dma_semaphore, #tpu.memory_space<semaphore_mem>>) src(%dma_wait3A_70 : memref<10240x128xf32, #tpu.memory_space<hbm>>) dst(%arg10 : memref<128x128xf32, #tpu.memory_space<vmem>>)
        %add3A_71 = arith.constant 1 : i32
        %add3A_72 = arith.addi %add3A_33, %add3A_71 : i32
        "tpu.region"() ({
          %run_scoped3A = tpu.sem_alloc : memref<!tpu.dma_semaphore, #tpu.memory_space<semaphore_mem>>
          %dma_start3A_73 = arith.constant 0 : i32
          %dma_start3A_74 = tpu.memref_slice %arg8[%add3A_72, %dma_start3A_73] : memref<40x128xi32, #tpu.memory_space<vmem>> -> memref<1x128xi32, #tpu.memory_space<vmem>>
          %dma_start3A_75 = tpu.memref_squeeze %dma_start3A_74 : memref<1x128xi32, #tpu.memory_space<vmem>> -> memref<128xi32, #tpu.memory_space<vmem>>
          %dma_start3A_76 = arith.constant 0 : i32
          %dma_start3A_77 = arith.constant 0 : i32
          %dma_start3A_78 = tpu.memref_slice %arg11[%dma_start3A_76, %dma_start3A_77] : memref<10240x128xf32, #tpu.memory_space<vmem_shared>> -> memref<10240x128xf32, #tpu.memory_space<vmem_shared>>
          tpu.enqueue_indirect_dma source(%arg10 : memref<128x128xf32, #tpu.memory_space<vmem>>) target(%dma_start3A_78 : memref<10240x128xf32, #tpu.memory_space<vmem_shared>>) offsets(%dma_start3A_75 : memref<128xi32, #tpu.memory_space<vmem>>) semaphore(%run_scoped3A : memref<!tpu.dma_semaphore, #tpu.memory_space<semaphore_mem>>) {add = true}
          %dma_wait3A_79 = arith.constant 0 : i32
          %dma_wait3A_80 = tpu.memref_slice %arg8[%add3A_72, %dma_wait3A_79] : memref<40x128xi32, #tpu.memory_space<vmem>> -> memref<1x128xi32, #tpu.memory_space<vmem>>
          %dma_wait3A_81 = tpu.memref_squeeze %dma_wait3A_80 : memref<1x128xi32, #tpu.memory_space<vmem>> -> memref<128xi32, #tpu.memory_space<vmem>>
          %dma_wait3A_82 = arith.constant 0 : i32
          %dma_wait3A_83 = arith.constant 0 : i32
          %dma_wait3A_84 = tpu.memref_slice %arg11[%dma_wait3A_82, %dma_wait3A_83] : memref<10240x128xf32, #tpu.memory_space<vmem_shared>> -> memref<10240x128xf32, #tpu.memory_space<vmem_shared>>
          tpu.wait_indirect_dma semaphore(%run_scoped3A : memref<!tpu.dma_semaphore, #tpu.memory_space<semaphore_mem>>) src(%arg10 : memref<128x128xf32, #tpu.memory_space<vmem>>) dst(%dma_wait3A_84 : memref<10240x128xf32, #tpu.memory_space<vmem_shared>>)
          tpu.yield
        }) : () -> ()
      }
      %scan3A_28 = arith.constant 20 : i32
    }
    %scan3A_4 = arith.constant 2 : i32
    %barrier3A_5 = arith.constant 0 : index
    tpu.barrier barrier_id(%barrier3A_5)
    "tpu.region"() ({
      %run_scoped3A = tpu.sem_alloc : memref<!tpu.dma_semaphore, #tpu.memory_space<semaphore_mem>>
      %dma_start3A = arith.constant 0 : i32
      %dma_start3A_6 = arith.constant 0 : i32
      %dma_start3A_7 = tpu.memref_slice %arg6[%arg0, %dma_start3A, %dma_start3A_6] : memref<2x10240x128xf32, #tpu.memory_space<hbm>> -> memref<1x10240x128xf32, #tpu.memory_space<hbm>>
      %dma_start3A_8 = tpu.memref_squeeze %dma_start3A_7 : memref<1x10240x128xf32, #tpu.memory_space<hbm>> -> memref<10240x128xf32, #tpu.memory_space<hbm>>
      %dma_start3A_9 = arith.constant 0 : i32
      %dma_start3A_10 = tpu.memref_slice %dma_start3A_8[%mul3A_0, %dma_start3A_9] : memref<10240x128xf32, #tpu.memory_space<hbm>> -> memref<640x128xf32, #tpu.memory_space<hbm>>
      %dma_start3A_11 = arith.constant 0 : i32
      %dma_start3A_12 = tpu.memref_slice %arg11[%mul3A_0, %dma_start3A_11] : memref<10240x128xf32, #tpu.memory_space<vmem_shared>> -> memref<640x128xf32, #tpu.memory_space<vmem_shared>>
      tpu.enqueue_dma source(%dma_start3A_12 : memref<640x128xf32, #tpu.memory_space<vmem_shared>>) target(%dma_start3A_10 : memref<640x128xf32, #tpu.memory_space<hbm>>) target_semaphore(%run_scoped3A : memref<!tpu.dma_semaphore, #tpu.memory_space<semaphore_mem>>)
      %dma_wait3A = arith.constant 0 : i32
      %dma_wait3A_13 = arith.constant 0 : i32
      %dma_wait3A_14 = tpu.memref_slice %arg6[%arg0, %dma_wait3A, %dma_wait3A_13] : memref<2x10240x128xf32, #tpu.memory_space<hbm>> -> memref<1x10240x128xf32, #tpu.memory_space<hbm>>
      %dma_wait3A_15 = tpu.memref_squeeze %dma_wait3A_14 : memref<1x10240x128xf32, #tpu.memory_space<hbm>> -> memref<10240x128xf32, #tpu.memory_space<hbm>>
      %dma_wait3A_16 = arith.constant 0 : i32
      %dma_wait3A_17 = tpu.memref_slice %dma_wait3A_15[%mul3A_0, %dma_wait3A_16] : memref<10240x128xf32, #tpu.memory_space<hbm>> -> memref<640x128xf32, #tpu.memory_space<hbm>>
      %dma_wait3A_18 = arith.constant 0 : i32
      %dma_wait3A_19 = tpu.memref_slice %arg11[%mul3A_0, %dma_wait3A_18] : memref<10240x128xf32, #tpu.memory_space<vmem_shared>> -> memref<640x128xf32, #tpu.memory_space<vmem_shared>>
      tpu.wait_dma2 semaphore(%run_scoped3A : memref<!tpu.dma_semaphore, #tpu.memory_space<semaphore_mem>>) src(%dma_wait3A_19 : memref<640x128xf32, #tpu.memory_space<vmem_shared>>) dst(%dma_wait3A_17 : memref<640x128xf32, #tpu.memory_space<hbm>>)
      tpu.yield
    }) : () -> ()
    return
  }
}

#map = affine_map<(d0, d1) -> (0, 0, 0)>
#map1 = affine_map<(d0, d1) -> (0, 0)>
module attributes {stable_mosaic.version = 14 : i64} {
  func.func @spmm_kernel(%arg0: i32, %arg1: i32, %arg2: memref<2x10240x128xf32, #tpu.memory_space<hbm>>, %arg3: memref<16x80x128xi32, #tpu.memory_space<hbm>>, %arg4: memref<16x80x128xi32, #tpu.memory_space<hbm>>, %arg5: memref<10240x128xf32, #tpu.memory_space<hbm>>, %arg6: memref<2x10240x128xf32, #tpu.memory_space<hbm>>, %arg7: memref<40x128xi32, #tpu.memory_space<vmem>>, %arg8: memref<40x128xi32, #tpu.memory_space<vmem>>, %arg9: memref<128x128xf32, #tpu.memory_space<vmem>>, %arg10: memref<128x128xf32, #tpu.memory_space<vmem>>, %arg11: memref<10240x128xf32, #tpu.memory_space<vmem_shared>>, %arg12: memref<!tpu.dma_semaphore, #tpu.memory_space<semaphore_mem>>, %arg13: memref<!tpu.dma_semaphore, #tpu.memory_space<semaphore_mem>>, %arg14: memref<!tpu.dma_semaphore, #tpu.memory_space<semaphore_mem>>, %arg15: memref<!tpu.dma_semaphore, #tpu.memory_space<semaphore_mem>>) attributes {dimension_semantics = [#tpu.dimension_semantics<core_parallel>, #tpu.dimension_semantics<subcore_parallel>], iteration_bounds = array<i64: 2, 16>, scalar_prefetch = 0 : i64, scratch_operands = 9 : i64, tpu.core_type = #tpu.core_type<sc_vector_subcore>, window_params = [{transform_indices = #map}, {transform_indices = #map}, {transform_indices = #map}, {transform_indices = #map1}, {transform_indices = #map}]} {
    %mul3A = arith.constant 640 : i32
    %mul3A_0 = arith.muli %arg1, %mul3A : i32
    "tpu.region"() ({
      %run_scoped3A = tpu.sem_alloc : memref<!tpu.dma_semaphore, #tpu.memory_space<semaphore_mem>>
      %dma_start3A = arith.constant 0 : i32
      %dma_start3A_6 = tpu.memref_slice %arg11[%mul3A_0, %dma_start3A] : memref<10240x128xf32, #tpu.memory_space<vmem_shared>> -> memref<640x128xf32, #tpu.memory_space<vmem_shared>>
      %dma_start3A_7 = arith.constant 0 : i32
      %dma_start3A_8 = tpu.memref_slice %arg5[%mul3A_0, %dma_start3A_7] : memref<10240x128xf32, #tpu.memory_space<hbm>> -> memref<640x128xf32, #tpu.memory_space<hbm>>
      tpu.enqueue_dma source(%dma_start3A_8 : memref<640x128xf32, #tpu.memory_space<hbm>>) target(%dma_start3A_6 : memref<640x128xf32, #tpu.memory_space<vmem_shared>>) target_semaphore(%run_scoped3A : memref<!tpu.dma_semaphore, #tpu.memory_space<semaphore_mem>>)
      %dma_wait3A = arith.constant 0 : i32
      %dma_wait3A_9 = tpu.memref_slice %arg11[%mul3A_0, %dma_wait3A] : memref<10240x128xf32, #tpu.memory_space<vmem_shared>> -> memref<640x128xf32, #tpu.memory_space<vmem_shared>>
      %dma_wait3A_10 = arith.constant 0 : i32
      %dma_wait3A_11 = tpu.memref_slice %arg5[%mul3A_0, %dma_wait3A_10] : memref<10240x128xf32, #tpu.memory_space<hbm>> -> memref<640x128xf32, #tpu.memory_space<hbm>>
      tpu.wait_dma2 semaphore(%run_scoped3A : memref<!tpu.dma_semaphore, #tpu.memory_space<semaphore_mem>>) src(%dma_wait3A_11 : memref<640x128xf32, #tpu.memory_space<hbm>>) dst(%dma_wait3A_9 : memref<640x128xf32, #tpu.memory_space<vmem_shared>>)
      tpu.yield
    }) : () -> ()
    %barrier3A = arith.constant 0 : index
    tpu.barrier barrier_id(%barrier3A)
    %scan3A = arith.constant 0 : i32
    %scan3A_1 = arith.constant 2 : i32
    %scan3A_2 = arith.addi %scan3A, %scan3A_1 : i32
    %scan3A_3 = arith.constant 1 : i32
    scf.for %scan3A_6 = %scan3A to %scan3A_2 step %scan3A_3  : i32 {
      %mul3A_7 = arith.constant 1 : i32
      %mul3A_8 = arith.muli %scan3A_6, %mul3A_7 : i32
      %add3A = arith.constant 0 : i32
      %add3A_9 = arith.addi %add3A, %mul3A_8 : i32
      %mul3A_10 = arith.constant 40 : i32
      %mul3A_11 = arith.muli %add3A_9, %mul3A_10 : i32
      "tpu.region"() ({
        %run_scoped3A = tpu.sem_alloc : memref<!tpu.dma_semaphore, #tpu.memory_space<semaphore_mem>>
        %dma_start3A_29 = arith.constant 0 : i32
        %dma_start3A_30 = arith.constant 0 : i32
        %dma_start3A_31 = tpu.memref_slice %arg3[%arg1, %dma_start3A_29, %dma_start3A_30] : memref<16x80x128xi32, #tpu.memory_space<hbm>> -> memref<1x80x128xi32, #tpu.memory_space<hbm>>
        %dma_start3A_32 = tpu.memref_squeeze %dma_start3A_31 : memref<1x80x128xi32, #tpu.memory_space<hbm>> -> memref<80x128xi32, #tpu.memory_space<hbm>>
        %dma_start3A_33 = arith.constant 0 : i32
        %dma_start3A_34 = tpu.memref_slice %dma_start3A_32[%mul3A_11, %dma_start3A_33] : memref<80x128xi32, #tpu.memory_space<hbm>> -> memref<40x128xi32, #tpu.memory_space<hbm>>
        %dma_start3A_35 = arith.constant 0 : i32
        %dma_start3A_36 = arith.constant 0 : i32
        %dma_start3A_37 = tpu.memref_slice %arg3[%arg1, %dma_start3A_35, %dma_start3A_36] : memref<16x80x128xi32, #tpu.memory_space<hbm>> -> memref<1x80x128xi32, #tpu.memory_space<hbm>>
        %dma_start3A_38 = tpu.memref_squeeze %dma_start3A_37 : memref<1x80x128xi32, #tpu.memory_space<hbm>> -> memref<80x128xi32, #tpu.memory_space<hbm>>
        %dma_start3A_39 = arith.constant 0 : i32
        %dma_start3A_40 = tpu.memref_slice %dma_start3A_38[%mul3A_11, %dma_start3A_39] : memref<80x128xi32, #tpu.memory_space<hbm>> -> memref<40x128xi32, #tpu.memory_space<hbm>>
        tpu.enqueue_dma source(%dma_start3A_40 : memref<40x128xi32, #tpu.memory_space<hbm>>) target(%arg7 : memref<40x128xi32, #tpu.memory_space<vmem>>) target_semaphore(%run_scoped3A : memref<!tpu.dma_semaphore, #tpu.memory_space<semaphore_mem>>)
        %dma_wait3A = arith.constant 0 : i32
        %dma_wait3A_41 = arith.constant 0 : i32
        %dma_wait3A_42 = tpu.memref_slice %arg3[%arg1, %dma_wait3A, %dma_wait3A_41] : memref<16x80x128xi32, #tpu.memory_space<hbm>> -> memref<1x80x128xi32, #tpu.memory_space<hbm>>
        %dma_wait3A_43 = tpu.memref_squeeze %dma_wait3A_42 : memref<1x80x128xi32, #tpu.memory_space<hbm>> -> memref<80x128xi32, #tpu.memory_space<hbm>>
        %dma_wait3A_44 = arith.constant 0 : i32
        %dma_wait3A_45 = tpu.memref_slice %dma_wait3A_43[%mul3A_11, %dma_wait3A_44] : memref<80x128xi32, #tpu.memory_space<hbm>> -> memref<40x128xi32, #tpu.memory_space<hbm>>
        %dma_wait3A_46 = arith.constant 0 : i32
        %dma_wait3A_47 = arith.constant 0 : i32
        %dma_wait3A_48 = tpu.memref_slice %arg3[%arg1, %dma_wait3A_46, %dma_wait3A_47] : memref<16x80x128xi32, #tpu.memory_space<hbm>> -> memref<1x80x128xi32, #tpu.memory_space<hbm>>
        %dma_wait3A_49 = tpu.memref_squeeze %dma_wait3A_48 : memref<1x80x128xi32, #tpu.memory_space<hbm>> -> memref<80x128xi32, #tpu.memory_space<hbm>>
        %dma_wait3A_50 = arith.constant 0 : i32
        %dma_wait3A_51 = tpu.memref_slice %dma_wait3A_49[%mul3A_11, %dma_wait3A_50] : memref<80x128xi32, #tpu.memory_space<hbm>> -> memref<40x128xi32, #tpu.memory_space<hbm>>
        tpu.wait_dma2 semaphore(%run_scoped3A : memref<!tpu.dma_semaphore, #tpu.memory_space<semaphore_mem>>) src(%dma_wait3A_51 : memref<40x128xi32, #tpu.memory_space<hbm>>) dst(%arg7 : memref<40x128xi32, #tpu.memory_space<vmem>>)
        tpu.yield
      }) : () -> ()
      %mul3A_12 = arith.constant 40 : i32
      %mul3A_13 = arith.muli %add3A_9, %mul3A_12 : i32
      "tpu.region"() ({
        %run_scoped3A = tpu.sem_alloc : memref<!tpu.dma_semaphore, #tpu.memory_space<semaphore_mem>>
        %dma_start3A_29 = arith.constant 0 : i32
        %dma_start3A_30 = arith.constant 0 : i32
        %dma_start3A_31 = tpu.memref_slice %arg4[%arg1, %dma_start3A_29, %dma_start3A_30] : memref<16x80x128xi32, #tpu.memory_space<hbm>> -> memref<1x80x128xi32, #tpu.memory_space<hbm>>
        %dma_start3A_32 = tpu.memref_squeeze %dma_start3A_31 : memref<1x80x128xi32, #tpu.memory_space<hbm>> -> memref<80x128xi32, #tpu.memory_space<hbm>>
        %dma_start3A_33 = arith.constant 0 : i32
        %dma_start3A_34 = tpu.memref_slice %dma_start3A_32[%mul3A_13, %dma_start3A_33] : memref<80x128xi32, #tpu.memory_space<hbm>> -> memref<40x128xi32, #tpu.memory_space<hbm>>
        %dma_start3A_35 = arith.constant 0 : i32
        %dma_start3A_36 = arith.constant 0 : i32
        %dma_start3A_37 = tpu.memref_slice %arg4[%arg1, %dma_start3A_35, %dma_start3A_36] : memref<16x80x128xi32, #tpu.memory_space<hbm>> -> memref<1x80x128xi32, #tpu.memory_space<hbm>>
        %dma_start3A_38 = tpu.memref_squeeze %dma_start3A_37 : memref<1x80x128xi32, #tpu.memory_space<hbm>> -> memref<80x128xi32, #tpu.memory_space<hbm>>
        %dma_start3A_39 = arith.constant 0 : i32
        %dma_start3A_40 = tpu.memref_slice %dma_start3A_38[%mul3A_13, %dma_start3A_39] : memref<80x128xi32, #tpu.memory_space<hbm>> -> memref<40x128xi32, #tpu.memory_space<hbm>>
        tpu.enqueue_dma source(%dma_start3A_40 : memref<40x128xi32, #tpu.memory_space<hbm>>) target(%arg8 : memref<40x128xi32, #tpu.memory_space<vmem>>) target_semaphore(%run_scoped3A : memref<!tpu.dma_semaphore, #tpu.memory_space<semaphore_mem>>)
        %dma_wait3A = arith.constant 0 : i32
        %dma_wait3A_41 = arith.constant 0 : i32
        %dma_wait3A_42 = tpu.memref_slice %arg4[%arg1, %dma_wait3A, %dma_wait3A_41] : memref<16x80x128xi32, #tpu.memory_space<hbm>> -> memref<1x80x128xi32, #tpu.memory_space<hbm>>
        %dma_wait3A_43 = tpu.memref_squeeze %dma_wait3A_42 : memref<1x80x128xi32, #tpu.memory_space<hbm>> -> memref<80x128xi32, #tpu.memory_space<hbm>>
        %dma_wait3A_44 = arith.constant 0 : i32
        %dma_wait3A_45 = tpu.memref_slice %dma_wait3A_43[%mul3A_13, %dma_wait3A_44] : memref<80x128xi32, #tpu.memory_space<hbm>> -> memref<40x128xi32, #tpu.memory_space<hbm>>
        %dma_wait3A_46 = arith.constant 0 : i32
        %dma_wait3A_47 = arith.constant 0 : i32
        %dma_wait3A_48 = tpu.memref_slice %arg4[%arg1, %dma_wait3A_46, %dma_wait3A_47] : memref<16x80x128xi32, #tpu.memory_space<hbm>> -> memref<1x80x128xi32, #tpu.memory_space<hbm>>
        %dma_wait3A_49 = tpu.memref_squeeze %dma_wait3A_48 : memref<1x80x128xi32, #tpu.memory_space<hbm>> -> memref<80x128xi32, #tpu.memory_space<hbm>>
        %dma_wait3A_50 = arith.constant 0 : i32
        %dma_wait3A_51 = tpu.memref_slice %dma_wait3A_49[%mul3A_13, %dma_wait3A_50] : memref<80x128xi32, #tpu.memory_space<hbm>> -> memref<40x128xi32, #tpu.memory_space<hbm>>
        tpu.wait_dma2 semaphore(%run_scoped3A : memref<!tpu.dma_semaphore, #tpu.memory_space<semaphore_mem>>) src(%dma_wait3A_51 : memref<40x128xi32, #tpu.memory_space<hbm>>) dst(%arg8 : memref<40x128xi32, #tpu.memory_space<vmem>>)
        tpu.yield
      }) : () -> ()
      %dma_start3A = arith.constant 0 : i32
      %dma_start3A_14 = arith.constant 0 : i32
      %dma_start3A_15 = tpu.memref_slice %arg7[%dma_start3A, %dma_start3A_14] : memref<40x128xi32, #tpu.memory_space<vmem>> -> memref<1x128xi32, #tpu.memory_space<vmem>>
      %dma_start3A_16 = tpu.memref_squeeze %dma_start3A_15 : memref<1x128xi32, #tpu.memory_space<vmem>> -> memref<128xi32, #tpu.memory_space<vmem>>
      %dma_start3A_17 = arith.constant 0 : i32
      %dma_start3A_18 = arith.constant 0 : i32
      %dma_start3A_19 = tpu.memref_slice %arg2[%arg0, %dma_start3A_17, %dma_start3A_18] : memref<2x10240x128xf32, #tpu.memory_space<hbm>> -> memref<1x10240x128xf32, #tpu.memory_space<hbm>>
      %dma_start3A_20 = tpu.memref_squeeze %dma_start3A_19 : memref<1x10240x128xf32, #tpu.memory_space<hbm>> -> memref<10240x128xf32, #tpu.memory_space<hbm>>
      %dma_start3A_21 = arith.constant 0 : i32
      %dma_start3A_22 = arith.constant 0 : i32
      %dma_start3A_23 = tpu.memref_slice %dma_start3A_20[%dma_start3A_21, %dma_start3A_22] : memref<10240x128xf32, #tpu.memory_space<hbm>> -> memref<10240x128xf32, #tpu.memory_space<hbm>>
      tpu.enqueue_indirect_dma source(%dma_start3A_23 : memref<10240x128xf32, #tpu.memory_space<hbm>>) target(%arg9 : memref<128x128xf32, #tpu.memory_space<vmem>>) offsets(%dma_start3A_16 : memref<128xi32, #tpu.memory_space<vmem>>) semaphore(%arg12 : memref<!tpu.dma_semaphore, #tpu.memory_space<semaphore_mem>>)
      %scan3A_24 = arith.constant 0 : i32
      %scan3A_25 = arith.constant 20 : i32
      %scan3A_26 = arith.addi %scan3A_24, %scan3A_25 : i32
      %scan3A_27 = arith.constant 1 : i32
      scf.for %scan3A_29 = %scan3A_24 to %scan3A_26 step %scan3A_27  : i32 {
        %mul3A_30 = arith.constant 2 : i32
        %mul3A_31 = arith.muli %scan3A_29, %mul3A_30 : i32
        %add3A_32 = arith.constant 0 : i32
        %add3A_33 = arith.addi %add3A_32, %mul3A_31 : i32
        %add3A_34 = arith.constant 1 : i32
        %add3A_35 = arith.addi %add3A_33, %add3A_34 : i32
        %dma_start3A_36 = arith.constant 0 : i32
        %dma_start3A_37 = tpu.memref_slice %arg7[%add3A_35, %dma_start3A_36] : memref<40x128xi32, #tpu.memory_space<vmem>> -> memref<1x128xi32, #tpu.memory_space<vmem>>
        %dma_start3A_38 = tpu.memref_squeeze %dma_start3A_37 : memref<1x128xi32, #tpu.memory_space<vmem>> -> memref<128xi32, #tpu.memory_space<vmem>>
        %dma_start3A_39 = arith.constant 0 : i32
        %dma_start3A_40 = arith.constant 0 : i32
        %dma_start3A_41 = tpu.memref_slice %arg2[%arg0, %dma_start3A_39, %dma_start3A_40] : memref<2x10240x128xf32, #tpu.memory_space<hbm>> -> memref<1x10240x128xf32, #tpu.memory_space<hbm>>
        %dma_start3A_42 = tpu.memref_squeeze %dma_start3A_41 : memref<1x10240x128xf32, #tpu.memory_space<hbm>> -> memref<10240x128xf32, #tpu.memory_space<hbm>>
        %dma_start3A_43 = arith.constant 0 : i32
        %dma_start3A_44 = arith.constant 0 : i32
        %dma_start3A_45 = tpu.memref_slice %dma_start3A_42[%dma_start3A_43, %dma_start3A_44] : memref<10240x128xf32, #tpu.memory_space<hbm>> -> memref<10240x128xf32, #tpu.memory_space<hbm>>
        tpu.enqueue_indirect_dma source(%dma_start3A_45 : memref<10240x128xf32, #tpu.memory_space<hbm>>) target(%arg10 : memref<128x128xf32, #tpu.memory_space<vmem>>) offsets(%dma_start3A_38 : memref<128xi32, #tpu.memory_space<vmem>>) semaphore(%arg13 : memref<!tpu.dma_semaphore, #tpu.memory_space<semaphore_mem>>)
        %dma_wait3A = arith.constant 0 : i32
        %dma_wait3A_46 = tpu.memref_slice %arg7[%add3A_33, %dma_wait3A] : memref<40x128xi32, #tpu.memory_space<vmem>> -> memref<1x128xi32, #tpu.memory_space<vmem>>
        %dma_wait3A_47 = tpu.memref_squeeze %dma_wait3A_46 : memref<1x128xi32, #tpu.memory_space<vmem>> -> memref<128xi32, #tpu.memory_space<vmem>>
        %dma_wait3A_48 = arith.constant 0 : i32
        %dma_wait3A_49 = arith.constant 0 : i32
        %dma_wait3A_50 = tpu.memref_slice %arg2[%arg0, %dma_wait3A_48, %dma_wait3A_49] : memref<2x10240x128xf32, #tpu.memory_space<hbm>> -> memref<1x10240x128xf32, #tpu.memory_space<hbm>>
        %dma_wait3A_51 = tpu.memref_squeeze %dma_wait3A_50 : memref<1x10240x128xf32, #tpu.memory_space<hbm>> -> memref<10240x128xf32, #tpu.memory_space<hbm>>
        %dma_wait3A_52 = arith.constant 0 : i32
        %dma_wait3A_53 = arith.constant 0 : i32
        %dma_wait3A_54 = tpu.memref_slice %dma_wait3A_51[%dma_wait3A_52, %dma_wait3A_53] : memref<10240x128xf32, #tpu.memory_space<hbm>> -> memref<10240x128xf32, #tpu.memory_space<hbm>>
        tpu.wait_indirect_dma semaphore(%arg12 : memref<!tpu.dma_semaphore, #tpu.memory_space<semaphore_mem>>) src(%dma_wait3A_54 : memref<10240x128xf32, #tpu.memory_space<hbm>>) dst(%arg9 : memref<128x128xf32, #tpu.memory_space<vmem>>)
        "tpu.region"() ({
          %run_scoped3A = tpu.sem_alloc : memref<!tpu.dma_semaphore, #tpu.memory_space<semaphore_mem>>
          %dma_start3A_73 = arith.constant 0 : i32
          %dma_start3A_74 = tpu.memref_slice %arg8[%add3A_33, %dma_start3A_73] : memref<40x128xi32, #tpu.memory_space<vmem>> -> memref<1x128xi32, #tpu.memory_space<vmem>>
          %dma_start3A_75 = tpu.memref_squeeze %dma_start3A_74 : memref<1x128xi32, #tpu.memory_space<vmem>> -> memref<128xi32, #tpu.memory_space<vmem>>
          %dma_start3A_76 = arith.constant 0 : i32
          %dma_start3A_77 = arith.constant 0 : i32
          %dma_start3A_78 = tpu.memref_slice %arg11[%dma_start3A_76, %dma_start3A_77] : memref<10240x128xf32, #tpu.memory_space<vmem_shared>> -> memref<10240x128xf32, #tpu.memory_space<vmem_shared>>
          tpu.enqueue_indirect_dma source(%arg9 : memref<128x128xf32, #tpu.memory_space<vmem>>) target(%dma_start3A_78 : memref<10240x128xf32, #tpu.memory_space<vmem_shared>>) offsets(%dma_start3A_75 : memref<128xi32, #tpu.memory_space<vmem>>) semaphore(%run_scoped3A : memref<!tpu.dma_semaphore, #tpu.memory_space<semaphore_mem>>) {add = true}
          %dma_wait3A_79 = arith.constant 0 : i32
          %dma_wait3A_80 = tpu.memref_slice %arg8[%add3A_33, %dma_wait3A_79] : memref<40x128xi32, #tpu.memory_space<vmem>> -> memref<1x128xi32, #tpu.memory_space<vmem>>
          %dma_wait3A_81 = tpu.memref_squeeze %dma_wait3A_80 : memref<1x128xi32, #tpu.memory_space<vmem>> -> memref<128xi32, #tpu.memory_space<vmem>>
          %dma_wait3A_82 = arith.constant 0 : i32
          %dma_wait3A_83 = arith.constant 0 : i32
          %dma_wait3A_84 = tpu.memref_slice %arg11[%dma_wait3A_82, %dma_wait3A_83] : memref<10240x128xf32, #tpu.memory_space<vmem_shared>> -> memref<10240x128xf32, #tpu.memory_space<vmem_shared>>
          tpu.wait_indirect_dma semaphore(%run_scoped3A : memref<!tpu.dma_semaphore, #tpu.memory_space<semaphore_mem>>) src(%arg9 : memref<128x128xf32, #tpu.memory_space<vmem>>) dst(%dma_wait3A_84 : memref<10240x128xf32, #tpu.memory_space<vmem_shared>>)
          tpu.yield
        }) : () -> ()
        %add3A_55 = arith.constant 2 : i32
        %add3A_56 = arith.addi %add3A_33, %add3A_55 : i32
        %lt3A = arith.constant 40 : i32
        %lt3A_57 = arith.cmpi slt, %add3A_56, %lt3A : i32
        %convert_element_type3A = arith.extui %lt3A_57 : i1 to i32
        %cond3A = arith.constant 0 : i32
        %cond3A_58 = arith.cmpi ne, %convert_element_type3A, %cond3A : i32
        scf.if %cond3A_58 {
          %add3A_73 = arith.constant 2 : i32
          %add3A_74 = arith.addi %add3A_33, %add3A_73 : i32
          %dma_start3A_75 = arith.constant 0 : i32
          %dma_start3A_76 = tpu.memref_slice %arg7[%add3A_74, %dma_start3A_75] : memref<40x128xi32, #tpu.memory_space<vmem>> -> memref<1x128xi32, #tpu.memory_space<vmem>>
          %dma_start3A_77 = tpu.memref_squeeze %dma_start3A_76 : memref<1x128xi32, #tpu.memory_space<vmem>> -> memref<128xi32, #tpu.memory_space<vmem>>
          %dma_start3A_78 = arith.constant 0 : i32
          %dma_start3A_79 = arith.constant 0 : i32
          %dma_start3A_80 = tpu.memref_slice %arg2[%arg0, %dma_start3A_78, %dma_start3A_79] : memref<2x10240x128xf32, #tpu.memory_space<hbm>> -> memref<1x10240x128xf32, #tpu.memory_space<hbm>>
          %dma_start3A_81 = tpu.memref_squeeze %dma_start3A_80 : memref<1x10240x128xf32, #tpu.memory_space<hbm>> -> memref<10240x128xf32, #tpu.memory_space<hbm>>
          %dma_start3A_82 = arith.constant 0 : i32
          %dma_start3A_83 = arith.constant 0 : i32
          %dma_start3A_84 = tpu.memref_slice %dma_start3A_81[%dma_start3A_82, %dma_start3A_83] : memref<10240x128xf32, #tpu.memory_space<hbm>> -> memref<10240x128xf32, #tpu.memory_space<hbm>>
          tpu.enqueue_indirect_dma source(%dma_start3A_84 : memref<10240x128xf32, #tpu.memory_space<hbm>>) target(%arg9 : memref<128x128xf32, #tpu.memory_space<vmem>>) offsets(%dma_start3A_77 : memref<128xi32, #tpu.memory_space<vmem>>) semaphore(%arg12 : memref<!tpu.dma_semaphore, #tpu.memory_space<semaphore_mem>>)
        } else {
        }
        %add3A_59 = arith.constant 1 : i32
        %add3A_60 = arith.addi %add3A_33, %add3A_59 : i32
        %dma_wait3A_61 = arith.constant 0 : i32
        %dma_wait3A_62 = tpu.memref_slice %arg7[%add3A_60, %dma_wait3A_61] : memref<40x128xi32, #tpu.memory_space<vmem>> -> memref<1x128xi32, #tpu.memory_space<vmem>>
        %dma_wait3A_63 = tpu.memref_squeeze %dma_wait3A_62 : memref<1x128xi32, #tpu.memory_space<vmem>> -> memref<128xi32, #tpu.memory_space<vmem>>
        %dma_wait3A_64 = arith.constant 0 : i32
        %dma_wait3A_65 = arith.constant 0 : i32
        %dma_wait3A_66 = tpu.memref_slice %arg2[%arg0, %dma_wait3A_64, %dma_wait3A_65] : memref<2x10240x128xf32, #tpu.memory_space<hbm>> -> memref<1x10240x128xf32, #tpu.memory_space<hbm>>
        %dma_wait3A_67 = tpu.memref_squeeze %dma_wait3A_66 : memref<1x10240x128xf32, #tpu.memory_space<hbm>> -> memref<10240x128xf32, #tpu.memory_space<hbm>>
        %dma_wait3A_68 = arith.constant 0 : i32
        %dma_wait3A_69 = arith.constant 0 : i32
        %dma_wait3A_70 = tpu.memref_slice %dma_wait3A_67[%dma_wait3A_68, %dma_wait3A_69] : memref<10240x128xf32, #tpu.memory_space<hbm>> -> memref<10240x128xf32, #tpu.memory_space<hbm>>
        tpu.wait_indirect_dma semaphore(%arg13 : memref<!tpu.dma_semaphore, #tpu.memory_space<semaphore_mem>>) src(%dma_wait3A_70 : memref<10240x128xf32, #tpu.memory_space<hbm>>) dst(%arg10 : memref<128x128xf32, #tpu.memory_space<vmem>>)
        %add3A_71 = arith.constant 1 : i32
        %add3A_72 = arith.addi %add3A_33, %add3A_71 : i32
        "tpu.region"() ({
          %run_scoped3A = tpu.sem_alloc : memref<!tpu.dma_semaphore, #tpu.memory_space<semaphore_mem>>
          %dma_start3A_73 = arith.constant 0 : i32
          %dma_start3A_74 = tpu.memref_slice %arg8[%add3A_72, %dma_start3A_73] : memref<40x128xi32, #tpu.memory_space<vmem>> -> memref<1x128xi32, #tpu.memory_space<vmem>>
          %dma_start3A_75 = tpu.memref_squeeze %dma_start3A_74 : memref<1x128xi32, #tpu.memory_space<vmem>> -> memref<128xi32, #tpu.memory_space<vmem>>
          %dma_start3A_76 = arith.constant 0 : i32
          %dma_start3A_77 = arith.constant 0 : i32
          %dma_start3A_78 = tpu.memref_slice %arg11[%dma_start3A_76, %dma_start3A_77] : memref<10240x128xf32, #tpu.memory_space<vmem_shared>> -> memref<10240x128xf32, #tpu.memory_space<vmem_shared>>
          tpu.enqueue_indirect_dma source(%arg10 : memref<128x128xf32, #tpu.memory_space<vmem>>) target(%dma_start3A_78 : memref<10240x128xf32, #tpu.memory_space<vmem_shared>>) offsets(%dma_start3A_75 : memref<128xi32, #tpu.memory_space<vmem>>) semaphore(%run_scoped3A : memref<!tpu.dma_semaphore, #tpu.memory_space<semaphore_mem>>) {add = true}
          %dma_wait3A_79 = arith.constant 0 : i32
          %dma_wait3A_80 = tpu.memref_slice %arg8[%add3A_72, %dma_wait3A_79] : memref<40x128xi32, #tpu.memory_space<vmem>> -> memref<1x128xi32, #tpu.memory_space<vmem>>
          %dma_wait3A_81 = tpu.memref_squeeze %dma_wait3A_80 : memref<1x128xi32, #tpu.memory_space<vmem>> -> memref<128xi32, #tpu.memory_space<vmem>>
          %dma_wait3A_82 = arith.constant 0 : i32
          %dma_wait3A_83 = arith.constant 0 : i32
          %dma_wait3A_84 = tpu.memref_slice %arg11[%dma_wait3A_82, %dma_wait3A_83] : memref<10240x128xf32, #tpu.memory_space<vmem_shared>> -> memref<10240x128xf32, #tpu.memory_space<vmem_shared>>
          tpu.wait_indirect_dma semaphore(%run_scoped3A : memref<!tpu.dma_semaphore, #tpu.memory_space<semaphore_mem>>) src(%arg10 : memref<128x128xf32, #tpu.memory_space<vmem>>) dst(%dma_wait3A_84 : memref<10240x128xf32, #tpu.memory_space<vmem_shared>>)
          tpu.yield
        }) : () -> ()
      }
      %scan3A_28 = arith.constant 20 : i32
    }
    %scan3A_4 = arith.constant 2 : i32
    %barrier3A_5 = arith.constant 0 : index
    tpu.barrier barrier_id(%barrier3A_5)
    "tpu.region"() ({
      %run_scoped3A = tpu.sem_alloc : memref<!tpu.dma_semaphore, #tpu.memory_space<semaphore_mem>>
      %dma_start3A = arith.constant 0 : i32
      %dma_start3A_6 = arith.constant 0 : i32
      %dma_start3A_7 = tpu.memref_slice %arg6[%arg0, %dma_start3A, %dma_start3A_6] : memref<2x10240x128xf32, #tpu.memory_space<hbm>> -> memref<1x10240x128xf32, #tpu.memory_space<hbm>>
      %dma_start3A_8 = tpu.memref_squeeze %dma_start3A_7 : memref<1x10240x128xf32, #tpu.memory_space<hbm>> -> memref<10240x128xf32, #tpu.memory_space<hbm>>
      %dma_start3A_9 = arith.constant 0 : i32
      %dma_start3A_10 = tpu.memref_slice %dma_start3A_8[%mul3A_0, %dma_start3A_9] : memref<10240x128xf32, #tpu.memory_space<hbm>> -> memref<640x128xf32, #tpu.memory_space<hbm>>
      %dma_start3A_11 = arith.constant 0 : i32
      %dma_start3A_12 = tpu.memref_slice %arg11[%mul3A_0, %dma_start3A_11] : memref<10240x128xf32, #tpu.memory_space<vmem_shared>> -> memref<640x128xf32, #tpu.memory_space<vmem_shared>>
      tpu.enqueue_dma source(%dma_start3A_12 : memref<640x128xf32, #tpu.memory_space<vmem_shared>>) target(%dma_start3A_10 : memref<640x128xf32, #tpu.memory_space<hbm>>) target_semaphore(%run_scoped3A : memref<!tpu.dma_semaphore, #tpu.memory_space<semaphore_mem>>)
      %dma_wait3A = arith.constant 0 : i32
      %dma_wait3A_13 = arith.constant 0 : i32
      %dma_wait3A_14 = tpu.memref_slice %arg6[%arg0, %dma_wait3A, %dma_wait3A_13] : memref<2x10240x128xf32, #tpu.memory_space<hbm>> -> memref<1x10240x128xf32, #tpu.memory_space<hbm>>
      %dma_wait3A_15 = tpu.memref_squeeze %dma_wait3A_14 : memref<1x10240x128xf32, #tpu.memory_space<hbm>> -> memref<10240x128xf32, #tpu.memory_space<hbm>>
      %dma_wait3A_16 = arith.constant 0 : i32
      %dma_wait3A_17 = tpu.memref_slice %dma_wait3A_15[%mul3A_0, %dma_wait3A_16] : memref<10240x128xf32, #tpu.memory_space<hbm>> -> memref<640x128xf32, #tpu.memory_space<hbm>>
      %dma_wait3A_18 = arith.constant 0 : i32
      %dma_wait3A_19 = tpu.memref_slice %arg11[%mul3A_0, %dma_wait3A_18] : memref<10240x128xf32, #tpu.memory_space<vmem_shared>> -> memref<640x128xf32, #tpu.memory_space<vmem_shared>>
      tpu.wait_dma2 semaphore(%run_scoped3A : memref<!tpu.dma_semaphore, #tpu.memory_space<semaphore_mem>>) src(%dma_wait3A_19 : memref<640x128xf32, #tpu.memory_space<vmem_shared>>) dst(%dma_wait3A_17 : memref<640x128xf32, #tpu.memory_space<hbm>>)
      tpu.yield
    }) : () -> ()
    return
  }
}

module attributes {stable_mosaic.version = 14 : i64} {
  func.func @body(%arg0: i32, %arg1: memref<2x512x128xf32, #tpu.memory_space<vmem>>, %arg2: memref<512x256xf32, #tpu.memory_space<vmem>>, %arg3: memref<2x512x128xf32, #tpu.memory_space<vmem>>, %arg4: memref<512x1xf32, #tpu.memory_space<vmem>>, %arg5: memref<512x1xf32, #tpu.memory_space<vmem>>) attributes {dimension_semantics = [#tpu.dimension_semantics<arbitrary>], iteration_bounds = array<i64: 20>, scalar_prefetch = 0 : i64, scratch_operands = 0 : i64, tpu.core_type = #tpu.core_type<tc>, window_params = [{transform_indices = @transform_0, window_bounds = array<i64: 2, 512, 128>}, {transform_indices = @transform_1, window_bounds = array<i64: 512, 256>}, {transform_indices = @transform_2, window_bounds = array<i64: 2, 512, 128>}, {transform_indices = @transform_3, window_bounds = array<i64: 512, 1>}, {transform_indices = @transform_4, window_bounds = array<i64: 512, 1>}]} {
    %get3A = arith.constant 0 : index
    %get3A_0 = arith.constant 0 : index
    %get3A_1 = arith.constant 0 : index
    %get3A_2 = vector.load %arg1[%get3A, %get3A_0, %get3A_1] : memref<2x512x128xf32, #tpu.memory_space<vmem>>, vector<1x512x1xf32>
    %get3A_3 = vector.shape_cast %get3A_2 : vector<1x512x1xf32> to vector<512x1xf32>
    %get3A_4 = arith.constant 1 : index
    %get3A_5 = arith.constant 0 : index
    %get3A_6 = arith.constant 0 : index
    %get3A_7 = vector.load %arg1[%get3A_4, %get3A_5, %get3A_6] : memref<2x512x128xf32, #tpu.memory_space<vmem>>, vector<1x512x1xf32>
    %get3A_8 = vector.shape_cast %get3A_7 : vector<1x512x1xf32> to vector<512x1xf32>
    %add3A = arith.addf %get3A_3, %get3A_8 : vector<512x1xf32>
    %add3A_9 = arith.constant 1.000000e+00 : f32
    %add3A_10 = vector.broadcast %add3A_9 : f32 to vector<512x1xf32>
    %add3A_11 = arith.addf %add3A_10, %add3A : vector<512x1xf32>
    %rsqrt3A = math.rsqrt %add3A_11 : vector<512x1xf32>
    %get3A_12 = arith.constant 0 : index
    %get3A_13 = arith.constant 0 : index
    %get3A_14 = vector.load %arg2[%get3A_12, %get3A_13] : memref<512x256xf32, #tpu.memory_space<vmem>>, vector<512x256xf32>
    %slice3A = vector.extract_strided_slice %get3A_14 {offsets = [0, 0], sizes = [512, 128], strides = [1, 1]} : vector<512x256xf32> to vector<512x128xf32>
    %mul3A = vector.broadcast %rsqrt3A : vector<512x1xf32> to vector<512x128xf32>
    %mul3A_15 = arith.mulf %mul3A, %slice3A : vector<512x128xf32>
    %swap3A = arith.constant 0 : index
    %swap3A_16 = arith.constant 0 : index
    %swap3A_17 = arith.constant 0 : index
    %swap3A_18 = vector.load %arg3[%swap3A, %swap3A_16, %swap3A_17] : memref<2x512x128xf32, #tpu.memory_space<vmem>>, vector<1x512x128xf32>
    %swap3A_19 = vector.shape_cast %swap3A_18 : vector<1x512x128xf32> to vector<512x128xf32>
    %swap3A_20 = vector.shape_cast %mul3A_15 : vector<512x128xf32> to vector<1x512x128xf32>
    tpu.vector_store %arg3[%swap3A, %swap3A_16, %swap3A_17], %swap3A_20 {strides = array<i32>} : memref<2x512x128xf32, #tpu.memory_space<vmem>>, vector<1x512x128xf32>,
    %slice3A_21 = vector.extract_strided_slice %get3A_14 {offsets = [0, 128], sizes = [512, 128], strides = [1, 1]} : vector<512x256xf32> to vector<512x128xf32>
    %mul3A_22 = vector.broadcast %rsqrt3A : vector<512x1xf32> to vector<512x128xf32>
    %mul3A_23 = arith.mulf %mul3A_22, %slice3A_21 : vector<512x128xf32>
    %swap3A_24 = arith.constant 1 : index
    %swap3A_25 = arith.constant 0 : index
    %swap3A_26 = arith.constant 0 : index
    %swap3A_27 = vector.load %arg3[%swap3A_24, %swap3A_25, %swap3A_26] : memref<2x512x128xf32, #tpu.memory_space<vmem>>, vector<1x512x128xf32>
    %swap3A_28 = vector.shape_cast %swap3A_27 : vector<1x512x128xf32> to vector<512x128xf32>
    %swap3A_29 = vector.shape_cast %mul3A_23 : vector<512x128xf32> to vector<1x512x128xf32>
    tpu.vector_store %arg3[%swap3A_24, %swap3A_25, %swap3A_26], %swap3A_29 {strides = array<i32>} : memref<2x512x128xf32, #tpu.memory_space<vmem>>, vector<1x512x128xf32>,
    %mul3A_30 = arith.mulf %rsqrt3A, %rsqrt3A : vector<512x1xf32>
    %swap3A_31 = arith.constant 0 : index
    %swap3A_32 = arith.constant 0 : index
    %swap3A_33 = vector.load %arg4[%swap3A_31, %swap3A_32] : memref<512x1xf32, #tpu.memory_space<vmem>>, vector<512x1xf32>
    tpu.vector_store %arg4[%swap3A_31, %swap3A_32], %mul3A_30 {strides = array<i32>} : memref<512x1xf32, #tpu.memory_space<vmem>>, vector<512x1xf32>,
    %swap3A_34 = arith.constant 0 : index
    %swap3A_35 = arith.constant 0 : index
    %swap3A_36 = vector.load %arg5[%swap3A_34, %swap3A_35] : memref<512x1xf32, #tpu.memory_space<vmem>>, vector<512x1xf32>
    tpu.vector_store %arg5[%swap3A_34, %swap3A_35], %rsqrt3A {strides = array<i32>} : memref<512x1xf32, #tpu.memory_space<vmem>>, vector<512x1xf32>,
    return
  }
  func.func @transform_0(%arg0: i32) -> (i32, i32, i32) {
    %c0_i32 = arith.constant 0 : i32
    %c0_i32_0 = arith.constant 0 : i32
    %c0_i32_1 = arith.constant 0 : i32
    return %c0_i32, %arg0, %c0_i32_0 : i32, i32, i32
  }
  func.func @transform_1(%arg0: i32) -> (i32, i32) {
    %c0_i32 = arith.constant 0 : i32
    %c0_i32_0 = arith.constant 0 : i32
    return %arg0, %c0_i32 : i32, i32
  }
  func.func @transform_2(%arg0: i32) -> (i32, i32, i32) {
    %c0_i32 = arith.constant 0 : i32
    %c0_i32_0 = arith.constant 0 : i32
    %c0_i32_1 = arith.constant 0 : i32
    return %c0_i32, %arg0, %c0_i32_0 : i32, i32, i32
  }
  func.func @transform_3(%arg0: i32) -> (i32, i32) {
    %c0_i32 = arith.constant 0 : i32
    %c0_i32_0 = arith.constant 0 : i32
    return %arg0, %c0_i32 : i32, i32
  }
  func.func @transform_4(%arg0: i32) -> (i32, i32) {
    %c0_i32 = arith.constant 0 : i32
    %c0_i32_0 = arith.constant 0 : i32
    return %arg0, %c0_i32 : i32, i32
  }
}

module attributes {stable_mosaic.version = 14 : i64} {
  func.func @body(%arg0: i32, %arg1: memref<512x256xf32, #tpu.memory_space<vmem>>, %arg2: memref<256x256xf32, #tpu.memory_space<vmem>>, %arg3: memref<1x256xf32, #tpu.memory_space<vmem>>, %arg4: memref<512x256xf32, #tpu.memory_space<vmem>>) attributes {dimension_semantics = [#tpu.dimension_semantics<arbitrary>], iteration_bounds = array<i64: 20>, scalar_prefetch = 0 : i64, scratch_operands = 0 : i64, tpu.core_type = #tpu.core_type<tc>, window_params = [{transform_indices = @transform_0, window_bounds = array<i64: 512, 256>}, {pipeline_mode = #tpu.pipeline_mode<synchronous>, transform_indices = @transform_1, window_bounds = array<i64: 256, 256>}, {pipeline_mode = #tpu.pipeline_mode<synchronous>, transform_indices = @transform_2, window_bounds = array<i64: 1, 256>}, {transform_indices = @transform_3, window_bounds = array<i64: 512, 256>}]} {
    %get3A = arith.constant 0 : index
    %get3A_0 = arith.constant 0 : index
    %get3A_1 = vector.load %arg1[%get3A, %get3A_0] : memref<512x256xf32, #tpu.memory_space<vmem>>, vector<512x256xf32>
    %get3A_2 = arith.constant 0 : index
    %get3A_3 = arith.constant 0 : index
    %get3A_4 = vector.load %arg2[%get3A_2, %get3A_3] : memref<256x256xf32, #tpu.memory_space<vmem>>, vector<256x256xf32>
    %dot_general3A = arith.constant dense<0.000000e+00> : vector<512x256xf32>
    %dot_general3A_5 = tpu.matmul %get3A_1, %get3A_4, %dot_general3A {dimension_numbers = #tpu.dot_dimension_numbers<[1], [1], [0], [0], [0, 0, 1, 0], [], []>, transpose_lhs_hint = false} : vector<512x256xf32>, vector<256x256xf32>, vector<512x256xf32> -> vector<512x256xf32>
    %get3A_6 = arith.constant 0 : index
    %get3A_7 = arith.constant 0 : index
    %get3A_8 = vector.load %arg3[%get3A_6, %get3A_7] : memref<1x256xf32, #tpu.memory_space<vmem>>, vector<1x256xf32>
    %add3A = vector.broadcast %get3A_8 : vector<1x256xf32> to vector<512x256xf32>
    %add3A_9 = arith.addf %dot_general3A_5, %add3A : vector<512x256xf32>
    %swap3A = arith.constant 0 : index
    %swap3A_10 = arith.constant 0 : index
    %swap3A_11 = vector.load %arg4[%swap3A, %swap3A_10] : memref<512x256xf32, #tpu.memory_space<vmem>>, vector<512x256xf32>
    tpu.vector_store %arg4[%swap3A, %swap3A_10], %add3A_9 {strides = array<i32>} : memref<512x256xf32, #tpu.memory_space<vmem>>, vector<512x256xf32>,
    return
  }
  func.func @transform_0(%arg0: i32) -> (i32, i32) {
    %c0_i32 = arith.constant 0 : i32
    %c0_i32_0 = arith.constant 0 : i32
    return %arg0, %c0_i32 : i32, i32
  }
  func.func @transform_1(%arg0: i32) -> (i32, i32) {
    %c0_i32 = arith.constant 0 : i32
    %c0_i32_0 = arith.constant 0 : i32
    %c0_i32_1 = arith.constant 0 : i32
    return %c0_i32, %c0_i32_0 : i32, i32
  }
  func.func @transform_2(%arg0: i32) -> (i32, i32) {
    %c0_i32 = arith.constant 0 : i32
    %c0_i32_0 = arith.constant 0 : i32
    %c0_i32_1 = arith.constant 0 : i32
    return %c0_i32, %c0_i32_0 : i32, i32
  }
  func.func @transform_3(%arg0: i32) -> (i32, i32) {
    %c0_i32 = arith.constant 0 : i32
    %c0_i32_0 = arith.constant 0 : i32
    return %arg0, %c0_i32 : i32, i32
  }
}

module attributes {stable_mosaic.version = 14 : i64} {
  func.func @body(%arg0: i32, %arg1: memref<2x512x128xf32, #tpu.memory_space<vmem>>, %arg2: memref<2x512x128xf32, #tpu.memory_space<vmem>>, %arg3: memref<512x1xf32, #tpu.memory_space<vmem>>, %arg4: memref<2x512x128xf32, #tpu.memory_space<vmem>>) attributes {dimension_semantics = [#tpu.dimension_semantics<arbitrary>], iteration_bounds = array<i64: 20>, scalar_prefetch = 0 : i64, scratch_operands = 0 : i64, tpu.core_type = #tpu.core_type<tc>, window_params = [{transform_indices = @transform_0, window_bounds = array<i64: 2, 512, 128>}, {transform_indices = @transform_1, window_bounds = array<i64: 2, 512, 128>}, {transform_indices = @transform_2, window_bounds = array<i64: 512, 1>}, {transform_indices = @transform_3, window_bounds = array<i64: 2, 512, 128>}]} {
    %get3A = arith.constant 0 : index
    %get3A_0 = arith.constant 0 : index
    %get3A_1 = vector.load %arg3[%get3A, %get3A_0] : memref<512x1xf32, #tpu.memory_space<vmem>>, vector<512x1xf32>
    %get3A_2 = arith.constant 0 : index
    %get3A_3 = arith.constant 0 : index
    %get3A_4 = arith.constant 0 : index
    %get3A_5 = vector.load %arg1[%get3A_2, %get3A_3, %get3A_4] : memref<2x512x128xf32, #tpu.memory_space<vmem>>, vector<1x512x128xf32>
    %get3A_6 = vector.shape_cast %get3A_5 : vector<1x512x128xf32> to vector<512x128xf32>
    %get3A_7 = arith.constant 0 : index
    %get3A_8 = arith.constant 0 : index
    %get3A_9 = arith.constant 0 : index
    %get3A_10 = vector.load %arg2[%get3A_7, %get3A_8, %get3A_9] : memref<2x512x128xf32, #tpu.memory_space<vmem>>, vector<1x512x128xf32>
    %get3A_11 = vector.shape_cast %get3A_10 : vector<1x512x128xf32> to vector<512x128xf32>
    %add3A = arith.addf %get3A_6, %get3A_11 : vector<512x128xf32>
    %mul3A = vector.broadcast %get3A_1 : vector<512x1xf32> to vector<512x128xf32>
    %mul3A_12 = arith.mulf %mul3A, %add3A : vector<512x128xf32>
    %swap3A = arith.constant 0 : index
    %swap3A_13 = arith.constant 0 : index
    %swap3A_14 = arith.constant 0 : index
    %swap3A_15 = vector.load %arg4[%swap3A, %swap3A_13, %swap3A_14] : memref<2x512x128xf32, #tpu.memory_space<vmem>>, vector<1x512x128xf32>
    %swap3A_16 = vector.shape_cast %swap3A_15 : vector<1x512x128xf32> to vector<512x128xf32>
    %swap3A_17 = vector.shape_cast %mul3A_12 : vector<512x128xf32> to vector<1x512x128xf32>
    tpu.vector_store %arg4[%swap3A, %swap3A_13, %swap3A_14], %swap3A_17 {strides = array<i32>} : memref<2x512x128xf32, #tpu.memory_space<vmem>>, vector<1x512x128xf32>,
    %get3A_18 = arith.constant 1 : index
    %get3A_19 = arith.constant 0 : index
    %get3A_20 = arith.constant 0 : index
    %get3A_21 = vector.load %arg1[%get3A_18, %get3A_19, %get3A_20] : memref<2x512x128xf32, #tpu.memory_space<vmem>>, vector<1x512x128xf32>
    %get3A_22 = vector.shape_cast %get3A_21 : vector<1x512x128xf32> to vector<512x128xf32>
    %get3A_23 = arith.constant 1 : index
    %get3A_24 = arith.constant 0 : index
    %get3A_25 = arith.constant 0 : index
    %get3A_26 = vector.load %arg2[%get3A_23, %get3A_24, %get3A_25] : memref<2x512x128xf32, #tpu.memory_space<vmem>>, vector<1x512x128xf32>
    %get3A_27 = vector.shape_cast %get3A_26 : vector<1x512x128xf32> to vector<512x128xf32>
    %add3A_28 = arith.addf %get3A_22, %get3A_27 : vector<512x128xf32>
    %mul3A_29 = vector.broadcast %get3A_1 : vector<512x1xf32> to vector<512x128xf32>
    %mul3A_30 = arith.mulf %mul3A_29, %add3A_28 : vector<512x128xf32>
    %swap3A_31 = arith.constant 1 : index
    %swap3A_32 = arith.constant 0 : index
    %swap3A_33 = arith.constant 0 : index
    %swap3A_34 = vector.load %arg4[%swap3A_31, %swap3A_32, %swap3A_33] : memref<2x512x128xf32, #tpu.memory_space<vmem>>, vector<1x512x128xf32>
    %swap3A_35 = vector.shape_cast %swap3A_34 : vector<1x512x128xf32> to vector<512x128xf32>
    %swap3A_36 = vector.shape_cast %mul3A_30 : vector<512x128xf32> to vector<1x512x128xf32>
    tpu.vector_store %arg4[%swap3A_31, %swap3A_32, %swap3A_33], %swap3A_36 {strides = array<i32>} : memref<2x512x128xf32, #tpu.memory_space<vmem>>, vector<1x512x128xf32>,
    return
  }
  func.func @transform_0(%arg0: i32) -> (i32, i32, i32) {
    %c0_i32 = arith.constant 0 : i32
    %c0_i32_0 = arith.constant 0 : i32
    %c0_i32_1 = arith.constant 0 : i32
    return %c0_i32, %arg0, %c0_i32_0 : i32, i32, i32
  }
  func.func @transform_1(%arg0: i32) -> (i32, i32, i32) {
    %c0_i32 = arith.constant 0 : i32
    %c0_i32_0 = arith.constant 0 : i32
    %c0_i32_1 = arith.constant 0 : i32
    return %c0_i32, %arg0, %c0_i32_0 : i32, i32, i32
  }
  func.func @transform_2(%arg0: i32) -> (i32, i32) {
    %c0_i32 = arith.constant 0 : i32
    %c0_i32_0 = arith.constant 0 : i32
    return %arg0, %c0_i32 : i32, i32
  }
  func.func @transform_3(%arg0: i32) -> (i32, i32, i32) {
    %c0_i32 = arith.constant 0 : i32
    %c0_i32_0 = arith.constant 0 : i32
    %c0_i32_1 = arith.constant 0 : i32
    return %c0_i32, %arg0, %c0_i32_0 : i32, i32, i32
  }
}

module attributes {stable_mosaic.version = 14 : i64} {
  func.func @body(%arg0: i32, %arg1: memref<2x512x128xf32, #tpu.memory_space<vmem>>, %arg2: memref<2x512x128xf32, #tpu.memory_space<vmem>>, %arg3: memref<512x1xf32, #tpu.memory_space<vmem>>, %arg4: memref<512x256xf32, #tpu.memory_space<vmem>>) attributes {dimension_semantics = [#tpu.dimension_semantics<arbitrary>], iteration_bounds = array<i64: 20>, scalar_prefetch = 0 : i64, scratch_operands = 0 : i64, tpu.core_type = #tpu.core_type<tc>, window_params = [{transform_indices = @transform_0, window_bounds = array<i64: 2, 512, 128>}, {transform_indices = @transform_1, window_bounds = array<i64: 2, 512, 128>}, {transform_indices = @transform_2, window_bounds = array<i64: 512, 1>}, {transform_indices = @transform_3, window_bounds = array<i64: 512, 256>}]} {
    %get3A = arith.constant 0 : index
    %get3A_0 = arith.constant 0 : index
    %get3A_1 = vector.load %arg3[%get3A, %get3A_0] : memref<512x1xf32, #tpu.memory_space<vmem>>, vector<512x1xf32>
    %get3A_2 = arith.constant 0 : index
    %get3A_3 = arith.constant 0 : index
    %get3A_4 = arith.constant 0 : index
    %get3A_5 = vector.load %arg1[%get3A_2, %get3A_3, %get3A_4] : memref<2x512x128xf32, #tpu.memory_space<vmem>>, vector<1x512x128xf32>
    %get3A_6 = vector.shape_cast %get3A_5 : vector<1x512x128xf32> to vector<512x128xf32>
    %get3A_7 = arith.constant 0 : index
    %get3A_8 = arith.constant 0 : index
    %get3A_9 = arith.constant 0 : index
    %get3A_10 = vector.load %arg2[%get3A_7, %get3A_8, %get3A_9] : memref<2x512x128xf32, #tpu.memory_space<vmem>>, vector<1x512x128xf32>
    %get3A_11 = vector.shape_cast %get3A_10 : vector<1x512x128xf32> to vector<512x128xf32>
    %add3A = arith.addf %get3A_6, %get3A_11 : vector<512x128xf32>
    %mul3A = vector.broadcast %get3A_1 : vector<512x1xf32> to vector<512x128xf32>
    %mul3A_12 = arith.mulf %mul3A, %add3A : vector<512x128xf32>
    %swap3A = arith.constant 0 : index
    %swap3A_13 = arith.constant 0 : index
    %swap3A_14 = vector.load %arg4[%swap3A, %swap3A_13] : memref<512x256xf32, #tpu.memory_space<vmem>>, vector<512x128xf32>
    tpu.vector_store %arg4[%swap3A, %swap3A_13], %mul3A_12 {strides = array<i32>} : memref<512x256xf32, #tpu.memory_space<vmem>>, vector<512x128xf32>,
    %get3A_15 = arith.constant 1 : index
    %get3A_16 = arith.constant 0 : index
    %get3A_17 = arith.constant 0 : index
    %get3A_18 = vector.load %arg1[%get3A_15, %get3A_16, %get3A_17] : memref<2x512x128xf32, #tpu.memory_space<vmem>>, vector<1x512x128xf32>
    %get3A_19 = vector.shape_cast %get3A_18 : vector<1x512x128xf32> to vector<512x128xf32>
    %get3A_20 = arith.constant 1 : index
    %get3A_21 = arith.constant 0 : index
    %get3A_22 = arith.constant 0 : index
    %get3A_23 = vector.load %arg2[%get3A_20, %get3A_21, %get3A_22] : memref<2x512x128xf32, #tpu.memory_space<vmem>>, vector<1x512x128xf32>
    %get3A_24 = vector.shape_cast %get3A_23 : vector<1x512x128xf32> to vector<512x128xf32>
    %add3A_25 = arith.addf %get3A_19, %get3A_24 : vector<512x128xf32>
    %mul3A_26 = vector.broadcast %get3A_1 : vector<512x1xf32> to vector<512x128xf32>
    %mul3A_27 = arith.mulf %mul3A_26, %add3A_25 : vector<512x128xf32>
    %swap3A_28 = arith.constant 0 : index
    %swap3A_29 = arith.constant 128 : index
    %swap3A_30 = vector.load %arg4[%swap3A_28, %swap3A_29] : memref<512x256xf32, #tpu.memory_space<vmem>>, vector<512x128xf32>
    tpu.vector_store %arg4[%swap3A_28, %swap3A_29], %mul3A_27 {strides = array<i32>} : memref<512x256xf32, #tpu.memory_space<vmem>>, vector<512x128xf32>,
    return
  }
  func.func @transform_0(%arg0: i32) -> (i32, i32, i32) {
    %c0_i32 = arith.constant 0 : i32
    %c0_i32_0 = arith.constant 0 : i32
    %c0_i32_1 = arith.constant 0 : i32
    return %c0_i32, %arg0, %c0_i32_0 : i32, i32, i32
  }
  func.func @transform_1(%arg0: i32) -> (i32, i32, i32) {
    %c0_i32 = arith.constant 0 : i32
    %c0_i32_0 = arith.constant 0 : i32
    %c0_i32_1 = arith.constant 0 : i32
    return %c0_i32, %arg0, %c0_i32_0 : i32, i32, i32
  }
  func.func @transform_2(%arg0: i32) -> (i32, i32) {
    %c0_i32 = arith.constant 0 : i32
    %c0_i32_0 = arith.constant 0 : i32
    return %arg0, %c0_i32 : i32, i32
  }
  func.func @transform_3(%arg0: i32) -> (i32, i32) {
    %c0_i32 = arith.constant 0 : i32
    %c0_i32_0 = arith.constant 0 : i32
    return %arg0, %c0_i32 : i32, i32
  }
}

</mosaic_0001>

<sc_bundles>
// kernel: kernel.11.cloned.1.call-start
scs
__scs_entry_jumppad:
0x0: {  	(pc) =	sbr.rel $0x88, $3  }
0x1: {  	(tag) =	ssettag $0x0;
	lr =	simm.s32 $0x1  }
0x2: {  	[smem:$0x3F9D] =	sst lr;
	_ =	strace $0xD0000000  }
0x3: {  	_ = 	snop  }
0x4: {  	_ = 	snop  }
0x5: {  	_ = 	snop  }
0x6: {  	_ = 	snop  }
0x7: {  	_ = 	snop  }
__scs_overlays_trampoline_lowered:
0x8: {  	[smem:$0x3FAC] =	sst s0  }
0x9: {  	[smem:$0x3FAD] =	sst s1  }
0xa: {  	[smem:$0x3FAE] =	sst s2  }
0xb: {  	[smem:$0x3FAF] =	sst s3  }
0xc: {  	[smem:$0x3FB0] =	sst s4  }
0xd: {  	[smem:$0x3FB1] =	sst s5  }
0xe: {  	[smem:$0x3FB2] =	sst s6  }
0xf: {  	[smem:$0x3FB3] =	sst s7  }
0x10: {  	[smem:$0x3FB4] =	sst s8  }
0x11: {  	[smem:$0x3FB5] =	sst s9;
	s0 =	simm.s32 @!p0 $0x0  }
0x12: {  	s1 =	sld [smem:$0x3F9B];
	s0 =	simm.s32 @p0 $0x1  }
0x13: {  	[smem:$0x3FB6] =	sst s0;
	s0 =	simm.s32 @!p1 $0x0  }
0x14: {  	s2 =	sld [smem:$0x3F9A];
	s0 =	simm.s32 @p1 $0x1  }
0x15: {  	[smem:$0x3FB7] =	sst s0;
	s0 =	simm.s32 @!p2 $0x0  }
0x16: {  	s3 =	sld [smem:$0x3FDB];
	s0 =	simm.s32 @p2 $0x1  }
0x17: {  	s4 =	simm.s32 $0x1BF5;
	[smem:$0x3FB9] =	sst s0  }
0x18: {  	s0 =	sld [smem:$0x3F9C];
	_ =	swait.ge [sflag:s4], $0x0  }
0x19: {  	s7 =	sld [smem:$0x3F9D]  }
0x1a: {  	s8 =	sadd.s32 $0xFFFFE003, lr  }
0x1b: {  	s9 =	sadd.s32 $0xFFFFFEF7, lr;
	s5 =	simm.s32 $0xFFFFFFFF;
	p2 =	slt.u32 s8, $0xFFFFF086  }
0x1c: {  	p1 =	slt.u32 s9, $0xF7A;
	s5 =	simm.s32 @!p2 $0x0  }
0x1d: {  	s5 =	simm.s32 @p1 $0x1;
	p0 =	seq.s32 s7, s2  }
0x1e: {  	s7 =	smul.u32 @!p0 $0xF7A, s2;
	p2 =	seq.s32 @!p0 s5, $0x0  }
0x1f: {  	s9 =	smul.u32 $0xF7A, s1;
	s8 =	simm.s32 @!p0 $0x1BF5;
	p2 =	por !p2, p0  }
0x20: {  	[sflag:s8] =	ssyncset.s32 @!p0 $0xFFFFF086;
	s6 =	sadd.s32 @!p0 s3, s7;
	s7 =	simm.s32 @!p0 $0x108  }
0x21: {  	s3 =	sadd.s32 s3, s9;
	s6 =	sadd.s32 @!p0 $0x88, s6;
	s7 =	simm.s32 @p2 $0x1082  }
0x22: {  	[simem:s7], [sflag:s8] =	dma.local @!p0 [hbm:s6], $0xF7A  }
0x23: {  	s9 =	sor.u32 $0xD0000000, s2;
	s6 =	simm.s32 $0x108;
	_ =	swait.ge @!p0 [sflag:s8], $0x0  }
0x24: {  	s3 =	sadd.s32 $0x88, s3;
	s6 =	simm.s32 @!p1 $0x1082;
	[sflag:s4] =	ssyncset.s32 $0xFFFFF086  }
0x25: {  	[simem:s6], [sflag:s4] =	dma.local [hbm:s3], $0xF7A  }
0x26: {  	[smem:$0x3F9D] =	sst s1;
	(tag) =	ssettag s2;
	_ =	strace s9  }
0x27: {  	s1 =	sld [smem:$0x3FAD]  }
0x28: {  	s2 =	sld [smem:$0x3FAE]  }
0x29: {  	s4 =	sld [smem:$0x3FB0]  }
0x2a: {  	p0 =	seq.s32 s5, $0x0;
	s5 =	sld [smem:$0x3FB1]  }
0x2b: {  	s6 =	sld [smem:$0x3FB2]  }
0x2c: {  	s7 =	sld [smem:$0x3FB3]  }
0x2d: {  	s3 =	simm.s32 $0x108;
	s8 =	sld [smem:$0x3FB4]  }
0x2e: {  	s3 =	simm.s32 @!p0 $0x1082;
	s9 =	sld [smem:$0x3FB5]  }
0x2f: {  	lr =	sadd.s32 s0, s3;
	s0 =	sld [smem:$0x3FAC]  }
0x30: {  	s3 =	sld [smem:$0x3FAF]  }
0x31: {  	[smem:$0x3FB8] =	sst s10  }
0x32: {  	s10 =	sld [smem:$0x3FB6];
	_ =	sdelay $0x3  }
0x33: {  	p0 =	seq.s32 s10, $0x1;
	s10 =	sld [smem:$0x3FB8];
	_ =	sdelay $0x3  }
0x34: {  	[smem:$0x3FB8] =	sst s10  }
0x35: {  	s10 =	sld [smem:$0x3FB7];
	_ =	sdelay $0x3  }
0x36: {  	p1 =	seq.s32 s10, $0x1;
	s10 =	sld [smem:$0x3FB8];
	_ =	sdelay $0x3  }
0x37: {  	[smem:$0x3FB8] =	sst s10  }
0x38: {  	s10 =	sld [smem:$0x3FB9]  }
0x39: {  	_ = 	snop;
	(pc) =	sbr.ind lr, $3  }
0x3a: {  	_ = 	snop  }
0x3b: {  	_ = 	snop  }
0x3c: {  	p2 =	seq.s32 s10, $0x1;
	s10 =	sld [smem:$0x3FB8]  }
0x3d: {  	_ =	shalt  }
0x3e: {  	_ =	shalt  }
0x3f: {  	_ =	shalt  }
0x40: {  	_ =	shalt  }
0x41: {  	_ =	shalt  }
0x42: {  	_ =	shalt  }
0x43: {  	_ =	shalt  }
0x44: {  	_ =	shalt  }
0x45: {  	_ =	shalt  }
0x46: {  	_ =	shalt  }
0x47: {  	_ =	shalt  }
0x48: {  	_ =	shalt  }
0x49: {  	_ =	shalt  }
0x4a: {  	_ =	shalt  }
0x4b: {  	_ =	shalt  }
0x4c: {  	_ =	shalt  }
0x4d: {  	_ =	shalt  }
0x4e: {  	_ =	shalt  }
0x4f: {  	_ =	shalt  }
0x50: {  	_ =	shalt  }
0x51: {  	_ =	shalt  }
0x52: {  	_ =	shalt  }
0x53: {  	_ =	shalt  }
0x54: {  	_ =	shalt  }
0x55: {  	_ =	shalt  }
0x56: {  	_ =	shalt  }
0x57: {  	_ =	shalt  }
0x58: {  	_ =	shalt  }
0x59: {  	_ =	shalt  }
0x5a: {  	_ =	shalt  }
0x5b: {  	_ =	shalt  }
0x5c: {  	_ =	shalt  }
0x5d: {  	_ =	shalt  }
0x5e: {  	_ =	shalt  }
0x5f: {  	_ =	shalt  }
0x60: {  	_ =	shalt  }
0x61: {  	_ =	shalt  }
0x62: {  	_ =	shalt  }
0x63: {  	_ =	shalt  }
0x64: {  	_ =	shalt  }
0x65: {  	_ =	shalt  }
0x66: {  	_ =	shalt  }
0x67: {  	_ =	shalt  }
0x68: {  	_ =	shalt  }
0x69: {  	_ =	shalt  }
0x6a: {  	_ =	shalt  }
0x6b: {  	_ =	shalt  }
0x6c: {  	_ =	shalt  }
0x6d: {  	_ =	shalt  }
0x6e: {  	_ =	shalt  }
0x6f: {  	_ =	shalt  }
0x70: {  	_ =	shalt  }
0x71: {  	_ =	shalt  }
0x72: {  	_ =	shalt  }
0x73: {  	_ =	shalt  }
0x74: {  	_ =	shalt  }
0x75: {  	_ =	shalt  }
0x76: {  	_ =	shalt  }
0x77: {  	_ =	shalt  }
0x78: {  	_ =	shalt  }
0x79: {  	_ =	shalt  }
0x7a: {  	_ =	shalt  }
0x7b: {  	_ =	shalt  }
0x7c: {  	_ =	shalt  }
0x7d: {  	_ =	shalt  }
0x7e: {  	_ =	shalt  }
0x7f: {  	_ =	shalt  }
0x80: {  	_ =	shalt  }
0x81: {  	_ =	shalt  }
0x82: {  	_ =	shalt  }
0x83: {  	_ =	shalt  }
0x84: {  	_ =	shalt  }
0x85: {  	_ =	shalt  }
0x86: {  	_ =	shalt  }
0x87: {  	_ =	shalt  }
.Lfunc_end0:
.L_simem_size_0:
called_computation_lowered:
.L_overlay_start_0:
0x88: {  	s2 =	sld [smem:$0x3FD9]  }
0x89: {  	s3 =	sld [smem:$0x3FFE];
	_ =	sdelay $0x1  }
0x8a: {  	s1 =	srdreg.scid  }
0x8b: {  	s0 =	sand.u32 $0x1, s1  }
0x8c: {  	s17 =	sshll.u32 s0, $0xA;
	s2 =	sadd.s32 s3, s2  }
0x8d: {  	s2 =	sadd.s32 s2, s17  }
0x8e: {  	[smem:$0x3FC4] =	sst s2  }
0x8f: {  	_ = 	snop  }
0x90: {  	s2 =	sld [smem:$0x3FD0];
	(tm) =	ssettm $0x1  }
0x91: {  	s18 =	sld [smem:$0x3FFB];
	_ =	sdelay $0x3  }
0x92: {  	_ =	strace s18  }
0x93: {  	s3 =	sld [smem:$0x3FFC];
	_ =	sdelay $0x3  }
0x94: {  	_ =	strace s3  }
0x95: {  	s3 =	sld [smem:$0x3FFD];
	_ =	sdelay $0x3  }
0x96: {  	_ =	strace s3  }
0x97: {  	_ =	strace $0x8FFFFFFF  }
0x98: {  	s19 =	sld [smem:$0x3FDB];
	_ =	sdelay $0x1  }
0x99: {  	s4 =	simm.s32 $_scs_section_size  }
0x9a: {  	s5 =	simm.s32 $_size__tile_overlayer_lowered;
	s6 =	simm.s32 $_tile_overlayer_lowered  }
0x9b: {  	s22 =	simm.s32 $0x1BFF;
	s21 =	sshll.u32 s6, $0x1;
	s3 =	sadd.s32 s4, s19  }
0x9c: {  	s7 =	simm.s32 $0x0;
	s20 =	sshll.u32 s5, $0x1;
	s5 =	sadd.s32 s21, s3  }
0x9d: {  	[timem:s7], [sflag:s22] =	dma.local [hbm:s5], s20  }
0x9e: {  	_ =	swait.ge [sflag:s22], s20  }
0x9f: {  	s4 =	ssub.s32 $0x0, s20;
	[sflag:s22] =	ssyncset.done $0x0  }
0xa0: {  	[sflag:s22] =	ssyncadd.s32 s4;
	_ =	sdelay $0x1  }
0xa1: {  	s23 =	simm.s32 $0x1B8B  }
0xa2: {  	_ =	swait.ge [sflag:s23], $0x1  }
0xa3: {  	[sflag:s23] =	ssyncset.done $0x0  }
0xa4: {  	s25 =	simm.s32 $0x1B8E;
	s24 =	sld [smem:$0x3FFE];
	[sflag:s23] =	ssyncadd.s32 $0xFFFFFFFF  }
0xa5: {  	s26 =	simm.s32 $execute0_lowered;
	[smem:$0x3FD2] =	sst s25  }
0xa6: {  	s5 =	sshll.u32 s26, $0x1;
	_ =	strace $0x80000046;
	[dreg:$0x1] =	wrdreg $0xFFFFFFFF  }
0xa7: {  	s28 =	simm.s32 $_size_execute0_lowered;
	s3 =	sadd.s32 s3, s5;
	[dreg:$0x0] =	wrdreg $0x0  }
0xa8: {  	s5 =	sshll.u32 s28, $0x1;
	[dreg:$0x2] =	wrdreg s3  }
0xa9: {  	[dreg:$0x3] =	wrdreg s5  }
0xaa: {  	[dreg:$0x4] =	wrdreg $0xC0  }
0xab: {  	_ =	task [dreg:s7], $0x5FFFF  }
0xac: {  	[dreg:$0x1] =	wrdreg $0xFFFFFFFF  }
0xad: {  	[dreg:$0x0] =	wrdreg $0x60  }
0xae: {  	[dreg:$0x2] =	wrdreg s24  }
0xaf: {  	[dreg:$0x3] =	wrdreg s2  }
0xb0: {  	[dreg:$0x4] =	wrdreg $0x68000  }
0xb1: {  	[dreg:$0x5] =	wrdreg $0x9  }
0xb2: {  	_ =	task.clear_ibuf [dreg:s7], $0x6FFFF;
	_ =	strace $0x90000046  }
0xb3: {  	s29 =	simm.s32 $0x9;
	_ =	strace $0x80000048  }
0xb4: {  	_ =	swait.ge [sflag:s29], $0x1  }
0xb5: {  	[sflag:s29] =	ssyncadd.s32 $0xFFFFFFFF  }
0xb6: {  	_ =	strace $0x90000048  }
0xb7: {  	_ =	sfence  }
0xb8: {  	s30 =	sld [smem:$0x0];
	_ =	sdelay $0x2  }
0xb9: {  	s31 =	sshll.u32 s1, $0xD;
	s1 =	sshrl.u32 s1, $0x2  }
0xba: {  	s3 =	sand.u32 $0x4000, s31;
	s1 =	sadd.s32 s1, s30  }
0xbb: {  	s0 =	sor.u32 s3, s0;
	s1 =	sshll.u32 s1, $0x11  }
0xbc: {  	s0 =	sor.u32 s1, s0  }
0xbd: {  	s0 =	sadd.s32 $0x8F2B, s0  }
0xbe: {  	[sflag:s0] =	ssyncadd.remote.s32 $0x1  }
0xbf: {  	_ =	sfence.sel $0xFFFF  }
0xc0: {  	[dreg:$0x0] =	wrdreg $0xFFFFFFFF;
	(pc) =	sbr.abs _section_cstart, $3  }
0xc1: {  	[dreg:$0x1] =	wrdreg $0xFFFFFFFF  }
0xc2: {  	_ =	task.clear_ibuf [dreg:s7], $0x2FFFF;
	_ =	strace $0x9FFFFFFF  }
0xc3: {  	(tm) =	ssettm $0x7FFFFFFF  }
tec
execute0_lowered:
.L_overlay_start_1:
0x0: {  	(tag) =	ssettag $0x1  }
0x1: {  	s5 =	rddreg [dreg:$0x0]  }
0x2: {  	s6 =	rddreg [dreg:$0x1]  }
0x3: {  	s2 =	rddreg [dreg:$0x2];
	s1 =	stileid.u32  }
0x4: {  	s0 =	rddreg [dreg:$0x3];
	s7 =	smul.u32 $0x500, s1  }
0x5: {  	s3 =	simm.s32 $0x0;
	s4 =	srdreg.scid;
	s11 =	smul.u32 $0x50000, s1  }
0x6: {  	[smem:$0x7FF] =	sst s3;
	s8 =	sand.u32 $0x1, s4;
	s14 =	smul.u32 $0x2800, s1  }
0x7: {  	s4 =	sadd.s32 $0x7400, s5;
	s12 =	sshll.u32 s1, $0x6;
	s9 =	smul.u32 $0x28000, s8  }
0x8: {  	_ =	strace $0x80000047;
	s10 =	ssub.s32 $0x2, s8;
	s13 =	smul.u32 $0x5000, s8  }
0x9: {  	s7 =	sadd.s32 s7, s5;
	s30 =	sshrl.u32 s10, $0x1;
	s31 =	sshrl.u32 s11, $0x2  }
0xa: {  	s9 =	sadd.s32 s9, s5;
	s10 =	ssub.s32 s10, s30;
	s11 =	sadd.s32 s31, s2  }
0xb: {  	s5 =	sadd.s32 s6, s14;
	s6 =	sor.u32 $0x1C01, s12;
	s7 =	sadd.s32 $0x2400, s7  }
0xc: {  	s12 =	simm.s32 $0x2800;
	s15 =	sadd.s32 $0x7C00, s9;
	s8 =	smax.u32 s10, $0x1  }
0xd: {  	s9 =	sshrl.u32 s13, $0x2;
	s10 =	sshrl.u32 s11, $0x3;
	s11 =	simm.s32 $0x1  }
0xe: {  	s13 =	simm.s32 $0x80;
	s14 =	sadd.s32 s14, s15;
	s15 =	simm.s32 $0x0  }
.LBB2_1:
0xf: {  	[spmem:s10], [sflag:s6] =	dma.local [hbm:s5], $0x2800  }
0x10: {  	_ =	swait.ge [sflag:s11], $0x2800  }
0x11: {  	[sflag:s11] =	ssyncset.done $0x0  }
0x12: {  	[sflag:s11] =	ssyncadd.s32 $0xFFFFD800  }
0x13: {  	[tilespmem:s12], [sflag:$0x1] =	stream.linear.gather [hbm4b:s4+s3], $0x4000, $0x38;
	[tilespmem:$0x1A800] =	vst v63  }
0x14: {  	_ =	swait.ge [sflag:s11], $0x4000  }
0x15: {  	[sflag:s11] =	ssyncset.done $0x0  }
0x16: {  	[sflag:s11] =	ssyncadd.s32 $0xFFFFC000  }
0x17: {  	[tilespmem:s3], [sflag:$0x1] =	stream.linear.gather [hbm4b:s7+s3], $0x2800, $0x38;
	[tilespmem:$0x1A800] =	vst v63  }
0x18: {  	_ =	swait.ge [sflag:s11], $0x2800  }
0x19: {  	[sflag:s11] =	ssyncset.done $0x0  }
0x1a: {  	[sflag:s11] =	ssyncadd.s32 $0xFFFFD800  }
0x1b: {  	s16 =	sadd.s32 $0x0, s9;
	[bflag:$0x0] =	sbarrier.arrive $0xFFFF  }
0x1c: {  	[spmem:s2] =	stream.indirect.scatter.add.f32 [tilespmem:s12], [sflag:$0x1], $0x80, s16, s13, $0xb8;
	[tilespmem:$0x1A800] =	vst v63  }
0x1d: {  	s16 =	simm.s32 $0x200;
	_ =	swait.ge [sflag:s11], $0x4000  }
.LBB2_2:
0x1e: {  	s17 =	sshra.s32 s16, $0x2;
	[sflag:s11] =	ssyncset.done $0x0;
	p0 =	sne.s32 s16, $0x4E00  }
.Ltmp0:
0x1f: {  	s17 =	sadd.s32 s17, s9;
	[sflag:s11] =	ssyncadd.s32 $0xFFFFC000;
	(pc) =	sbr.rel @p0 .LBB2_2-.Ltmp0, $3  }
0x20: {  	[spmem:s2] =	stream.indirect.scatter.add.f32 [tilespmem:s12], [sflag:$0x1], $0x80, s17, s13, $0xb8;
	[tilespmem:$0x1A800] =	vst v63  }
0x21: {  	s16 =	sadd.s32 $0x200, s16;
	_ =	sdelay $0x1  }
0x22: {  	_ =	swait.ge [sflag:s11], $0x4000  }
0x23: {  	[sflag:s11] =	ssyncset.done $0x0;
	s15 =	sadd.s32 $0x1, s15  }
0x24: {  	[sflag:s11] =	ssyncadd.s32 $0xFFFFC000;
	p0 =	sne.s32 s15, s8  }
.Ltmp1:
0x25: {  	[bflag:$0x0] =	sbarrier.arrive $0xFFFF;
	(pc) =	sbr.rel @p0 .LBB2_1-.Ltmp1, $4  }
0x26: {  	[hbm:s14], [sflag:s6] =	dma.local [spmem:s10], $0x2800  }
0x27: {  	_ =	swait.ge [sflag:s11], $0x2800  }
0x28: {  	[sflag:s11] =	ssyncset.done $0x0  }
0x29: {  	[sflag:s11] =	ssyncadd.s32 $0xFFFFD800  }
0x2a: {  	_ =	sfence.sel $0x180000  }
0x2b: {  	[bflag:$0x0] =	sbarrier.arrive $0xFFFF  }
0x2c: {  	p0 =	sne.s32 s1, $0x0;
	_ =	strace $0x90000047  }
0x2d: {  	s0 =	sadd.s32 @!p0 $0x100000, s0;
	[bflag:$0x2] =	sbarrier.arrive $0xFFFF  }
0x2e: {  	[sflag:s0] =	ssyncadd.tile.s32 @!p0 $0x1;
	_ =	shalt  }
.Lfunc_end2:
_tile_overlayer_lowered:
.L_overlay_start_2:
0x2f: {  	(tag) =	ssettag $0x2  }
0x30: {  	s0 =	rddreg [dreg:$0x0];
	s2 =	stileid.u32  }
0x31: {  	s1 =	rddreg [dreg:$0x1];
	p0 =	sne.s32 s2, $0x0  }
0x32: {  	s3 =	rddreg [dreg:$0x2];
	[bflag:$0x3] =	sbarrier.arrive $0xFFFF;
	s2 =	simm.s32 @!p0 $0x1C01  }
0x33: {  	[timem:s3], [sflag:s2] =	dma.local @!p0 [hbm:s0], s1  }
0x34: {  	s0 =	simm.s32 @!p0 $0x1  }
0x35: {  	_ =	swait.ge @!p0 [sflag:s0], s1  }
0x36: {  	s1 =	ssub.s32 @!p0 $0x0, s1;
	[sflag:s0] =	ssyncset.done @!p0 $0x0  }
0x37: {  	[sflag:s0] =	ssyncadd.s32 @!p0 s1  }
0x38: {  	[bflag:$0x3] =	sbarrier.arrive $0xFFFF  }
0x39: {  	_ =	shalt  }

// kernel: kernel.14.cloned.1.call-start
scs
__scs_entry_jumppad:
0x0: {  	(pc) =	sbr.rel $0x88, $3  }
0x1: {  	(tag) =	ssettag $0x0;
	lr =	simm.s32 $0x1  }
0x2: {  	[smem:$0x3F9D] =	sst lr;
	_ =	strace $0xD0000000  }
0x3: {  	_ = 	snop  }
0x4: {  	_ = 	snop  }
0x5: {  	_ = 	snop  }
0x6: {  	_ = 	snop  }
0x7: {  	_ = 	snop  }
__scs_overlays_trampoline_lowered:
0x8: {  	[smem:$0x3FAC] =	sst s0  }
0x9: {  	[smem:$0x3FAD] =	sst s1  }
0xa: {  	[smem:$0x3FAE] =	sst s2  }
0xb: {  	[smem:$0x3FAF] =	sst s3  }
0xc: {  	[smem:$0x3FB0] =	sst s4  }
0xd: {  	[smem:$0x3FB1] =	sst s5  }
0xe: {  	[smem:$0x3FB2] =	sst s6  }
0xf: {  	[smem:$0x3FB3] =	sst s7  }
0x10: {  	[smem:$0x3FB4] =	sst s8  }
0x11: {  	[smem:$0x3FB5] =	sst s9;
	s0 =	simm.s32 @!p0 $0x0  }
0x12: {  	s1 =	sld [smem:$0x3F9B];
	s0 =	simm.s32 @p0 $0x1  }
0x13: {  	[smem:$0x3FB6] =	sst s0;
	s0 =	simm.s32 @!p1 $0x0  }
0x14: {  	s2 =	sld [smem:$0x3F9A];
	s0 =	simm.s32 @p1 $0x1  }
0x15: {  	[smem:$0x3FB7] =	sst s0;
	s0 =	simm.s32 @!p2 $0x0  }
0x16: {  	s3 =	sld [smem:$0x3FDB];
	s0 =	simm.s32 @p2 $0x1  }
0x17: {  	s4 =	simm.s32 $0x1BF5;
	[smem:$0x3FB9] =	sst s0  }
0x18: {  	s0 =	sld [smem:$0x3F9C];
	_ =	swait.ge [sflag:s4], $0x0  }
0x19: {  	s7 =	sld [smem:$0x3F9D]  }
0x1a: {  	s8 =	sadd.s32 $0xFFFFE003, lr  }
0x1b: {  	s9 =	sadd.s32 $0xFFFFFEF7, lr;
	s5 =	simm.s32 $0xFFFFFFFF;
	p2 =	slt.u32 s8, $0xFFFFF086  }
0x1c: {  	p1 =	slt.u32 s9, $0xF7A;
	s5 =	simm.s32 @!p2 $0x0  }
0x1d: {  	s5 =	simm.s32 @p1 $0x1;
	p0 =	seq.s32 s7, s2  }
0x1e: {  	s7 =	smul.u32 @!p0 $0xF7A, s2;
	p2 =	seq.s32 @!p0 s5, $0x0  }
0x1f: {  	s9 =	smul.u32 $0xF7A, s1;
	s8 =	simm.s32 @!p0 $0x1BF5;
	p2 =	por !p2, p0  }
0x20: {  	[sflag:s8] =	ssyncset.s32 @!p0 $0xFFFFF086;
	s6 =	sadd.s32 @!p0 s3, s7;
	s7 =	simm.s32 @!p0 $0x108  }
0x21: {  	s3 =	sadd.s32 s3, s9;
	s6 =	sadd.s32 @!p0 $0x88, s6;
	s7 =	simm.s32 @p2 $0x1082  }
0x22: {  	[simem:s7], [sflag:s8] =	dma.local @!p0 [hbm:s6], $0xF7A  }
0x23: {  	s9 =	sor.u32 $0xD0000000, s2;
	s6 =	simm.s32 $0x108;
	_ =	swait.ge @!p0 [sflag:s8], $0x0  }
0x24: {  	s3 =	sadd.s32 $0x88, s3;
	s6 =	simm.s32 @!p1 $0x1082;
	[sflag:s4] =	ssyncset.s32 $0xFFFFF086  }
0x25: {  	[simem:s6], [sflag:s4] =	dma.local [hbm:s3], $0xF7A  }
0x26: {  	[smem:$0x3F9D] =	sst s1;
	(tag) =	ssettag s2;
	_ =	strace s9  }
0x27: {  	s1 =	sld [smem:$0x3FAD]  }
0x28: {  	s2 =	sld [smem:$0x3FAE]  }
0x29: {  	s4 =	sld [smem:$0x3FB0]  }
0x2a: {  	p0 =	seq.s32 s5, $0x0;
	s5 =	sld [smem:$0x3FB1]  }
0x2b: {  	s6 =	sld [smem:$0x3FB2]  }
0x2c: {  	s7 =	sld [smem:$0x3FB3]  }
0x2d: {  	s3 =	simm.s32 $0x108;
	s8 =	sld [smem:$0x3FB4]  }
0x2e: {  	s3 =	simm.s32 @!p0 $0x1082;
	s9 =	sld [smem:$0x3FB5]  }
0x2f: {  	lr =	sadd.s32 s0, s3;
	s0 =	sld [smem:$0x3FAC]  }
0x30: {  	s3 =	sld [smem:$0x3FAF]  }
0x31: {  	[smem:$0x3FB8] =	sst s10  }
0x32: {  	s10 =	sld [smem:$0x3FB6];
	_ =	sdelay $0x3  }
0x33: {  	p0 =	seq.s32 s10, $0x1;
	s10 =	sld [smem:$0x3FB8];
	_ =	sdelay $0x3  }
0x34: {  	[smem:$0x3FB8] =	sst s10  }
0x35: {  	s10 =	sld [smem:$0x3FB7];
	_ =	sdelay $0x3  }
0x36: {  	p1 =	seq.s32 s10, $0x1;
	s10 =	sld [smem:$0x3FB8];
	_ =	sdelay $0x3  }
0x37: {  	[smem:$0x3FB8] =	sst s10  }
0x38: {  	s10 =	sld [smem:$0x3FB9]  }
0x39: {  	_ = 	snop;
	(pc) =	sbr.ind lr, $3  }
0x3a: {  	_ = 	snop  }
0x3b: {  	_ = 	snop  }
0x3c: {  	p2 =	seq.s32 s10, $0x1;
	s10 =	sld [smem:$0x3FB8]  }
0x3d: {  	_ =	shalt  }
0x3e: {  	_ =	shalt  }
0x3f: {  	_ =	shalt  }
0x40: {  	_ =	shalt  }
0x41: {  	_ =	shalt  }
0x42: {  	_ =	shalt  }
0x43: {  	_ =	shalt  }
0x44: {  	_ =	shalt  }
0x45: {  	_ =	shalt  }
0x46: {  	_ =	shalt  }
0x47: {  	_ =	shalt  }
0x48: {  	_ =	shalt  }
0x49: {  	_ =	shalt  }
0x4a: {  	_ =	shalt  }
0x4b: {  	_ =	shalt  }
0x4c: {  	_ =	shalt  }
0x4d: {  	_ =	shalt  }
0x4e: {  	_ =	shalt  }
0x4f: {  	_ =	shalt  }
0x50: {  	_ =	shalt  }
0x51: {  	_ =	shalt  }
0x52: {  	_ =	shalt  }
0x53: {  	_ =	shalt  }
0x54: {  	_ =	shalt  }
0x55: {  	_ =	shalt  }
0x56: {  	_ =	shalt  }
0x57: {  	_ =	shalt  }
0x58: {  	_ =	shalt  }
0x59: {  	_ =	shalt  }
0x5a: {  	_ =	shalt  }
0x5b: {  	_ =	shalt  }
0x5c: {  	_ =	shalt  }
0x5d: {  	_ =	shalt  }
0x5e: {  	_ =	shalt  }
0x5f: {  	_ =	shalt  }
0x60: {  	_ =	shalt  }
0x61: {  	_ =	shalt  }
0x62: {  	_ =	shalt  }
0x63: {  	_ =	shalt  }
0x64: {  	_ =	shalt  }
0x65: {  	_ =	shalt  }
0x66: {  	_ =	shalt  }
0x67: {  	_ =	shalt  }
0x68: {  	_ =	shalt  }
0x69: {  	_ =	shalt  }
0x6a: {  	_ =	shalt  }
0x6b: {  	_ =	shalt  }
0x6c: {  	_ =	shalt  }
0x6d: {  	_ =	shalt  }
0x6e: {  	_ =	shalt  }
0x6f: {  	_ =	shalt  }
0x70: {  	_ =	shalt  }
0x71: {  	_ =	shalt  }
0x72: {  	_ =	shalt  }
0x73: {  	_ =	shalt  }
0x74: {  	_ =	shalt  }
0x75: {  	_ =	shalt  }
0x76: {  	_ =	shalt  }
0x77: {  	_ =	shalt  }
0x78: {  	_ =	shalt  }
0x79: {  	_ =	shalt  }
0x7a: {  	_ =	shalt  }
0x7b: {  	_ =	shalt  }
0x7c: {  	_ =	shalt  }
0x7d: {  	_ =	shalt  }
0x7e: {  	_ =	shalt  }
0x7f: {  	_ =	shalt  }
0x80: {  	_ =	shalt  }
0x81: {  	_ =	shalt  }
0x82: {  	_ =	shalt  }
0x83: {  	_ =	shalt  }
0x84: {  	_ =	shalt  }
0x85: {  	_ =	shalt  }
0x86: {  	_ =	shalt  }
0x87: {  	_ =	shalt  }
.Lfunc_end0:
.L_simem_size_0:
called_computation.1_lowered:
.L_overlay_start_0:
0x88: {  	s2 =	sld [smem:$0x3FD9]  }
0x89: {  	s3 =	sld [smem:$0x3FFE];
	_ =	sdelay $0x1  }
0x8a: {  	s1 =	srdreg.scid  }
0x8b: {  	s0 =	sand.u32 $0x1, s1  }
0x8c: {  	s17 =	sshll.u32 s0, $0xA;
	s2 =	sadd.s32 s3, s2  }
0x8d: {  	s2 =	sadd.s32 s2, s17  }
0x8e: {  	[smem:$0x3FC4] =	sst s2  }
0x8f: {  	_ = 	snop  }
0x90: {  	s2 =	sld [smem:$0x3FD0];
	(tm) =	ssettm $0x1  }
0x91: {  	s18 =	sld [smem:$0x3FFB];
	_ =	sdelay $0x3  }
0x92: {  	_ =	strace s18  }
0x93: {  	s3 =	sld [smem:$0x3FFC];
	_ =	sdelay $0x3  }
0x94: {  	_ =	strace s3  }
0x95: {  	s3 =	sld [smem:$0x3FFD];
	_ =	sdelay $0x3  }
0x96: {  	_ =	strace s3  }
0x97: {  	_ =	strace $0x8FFFFFFF  }
0x98: {  	s19 =	sld [smem:$0x3FDB];
	_ =	sdelay $0x1  }
0x99: {  	s4 =	simm.s32 $_scs_section_size  }
0x9a: {  	s5 =	simm.s32 $_size__tile_overlayer_lowered;
	s6 =	simm.s32 $_tile_overlayer_lowered  }
0x9b: {  	s22 =	simm.s32 $0x1BFF;
	s21 =	sshll.u32 s6, $0x1;
	s3 =	sadd.s32 s4, s19  }
0x9c: {  	s7 =	simm.s32 $0x0;
	s20 =	sshll.u32 s5, $0x1;
	s5 =	sadd.s32 s21, s3  }
0x9d: {  	[timem:s7], [sflag:s22] =	dma.local [hbm:s5], s20  }
0x9e: {  	_ =	swait.ge [sflag:s22], s20  }
0x9f: {  	s4 =	ssub.s32 $0x0, s20;
	[sflag:s22] =	ssyncset.done $0x0  }
0xa0: {  	[sflag:s22] =	ssyncadd.s32 s4;
	_ =	sdelay $0x1  }
0xa1: {  	s23 =	simm.s32 $0x1B8B  }
0xa2: {  	_ =	swait.ge [sflag:s23], $0x1  }
0xa3: {  	[sflag:s23] =	ssyncset.done $0x0  }
0xa4: {  	s25 =	simm.s32 $0x1B8E;
	s24 =	sld [smem:$0x3FFE];
	[sflag:s23] =	ssyncadd.s32 $0xFFFFFFFF  }
0xa5: {  	s26 =	simm.s32 $execute0_lowered;
	[smem:$0x3FD2] =	sst s25  }
0xa6: {  	s5 =	sshll.u32 s26, $0x1;
	_ =	strace $0x80000049;
	[dreg:$0x1] =	wrdreg $0xFFFFFFFF  }
0xa7: {  	s28 =	simm.s32 $_size_execute0_lowered;
	s3 =	sadd.s32 s3, s5;
	[dreg:$0x0] =	wrdreg $0x0  }
0xa8: {  	s5 =	sshll.u32 s28, $0x1;
	[dreg:$0x2] =	wrdreg s3  }
0xa9: {  	[dreg:$0x3] =	wrdreg s5  }
0xaa: {  	[dreg:$0x4] =	wrdreg $0xC0  }
0xab: {  	_ =	task [dreg:s7], $0x5FFFF  }
0xac: {  	[dreg:$0x1] =	wrdreg $0xFFFFFFFF  }
0xad: {  	[dreg:$0x0] =	wrdreg $0x60  }
0xae: {  	[dreg:$0x2] =	wrdreg s24  }
0xaf: {  	[dreg:$0x3] =	wrdreg s2  }
0xb0: {  	[dreg:$0x4] =	wrdreg $0xA8000  }
0xb1: {  	[dreg:$0x5] =	wrdreg $0x9  }
0xb2: {  	_ =	task.clear_ibuf [dreg:s7], $0x6FFFF;
	_ =	strace $0x90000049  }
0xb3: {  	s29 =	simm.s32 $0x9;
	_ =	strace $0x8000004B  }
0xb4: {  	_ =	swait.ge [sflag:s29], $0x1  }
0xb5: {  	[sflag:s29] =	ssyncadd.s32 $0xFFFFFFFF  }
0xb6: {  	_ =	strace $0x9000004B  }
0xb7: {  	_ =	sfence  }
0xb8: {  	s30 =	sld [smem:$0x0];
	_ =	sdelay $0x2  }
0xb9: {  	s31 =	sshll.u32 s1, $0xD;
	s1 =	sshrl.u32 s1, $0x2  }
0xba: {  	s3 =	sand.u32 $0x4000, s31;
	s1 =	sadd.s32 s1, s30  }
0xbb: {  	s0 =	sor.u32 s3, s0;
	s1 =	sshll.u32 s1, $0x11  }
0xbc: {  	s0 =	sor.u32 s1, s0  }
0xbd: {  	s0 =	sadd.s32 $0x8F2B, s0  }
0xbe: {  	[sflag:s0] =	ssyncadd.remote.s32 $0x1  }
0xbf: {  	_ =	sfence.sel $0xFFFF  }
0xc0: {  	[dreg:$0x0] =	wrdreg $0xFFFFFFFF;
	(pc) =	sbr.abs _section_cstart, $3  }
0xc1: {  	[dreg:$0x1] =	wrdreg $0xFFFFFFFF  }
0xc2: {  	_ =	task.clear_ibuf [dreg:s7], $0x2FFFF;
	_ =	strace $0x9FFFFFFF  }
0xc3: {  	(tm) =	ssettm $0x7FFFFFFF  }
tec
execute0_lowered:
.L_overlay_start_1:
0x0: {  	(tag) =	ssettag $0x1  }
0x1: {  	s4 =	rddreg [dreg:$0x0]  }
0x2: {  	s5 =	rddreg [dreg:$0x1]  }
0x3: {  	s2 =	rddreg [dreg:$0x2]  }
0x4: {  	s0 =	rddreg [dreg:$0x3];
	s1 =	stileid.u32  }
0x5: {  	s6 =	srdreg.scid;
	s3 =	simm.s32 $0x0;
	s13 =	simm.s32 $0x80  }
0x6: {  	s14 =	simm.s32 $0x2800;
	s15 =	simm.s32 $0x6800;
	s16 =	simm.s32 $0x1  }
0x7: {  	s17 =	simm.s32 $0x2;
	s18 =	simm.s32 $0x1380;
	s7 =	smul.u32 $0x500, s1  }
0x8: {  	s19 =	simm.s32 $0x2700;
	s20 =	simm.s32 $0x2780;
	s9 =	smul.u32 $0x50000, s1  }
0x9: {  	s6 =	sand.u32 $0x1, s6;
	[smem:$0x7FF] =	sst s3;
	s23 =	smul.u32 $0x2800, s1  }
0xa: {  	s31 =	sshll.u32 s1, $0x6;
	s8 =	smul.u32 $0x28000, s6;
	s6 =	ssub.s32 $0x2, s6  }
0xb: {  	_ =	strace $0x8000004A;
	s7 =	sadd.s32 s7, s4;
	s10 =	sshrl.u32 s6, $0x1  }
0xc: {  	s30 =	sshrl.u32 s9, $0x2;
	s11 =	sadd.s32 s8, s4;
	s10 =	ssub.s32 s6, s10  }
0xd: {  	s12 =	sadd.s32 s30, s2;
	s4 =	sadd.s32 s5, s23;
	s5 =	sor.u32 $0x1C03, s31  }
0xe: {  	s6 =	sadd.s32 $0x57C00, s7;
	s7 =	sadd.s32 $0x2400, s7;
	s8 =	sadd.s32 $0x7400, s11  }
0xf: {  	s24 =	sadd.s32 $0x5CC00, s11;
	s9 =	smax.u32 s10, $0x1;
	s10 =	sshrl.u32 s12, $0x3  }
0x10: {  	s11 =	simm.s32 $0x3;
	s12 =	simm.s32 $0x1400;
	s21 =	sadd.s32 $0x280, s6  }
0x11: {  	s22 =	sadd.s32 $0x280, s7;
	s23 =	sadd.s32 s23, s24;
	s24 =	simm.s32 $0x0  }
.LBB2_1:
0x12: {  	[spmem:s10], [sflag:s5] =	dma.local [hbm:s4], $0x2800  }
0x13: {  	_ =	swait.ge [sflag:s11], $0x2800  }
0x14: {  	[sflag:s11] =	ssyncset.done $0x0  }
0x15: {  	[sflag:s11] =	ssyncadd.s32 $0xFFFFD800  }
0x16: {  	[bflag:$0x0] =	sbarrier.arrive $0xFFFF  }
0x17: {  	[tilespmem:s3], [sflag:$0x3] =	stream.linear.gather [hbm4b:s6+s3], $0x1400, $0x38;
	[tilespmem:$0x1E800] =	vst v63  }
0x18: {  	_ =	swait.ge [sflag:s11], $0x1400  }
0x19: {  	[sflag:s11] =	ssyncset.done $0x0  }
0x1a: {  	[sflag:s11] =	ssyncadd.s32 $0xFFFFEC00  }
0x1b: {  	[tilespmem:s12], [sflag:$0x3] =	stream.linear.gather [hbm4b:s7+s3], $0x1400, $0x38;
	[tilespmem:$0x1E800] =	vst v63  }
0x1c: {  	_ =	swait.ge [sflag:s11], $0x1400  }
0x1d: {  	[sflag:s11] =	ssyncset.done $0x0  }
0x1e: {  	[sflag:s11] =	ssyncadd.s32 $0xFFFFEC00  }
0x1f: {  	[tilespmem:s14], [sflag:$0x1] =	stream.indirect.gather [hbm4b:s8+s13], $0x80, s3, s13, $0xb8;
	[tilespmem:$0x1E800] =	vst v63  }
0x20: {  	s25 =	simm.s32 $0x80  }
0x21: {  	[tilespmem:s15], [sflag:$0x2] =	stream.indirect.gather [hbm4b:s8+s13], $0x80, s25, s13, $0xb8;
	[tilespmem:$0x1E800] =	vst v63  }
0x22: {  	_ =	swait.ge [sflag:s16], $0x4000  }
0x23: {  	[sflag:s16] =	ssyncset.done $0x0  }
0x24: {  	s29 =	simm.s32 $0x1400;
	[sflag:s16] =	ssyncadd.s32 $0xFFFFC000  }
0x25: {  	[spmem:s2] =	stream.indirect.scatter.add.f32 [tilespmem:s14], [sflag:$0x3], $0x80, s29, s13, $0xb8;
	[tilespmem:$0x1E800] =	vst v63  }
0x26: {  	_ =	swait.ge [sflag:s11], $0x4000  }
0x27: {  	[sflag:s11] =	ssyncset.done $0x0  }
0x28: {  	s30 =	simm.s32 $0x100;
	[sflag:s11] =	ssyncadd.s32 $0xFFFFC000  }
0x29: {  	[tilespmem:s14], [sflag:$0x1] =	stream.indirect.gather [hbm4b:s8+s13], $0x80, s30, s13, $0xb8;
	[tilespmem:$0x1E800] =	vst v63  }
0x2a: {  	_ =	swait.ge [sflag:s17], $0x4000  }
0x2b: {  	[sflag:s17] =	ssyncset.done $0x0  }
0x2c: {  	s31 =	simm.s32 $0x1480;
	[sflag:s17] =	ssyncadd.s32 $0xFFFFC000  }
0x2d: {  	[spmem:s2] =	stream.indirect.scatter.add.f32 [tilespmem:s15], [sflag:$0x3], $0x80, s31, s13, $0xb8;
	[tilespmem:$0x1E800] =	vst v63  }
0x2e: {  	_ =	swait.ge [sflag:s11], $0x4000  }
0x2f: {  	s26 =	simm.s32 $0x800;
	s25 =	simm.s32 $0x100;
	[sflag:s11] =	ssyncset.done $0x0  }
.LBB2_2:
0x30: {  	s28 =	sadd.s32 $0x80, s25  }
0x31: {  	[sflag:s11] =	ssyncadd.s32 $0xFFFFC000;
	s29 =	smov.u32 s26;
	s30 =	sadd.s32 $0x400, s26  }
0x32: {  	[tilespmem:s15], [sflag:$0x2] =	stream.indirect.gather [hbm4b:s8+s13], $0x80, s28, s13, $0xb8;
	[tilespmem:$0x1E800] =	vst v63  }
0x33: {  	p0 =	sne.s32 s26, $0x4800;
	_ =	swait.ge [sflag:s16], $0x4000  }
0x34: {  	[sflag:s16] =	ssyncset.done $0x0  }
0x35: {  	s26 =	sadd.s32 $0x1400, s25;
	[sflag:s16] =	ssyncadd.s32 $0xFFFFC000  }
0x36: {  	[spmem:s2] =	stream.indirect.scatter.add.f32 [tilespmem:s14], [sflag:$0x3], $0x80, s26, s13, $0xb8;
	[tilespmem:$0x1E800] =	vst v63  }
0x37: {  	_ =	swait.ge [sflag:s11], $0x4000  }
0x38: {  	[sflag:s11] =	ssyncset.done $0x0  }
0x39: {  	s26 =	sadd.s32 $0x100, s25;
	[sflag:s11] =	ssyncadd.s32 $0xFFFFC000  }
0x3a: {  	[tilespmem:s14], [sflag:$0x1] =	stream.indirect.gather [hbm4b:s8+s13], $0x80, s26, s13, $0xb8;
	[tilespmem:$0x1E800] =	vst v63  }
0x3b: {  	_ =	swait.ge [sflag:s17], $0x4000  }
.Ltmp0:
0x3c: {  	[sflag:s17] =	ssyncset.done $0x0;
	(pc) =	sbr.rel @p0 .LBB2_2-.Ltmp0, $4  }
0x3d: {  	s25 =	sadd.s32 $0x1480, s25;
	[sflag:s17] =	ssyncadd.s32 $0xFFFFC000  }
0x3e: {  	[spmem:s2] =	stream.indirect.scatter.add.f32 [tilespmem:s15], [sflag:$0x3], $0x80, s25, s13, $0xb8;
	[tilespmem:$0x1E800] =	vst v63  }
0x3f: {  	_ =	swait.ge [sflag:s11], $0x4000  }
0x40: {  	s26 =	smov.u32 s30;
	s25 =	sshra.s32 s29, $0x2;
	[sflag:s11] =	ssyncset.done $0x0  }
0x41: {  	s26 =	sadd.s32 $0x80, s25;
	[sflag:s11] =	ssyncadd.s32 $0xFFFFC000  }
0x42: {  	[tilespmem:s15], [sflag:$0x2] =	stream.indirect.gather [hbm4b:s8+s13], $0x80, s26, s13, $0xb8;
	[tilespmem:$0x1E800] =	vst v63  }
0x43: {  	_ =	swait.ge [sflag:s16], $0x4000  }
0x44: {  	[sflag:s16] =	ssyncset.done $0x0  }
0x45: {  	s29 =	sadd.s32 $0x1400, s25;
	[sflag:s16] =	ssyncadd.s32 $0xFFFFC000  }
0x46: {  	[spmem:s2] =	stream.indirect.scatter.add.f32 [tilespmem:s14], [sflag:$0x3], $0x80, s29, s13, $0xb8;
	[tilespmem:$0x1E800] =	vst v63  }
0x47: {  	_ =	swait.ge [sflag:s11], $0x4000  }
0x48: {  	[sflag:s11] =	ssyncset.done $0x0  }
0x49: {  	s30 =	sadd.s32 $0x100, s25;
	[sflag:s11] =	ssyncadd.s32 $0xFFFFC000  }
0x4a: {  	[tilespmem:s14], [sflag:$0x1] =	stream.indirect.gather [hbm4b:s8+s13], $0x80, s30, s13, $0xb8;
	[tilespmem:$0x1E800] =	vst v63  }
0x4b: {  	_ =	swait.ge [sflag:s17], $0x4000  }
0x4c: {  	[sflag:s17] =	ssyncset.done $0x0  }
0x4d: {  	s31 =	sadd.s32 $0x1480, s25;
	[sflag:s17] =	ssyncadd.s32 $0xFFFFC000  }
0x4e: {  	[spmem:s2] =	stream.indirect.scatter.add.f32 [tilespmem:s15], [sflag:$0x3], $0x80, s31, s13, $0xb8;
	[tilespmem:$0x1E800] =	vst v63  }
0x4f: {  	_ =	swait.ge [sflag:s11], $0x4000  }
0x50: {  	[sflag:s11] =	ssyncset.done $0x0  }
0x51: {  	[sflag:s11] =	ssyncadd.s32 $0xFFFFC000  }
0x52: {  	[tilespmem:s15], [sflag:$0x2] =	stream.indirect.gather [hbm4b:s8+s13], $0x80, s18, s13, $0xb8;
	[tilespmem:$0x1E800] =	vst v63  }
0x53: {  	_ =	swait.ge [sflag:s16], $0x4000  }
0x54: {  	[sflag:s16] =	ssyncset.done $0x0  }
0x55: {  	[sflag:s16] =	ssyncadd.s32 $0xFFFFC000  }
0x56: {  	[spmem:s2] =	stream.indirect.scatter.add.f32 [tilespmem:s14], [sflag:$0x3], $0x80, s19, s13, $0xb8;
	[tilespmem:$0x1E800] =	vst v63  }
0x57: {  	_ =	swait.ge [sflag:s11], $0x4000  }
0x58: {  	[sflag:s11] =	ssyncset.done $0x0  }
0x59: {  	[sflag:s11] =	ssyncadd.s32 $0xFFFFC000  }
0x5a: {  	_ =	swait.ge [sflag:s17], $0x4000  }
0x5b: {  	[sflag:s17] =	ssyncset.done $0x0  }
0x5c: {  	[sflag:s17] =	ssyncadd.s32 $0xFFFFC000  }
0x5d: {  	[spmem:s2] =	stream.indirect.scatter.add.f32 [tilespmem:s15], [sflag:$0x3], $0x80, s20, s13, $0xb8;
	[tilespmem:$0x1E800] =	vst v63  }
0x5e: {  	_ =	swait.ge [sflag:s11], $0x4000  }
0x5f: {  	[sflag:s11] =	ssyncset.done $0x0  }
0x60: {  	s26 =	simm.s32 $0x0;
	[sflag:s11] =	ssyncadd.s32 $0xFFFFC000  }
0x61: {  	[tilespmem:s26], [sflag:$0x3] =	stream.linear.gather [hbm4b:s21+s26], $0x1400, $0x38;
	[tilespmem:$0x1E800] =	vst v63  }
0x62: {  	_ =	swait.ge [sflag:s11], $0x1400  }
0x63: {  	[sflag:s11] =	ssyncset.done $0x0  }
0x64: {  	[sflag:s11] =	ssyncadd.s32 $0xFFFFEC00  }
0x65: {  	[tilespmem:s12], [sflag:$0x3] =	stream.linear.gather [hbm4b:s22+s26], $0x1400, $0x38;
	[tilespmem:$0x1E800] =	vst v63  }
0x66: {  	_ =	swait.ge [sflag:s11], $0x1400  }
0x67: {  	[sflag:s11] =	ssyncset.done $0x0  }
0x68: {  	[sflag:s11] =	ssyncadd.s32 $0xFFFFEC00  }
0x69: {  	[tilespmem:s14], [sflag:$0x1] =	stream.indirect.gather [hbm4b:s8+s13], $0x80, s26, s13, $0xb8;
	[tilespmem:$0x1E800] =	vst v63  }
0x6a: {  	s28 =	simm.s32 $0x80  }
0x6b: {  	[tilespmem:s15], [sflag:$0x2] =	stream.indirect.gather [hbm4b:s8+s13], $0x80, s28, s13, $0xb8;
	[tilespmem:$0x1E800] =	vst v63  }
0x6c: {  	_ =	swait.ge [sflag:s16], $0x4000  }
0x6d: {  	[sflag:s16] =	ssyncset.done $0x0  }
0x6e: {  	s29 =	simm.s32 $0x1400;
	[sflag:s16] =	ssyncadd.s32 $0xFFFFC000  }
0x6f: {  	[spmem:s2] =	stream.indirect.scatter.add.f32 [tilespmem:s14], [sflag:$0x3], $0x80, s29, s13, $0xb8;
	[tilespmem:$0x1E800] =	vst v63  }
0x70: {  	_ =	swait.ge [sflag:s11], $0x4000  }
0x71: {  	[sflag:s11] =	ssyncset.done $0x0  }
0x72: {  	s30 =	simm.s32 $0x100;
	[sflag:s11] =	ssyncadd.s32 $0xFFFFC000  }
0x73: {  	[tilespmem:s14], [sflag:$0x1] =	stream.indirect.gather [hbm4b:s8+s13], $0x80, s30, s13, $0xb8;
	[tilespmem:$0x1E800] =	vst v63  }
0x74: {  	_ =	swait.ge [sflag:s17], $0x4000  }
0x75: {  	[sflag:s17] =	ssyncset.done $0x0  }
0x76: {  	s31 =	simm.s32 $0x1480;
	[sflag:s17] =	ssyncadd.s32 $0xFFFFC000  }
0x77: {  	[spmem:s2] =	stream.indirect.scatter.add.f32 [tilespmem:s15], [sflag:$0x3], $0x80, s31, s13, $0xb8;
	[tilespmem:$0x1E800] =	vst v63  }
0x78: {  	_ =	swait.ge [sflag:s11], $0x4000  }
0x79: {  	s25 =	simm.s32 $0x100;
	s26 =	simm.s32 $0x800;
	[sflag:s11] =	ssyncset.done $0x0  }
.LBB2_4:
0x7a: {  	s28 =	sadd.s32 $0x80, s25  }
0x7b: {  	[sflag:s11] =	ssyncadd.s32 $0xFFFFC000;
	s29 =	smov.u32 s26;
	s30 =	sadd.s32 $0x400, s26  }
0x7c: {  	[tilespmem:s15], [sflag:$0x2] =	stream.indirect.gather [hbm4b:s8+s13], $0x80, s28, s13, $0xb8;
	[tilespmem:$0x1E800] =	vst v63  }
0x7d: {  	p0 =	sne.s32 s26, $0x4800;
	_ =	swait.ge [sflag:s16], $0x4000  }
0x7e: {  	[sflag:s16] =	ssyncset.done $0x0  }
0x7f: {  	s26 =	sadd.s32 $0x1400, s25;
	[sflag:s16] =	ssyncadd.s32 $0xFFFFC000  }
0x80: {  	[spmem:s2] =	stream.indirect.scatter.add.f32 [tilespmem:s14], [sflag:$0x3], $0x80, s26, s13, $0xb8;
	[tilespmem:$0x1E800] =	vst v63  }
0x81: {  	_ =	swait.ge [sflag:s11], $0x4000  }
0x82: {  	[sflag:s11] =	ssyncset.done $0x0  }
0x83: {  	s26 =	sadd.s32 $0x100, s25;
	[sflag:s11] =	ssyncadd.s32 $0xFFFFC000  }
0x84: {  	[tilespmem:s14], [sflag:$0x1] =	stream.indirect.gather [hbm4b:s8+s13], $0x80, s26, s13, $0xb8;
	[tilespmem:$0x1E800] =	vst v63  }
0x85: {  	_ =	swait.ge [sflag:s17], $0x4000  }
.Ltmp1:
0x86: {  	[sflag:s17] =	ssyncset.done $0x0;
	(pc) =	sbr.rel @p0 .LBB2_4-.Ltmp1, $4  }
0x87: {  	s25 =	sadd.s32 $0x1480, s25;
	[sflag:s17] =	ssyncadd.s32 $0xFFFFC000  }
0x88: {  	[spmem:s2] =	stream.indirect.scatter.add.f32 [tilespmem:s15], [sflag:$0x3], $0x80, s25, s13, $0xb8;
	[tilespmem:$0x1E800] =	vst v63  }
0x89: {  	_ =	swait.ge [sflag:s11], $0x4000  }
0x8a: {  	s26 =	smov.u32 s30;
	s25 =	sshra.s32 s29, $0x2;
	[sflag:s11] =	ssyncset.done $0x0  }
0x8b: {  	s26 =	sadd.s32 $0x80, s25;
	[sflag:s11] =	ssyncadd.s32 $0xFFFFC000  }
0x8c: {  	[tilespmem:s15], [sflag:$0x2] =	stream.indirect.gather [hbm4b:s8+s13], $0x80, s26, s13, $0xb8;
	[tilespmem:$0x1E800] =	vst v63  }
0x8d: {  	_ =	swait.ge [sflag:s16], $0x4000  }
0x8e: {  	[sflag:s16] =	ssyncset.done $0x0  }
0x8f: {  	s29 =	sadd.s32 $0x1400, s25;
	[sflag:s16] =	ssyncadd.s32 $0xFFFFC000  }
0x90: {  	[spmem:s2] =	stream.indirect.scatter.add.f32 [tilespmem:s14], [sflag:$0x3], $0x80, s29, s13, $0xb8;
	[tilespmem:$0x1E800] =	vst v63  }
0x91: {  	_ =	swait.ge [sflag:s11], $0x4000  }
0x92: {  	[sflag:s11] =	ssyncset.done $0x0  }
0x93: {  	s30 =	sadd.s32 $0x100, s25;
	[sflag:s11] =	ssyncadd.s32 $0xFFFFC000  }
0x94: {  	[tilespmem:s14], [sflag:$0x1] =	stream.indirect.gather [hbm4b:s8+s13], $0x80, s30, s13, $0xb8;
	[tilespmem:$0x1E800] =	vst v63  }
0x95: {  	_ =	swait.ge [sflag:s17], $0x4000  }
0x96: {  	[sflag:s17] =	ssyncset.done $0x0  }
0x97: {  	s31 =	sadd.s32 $0x1480, s25;
	[sflag:s17] =	ssyncadd.s32 $0xFFFFC000  }
0x98: {  	[spmem:s2] =	stream.indirect.scatter.add.f32 [tilespmem:s15], [sflag:$0x3], $0x80, s31, s13, $0xb8;
	[tilespmem:$0x1E800] =	vst v63  }
0x99: {  	_ =	swait.ge [sflag:s11], $0x4000  }
0x9a: {  	[sflag:s11] =	ssyncset.done $0x0  }
0x9b: {  	[sflag:s11] =	ssyncadd.s32 $0xFFFFC000  }
0x9c: {  	[tilespmem:s15], [sflag:$0x2] =	stream.indirect.gather [hbm4b:s8+s13], $0x80, s18, s13, $0xb8;
	[tilespmem:$0x1E800] =	vst v63  }
0x9d: {  	_ =	swait.ge [sflag:s16], $0x4000  }
0x9e: {  	[sflag:s16] =	ssyncset.done $0x0  }
0x9f: {  	[sflag:s16] =	ssyncadd.s32 $0xFFFFC000  }
0xa0: {  	[spmem:s2] =	stream.indirect.scatter.add.f32 [tilespmem:s14], [sflag:$0x3], $0x80, s19, s13, $0xb8;
	[tilespmem:$0x1E800] =	vst v63  }
0xa1: {  	_ =	swait.ge [sflag:s11], $0x4000  }
0xa2: {  	[sflag:s11] =	ssyncset.done $0x0  }
0xa3: {  	[sflag:s11] =	ssyncadd.s32 $0xFFFFC000  }
0xa4: {  	_ =	swait.ge [sflag:s17], $0x4000  }
0xa5: {  	[sflag:s17] =	ssyncset.done $0x0  }
0xa6: {  	[sflag:s17] =	ssyncadd.s32 $0xFFFFC000  }
0xa7: {  	[spmem:s2] =	stream.indirect.scatter.add.f32 [tilespmem:s15], [sflag:$0x3], $0x80, s20, s13, $0xb8;
	[tilespmem:$0x1E800] =	vst v63  }
0xa8: {  	_ =	swait.ge [sflag:s11], $0x4000  }
0xa9: {  	s24 =	sadd.s32 $0x1, s24;
	[sflag:s11] =	ssyncset.done $0x0  }
0xaa: {  	p0 =	sne.s32 s24, s9;
	[sflag:s11] =	ssyncadd.s32 $0xFFFFC000  }
.Ltmp2:
0xab: {  	[bflag:$0x0] =	sbarrier.arrive $0xFFFF;
	(pc) =	sbr.rel @p0 .LBB2_1-.Ltmp2, $4  }
0xac: {  	[hbm:s23], [sflag:s5] =	dma.local [spmem:s10], $0x2800  }
0xad: {  	_ =	swait.ge [sflag:s11], $0x2800  }
0xae: {  	[sflag:s11] =	ssyncset.done $0x0  }
0xaf: {  	[sflag:s11] =	ssyncadd.s32 $0xFFFFD800  }
0xb0: {  	_ =	sfence.sel $0x180000  }
0xb1: {  	[bflag:$0x0] =	sbarrier.arrive $0xFFFF  }
0xb2: {  	p0 =	sne.s32 s1, $0x0;
	_ =	strace $0x9000004A  }
0xb3: {  	s0 =	sadd.s32 @!p0 $0x100000, s0;
	[bflag:$0x2] =	sbarrier.arrive $0xFFFF  }
0xb4: {  	[sflag:s0] =	ssyncadd.tile.s32 @!p0 $0x1;
	_ =	shalt  }
.Lfunc_end2:
_tile_overlayer_lowered:
.L_overlay_start_2:
0xb5: {  	(tag) =	ssettag $0x2  }
0xb6: {  	s0 =	rddreg [dreg:$0x0];
	s2 =	stileid.u32  }
0xb7: {  	s1 =	rddreg [dreg:$0x1];
	p0 =	sne.s32 s2, $0x0  }
0xb8: {  	s3 =	rddreg [dreg:$0x2];
	[bflag:$0x3] =	sbarrier.arrive $0xFFFF;
	s2 =	simm.s32 @!p0 $0x1C03  }
0xb9: {  	[timem:s3], [sflag:s2] =	dma.local @!p0 [hbm:s0], s1  }
0xba: {  	s0 =	simm.s32 @!p0 $0x3  }
0xbb: {  	_ =	swait.ge @!p0 [sflag:s0], s1  }
0xbc: {  	s1 =	ssub.s32 @!p0 $0x0, s1;
	[sflag:s0] =	ssyncset.done @!p0 $0x0  }
0xbd: {  	[sflag:s0] =	ssyncadd.s32 @!p0 s1  }
0xbe: {  	[bflag:$0x3] =	sbarrier.arrive $0xFFFF  }
0xbf: {  	_ =	shalt  }

// kernel: kernel.17.cloned.1.call-start
scs
__scs_entry_jumppad:
0x0: {  	(pc) =	sbr.rel $0x88, $3  }
0x1: {  	(tag) =	ssettag $0x0;
	lr =	simm.s32 $0x1  }
0x2: {  	[smem:$0x3F9D] =	sst lr;
	_ =	strace $0xD0000000  }
0x3: {  	_ = 	snop  }
0x4: {  	_ = 	snop  }
0x5: {  	_ = 	snop  }
0x6: {  	_ = 	snop  }
0x7: {  	_ = 	snop  }
__scs_overlays_trampoline_lowered:
0x8: {  	[smem:$0x3FAC] =	sst s0  }
0x9: {  	[smem:$0x3FAD] =	sst s1  }
0xa: {  	[smem:$0x3FAE] =	sst s2  }
0xb: {  	[smem:$0x3FAF] =	sst s3  }
0xc: {  	[smem:$0x3FB0] =	sst s4  }
0xd: {  	[smem:$0x3FB1] =	sst s5  }
0xe: {  	[smem:$0x3FB2] =	sst s6  }
0xf: {  	[smem:$0x3FB3] =	sst s7  }
0x10: {  	[smem:$0x3FB4] =	sst s8  }
0x11: {  	[smem:$0x3FB5] =	sst s9;
	s0 =	simm.s32 @!p0 $0x0  }
0x12: {  	s1 =	sld [smem:$0x3F9B];
	s0 =	simm.s32 @p0 $0x1  }
0x13: {  	[smem:$0x3FB6] =	sst s0;
	s0 =	simm.s32 @!p1 $0x0  }
0x14: {  	s2 =	sld [smem:$0x3F9A];
	s0 =	simm.s32 @p1 $0x1  }
0x15: {  	[smem:$0x3FB7] =	sst s0;
	s0 =	simm.s32 @!p2 $0x0  }
0x16: {  	s3 =	sld [smem:$0x3FDB];
	s0 =	simm.s32 @p2 $0x1  }
0x17: {  	s4 =	simm.s32 $0x1BF5;
	[smem:$0x3FB9] =	sst s0  }
0x18: {  	s0 =	sld [smem:$0x3F9C];
	_ =	swait.ge [sflag:s4], $0x0  }
0x19: {  	s7 =	sld [smem:$0x3F9D]  }
0x1a: {  	s8 =	sadd.s32 $0xFFFFE003, lr  }
0x1b: {  	s9 =	sadd.s32 $0xFFFFFEF7, lr;
	s5 =	simm.s32 $0xFFFFFFFF;
	p2 =	slt.u32 s8, $0xFFFFF086  }
0x1c: {  	p1 =	slt.u32 s9, $0xF7A;
	s5 =	simm.s32 @!p2 $0x0  }
0x1d: {  	s5 =	simm.s32 @p1 $0x1;
	p0 =	seq.s32 s7, s2  }
0x1e: {  	s7 =	smul.u32 @!p0 $0xF7A, s2;
	p2 =	seq.s32 @!p0 s5, $0x0  }
0x1f: {  	s9 =	smul.u32 $0xF7A, s1;
	s8 =	simm.s32 @!p0 $0x1BF5;
	p2 =	por !p2, p0  }
0x20: {  	[sflag:s8] =	ssyncset.s32 @!p0 $0xFFFFF086;
	s6 =	sadd.s32 @!p0 s3, s7;
	s7 =	simm.s32 @!p0 $0x108  }
0x21: {  	s3 =	sadd.s32 s3, s9;
	s6 =	sadd.s32 @!p0 $0x88, s6;
	s7 =	simm.s32 @p2 $0x1082  }
0x22: {  	[simem:s7], [sflag:s8] =	dma.local @!p0 [hbm:s6], $0xF7A  }
0x23: {  	s9 =	sor.u32 $0xD0000000, s2;
	s6 =	simm.s32 $0x108;
	_ =	swait.ge @!p0 [sflag:s8], $0x0  }
0x24: {  	s3 =	sadd.s32 $0x88, s3;
	s6 =	simm.s32 @!p1 $0x1082;
	[sflag:s4] =	ssyncset.s32 $0xFFFFF086  }
0x25: {  	[simem:s6], [sflag:s4] =	dma.local [hbm:s3], $0xF7A  }
0x26: {  	[smem:$0x3F9D] =	sst s1;
	(tag) =	ssettag s2;
	_ =	strace s9  }
0x27: {  	s1 =	sld [smem:$0x3FAD]  }
0x28: {  	s2 =	sld [smem:$0x3FAE]  }
0x29: {  	s4 =	sld [smem:$0x3FB0]  }
0x2a: {  	p0 =	seq.s32 s5, $0x0;
	s5 =	sld [smem:$0x3FB1]  }
0x2b: {  	s6 =	sld [smem:$0x3FB2]  }
0x2c: {  	s7 =	sld [smem:$0x3FB3]  }
0x2d: {  	s3 =	simm.s32 $0x108;
	s8 =	sld [smem:$0x3FB4]  }
0x2e: {  	s3 =	simm.s32 @!p0 $0x1082;
	s9 =	sld [smem:$0x3FB5]  }
0x2f: {  	lr =	sadd.s32 s0, s3;
	s0 =	sld [smem:$0x3FAC]  }
0x30: {  	s3 =	sld [smem:$0x3FAF]  }
0x31: {  	[smem:$0x3FB8] =	sst s10  }
0x32: {  	s10 =	sld [smem:$0x3FB6];
	_ =	sdelay $0x3  }
0x33: {  	p0 =	seq.s32 s10, $0x1;
	s10 =	sld [smem:$0x3FB8];
	_ =	sdelay $0x3  }
0x34: {  	[smem:$0x3FB8] =	sst s10  }
0x35: {  	s10 =	sld [smem:$0x3FB7];
	_ =	sdelay $0x3  }
0x36: {  	p1 =	seq.s32 s10, $0x1;
	s10 =	sld [smem:$0x3FB8];
	_ =	sdelay $0x3  }
0x37: {  	[smem:$0x3FB8] =	sst s10  }
0x38: {  	s10 =	sld [smem:$0x3FB9]  }
0x39: {  	_ = 	snop;
	(pc) =	sbr.ind lr, $3  }
0x3a: {  	_ = 	snop  }
0x3b: {  	_ = 	snop  }
0x3c: {  	p2 =	seq.s32 s10, $0x1;
	s10 =	sld [smem:$0x3FB8]  }
0x3d: {  	_ =	shalt  }
0x3e: {  	_ =	shalt  }
0x3f: {  	_ =	shalt  }
0x40: {  	_ =	shalt  }
0x41: {  	_ =	shalt  }
0x42: {  	_ =	shalt  }
0x43: {  	_ =	shalt  }
0x44: {  	_ =	shalt  }
0x45: {  	_ =	shalt  }
0x46: {  	_ =	shalt  }
0x47: {  	_ =	shalt  }
0x48: {  	_ =	shalt  }
0x49: {  	_ =	shalt  }
0x4a: {  	_ =	shalt  }
0x4b: {  	_ =	shalt  }
0x4c: {  	_ =	shalt  }
0x4d: {  	_ =	shalt  }
0x4e: {  	_ =	shalt  }
0x4f: {  	_ =	shalt  }
0x50: {  	_ =	shalt  }
0x51: {  	_ =	shalt  }
0x52: {  	_ =	shalt  }
0x53: {  	_ =	shalt  }
0x54: {  	_ =	shalt  }
0x55: {  	_ =	shalt  }
0x56: {  	_ =	shalt  }
0x57: {  	_ =	shalt  }
0x58: {  	_ =	shalt  }
0x59: {  	_ =	shalt  }
0x5a: {  	_ =	shalt  }
0x5b: {  	_ =	shalt  }
0x5c: {  	_ =	shalt  }
0x5d: {  	_ =	shalt  }
0x5e: {  	_ =	shalt  }
0x5f: {  	_ =	shalt  }
0x60: {  	_ =	shalt  }
0x61: {  	_ =	shalt  }
0x62: {  	_ =	shalt  }
0x63: {  	_ =	shalt  }
0x64: {  	_ =	shalt  }
0x65: {  	_ =	shalt  }
0x66: {  	_ =	shalt  }
0x67: {  	_ =	shalt  }
0x68: {  	_ =	shalt  }
0x69: {  	_ =	shalt  }
0x6a: {  	_ =	shalt  }
0x6b: {  	_ =	shalt  }
0x6c: {  	_ =	shalt  }
0x6d: {  	_ =	shalt  }
0x6e: {  	_ =	shalt  }
0x6f: {  	_ =	shalt  }
0x70: {  	_ =	shalt  }
0x71: {  	_ =	shalt  }
0x72: {  	_ =	shalt  }
0x73: {  	_ =	shalt  }
0x74: {  	_ =	shalt  }
0x75: {  	_ =	shalt  }
0x76: {  	_ =	shalt  }
0x77: {  	_ =	shalt  }
0x78: {  	_ =	shalt  }
0x79: {  	_ =	shalt  }
0x7a: {  	_ =	shalt  }
0x7b: {  	_ =	shalt  }
0x7c: {  	_ =	shalt  }
0x7d: {  	_ =	shalt  }
0x7e: {  	_ =	shalt  }
0x7f: {  	_ =	shalt  }
0x80: {  	_ =	shalt  }
0x81: {  	_ =	shalt  }
0x82: {  	_ =	shalt  }
0x83: {  	_ =	shalt  }
0x84: {  	_ =	shalt  }
0x85: {  	_ =	shalt  }
0x86: {  	_ =	shalt  }
0x87: {  	_ =	shalt  }
.Lfunc_end0:
.L_simem_size_0:
called_computation.2_lowered:
.L_overlay_start_0:
0x88: {  	s2 =	sld [smem:$0x3FD9]  }
0x89: {  	s3 =	sld [smem:$0x3FFE];
	_ =	sdelay $0x1  }
0x8a: {  	s1 =	srdreg.scid  }
0x8b: {  	s0 =	sand.u32 $0x1, s1  }
0x8c: {  	s17 =	sshll.u32 s0, $0xA;
	s2 =	sadd.s32 s3, s2  }
0x8d: {  	s2 =	sadd.s32 s2, s17  }
0x8e: {  	[smem:$0x3FC4] =	sst s2  }
0x8f: {  	_ = 	snop  }
0x90: {  	s2 =	sld [smem:$0x3FD0];
	(tm) =	ssettm $0x1  }
0x91: {  	s18 =	sld [smem:$0x3FFB];
	_ =	sdelay $0x3  }
0x92: {  	_ =	strace s18  }
0x93: {  	s3 =	sld [smem:$0x3FFC];
	_ =	sdelay $0x3  }
0x94: {  	_ =	strace s3  }
0x95: {  	s3 =	sld [smem:$0x3FFD];
	_ =	sdelay $0x3  }
0x96: {  	_ =	strace s3  }
0x97: {  	_ =	strace $0x8FFFFFFF  }
0x98: {  	s19 =	sld [smem:$0x3FDB];
	_ =	sdelay $0x1  }
0x99: {  	s4 =	simm.s32 $_scs_section_size  }
0x9a: {  	s5 =	simm.s32 $_size__tile_overlayer_lowered;
	s6 =	simm.s32 $_tile_overlayer_lowered  }
0x9b: {  	s22 =	simm.s32 $0x1BFF;
	s21 =	sshll.u32 s6, $0x1;
	s3 =	sadd.s32 s4, s19  }
0x9c: {  	s7 =	simm.s32 $0x0;
	s20 =	sshll.u32 s5, $0x1;
	s5 =	sadd.s32 s21, s3  }
0x9d: {  	[timem:s7], [sflag:s22] =	dma.local [hbm:s5], s20  }
0x9e: {  	_ =	swait.ge [sflag:s22], s20  }
0x9f: {  	s4 =	ssub.s32 $0x0, s20;
	[sflag:s22] =	ssyncset.done $0x0  }
0xa0: {  	[sflag:s22] =	ssyncadd.s32 s4;
	_ =	sdelay $0x1  }
0xa1: {  	s23 =	simm.s32 $0x1B8B  }
0xa2: {  	_ =	swait.ge [sflag:s23], $0x1  }
0xa3: {  	[sflag:s23] =	ssyncset.done $0x0  }
0xa4: {  	s25 =	simm.s32 $0x1B8E;
	s24 =	sld [smem:$0x3FFE];
	[sflag:s23] =	ssyncadd.s32 $0xFFFFFFFF  }
0xa5: {  	s26 =	simm.s32 $execute0_lowered;
	[smem:$0x3FD2] =	sst s25  }
0xa6: {  	s5 =	sshll.u32 s26, $0x1;
	_ =	strace $0x8000004C;
	[dreg:$0x1] =	wrdreg $0xFFFFFFFF  }
0xa7: {  	s28 =	simm.s32 $_size_execute0_lowered;
	s3 =	sadd.s32 s3, s5;
	[dreg:$0x0] =	wrdreg $0x0  }
0xa8: {  	s5 =	sshll.u32 s28, $0x1;
	[dreg:$0x2] =	wrdreg s3  }
0xa9: {  	[dreg:$0x3] =	wrdreg s5  }
0xaa: {  	[dreg:$0x4] =	wrdreg $0xC0  }
0xab: {  	_ =	task [dreg:s7], $0x5FFFF  }
0xac: {  	[dreg:$0x1] =	wrdreg $0xFFFFFFFF  }
0xad: {  	[dreg:$0x0] =	wrdreg $0x60  }
0xae: {  	[dreg:$0x2] =	wrdreg s24  }
0xaf: {  	[dreg:$0x3] =	wrdreg s2  }
0xb0: {  	[dreg:$0x4] =	wrdreg $0xA8000  }
0xb1: {  	[dreg:$0x5] =	wrdreg $0x9  }
0xb2: {  	_ =	task.clear_ibuf [dreg:s7], $0x6FFFF;
	_ =	strace $0x9000004C  }
0xb3: {  	s29 =	simm.s32 $0x9;
	_ =	strace $0x8000004E  }
0xb4: {  	_ =	swait.ge [sflag:s29], $0x1  }
0xb5: {  	[sflag:s29] =	ssyncadd.s32 $0xFFFFFFFF  }
0xb6: {  	_ =	strace $0x9000004E  }
0xb7: {  	_ =	sfence  }
0xb8: {  	s30 =	sld [smem:$0x0];
	_ =	sdelay $0x2  }
0xb9: {  	s31 =	sshll.u32 s1, $0xD;
	s1 =	sshrl.u32 s1, $0x2  }
0xba: {  	s3 =	sand.u32 $0x4000, s31;
	s1 =	sadd.s32 s1, s30  }
0xbb: {  	s0 =	sor.u32 s3, s0;
	s1 =	sshll.u32 s1, $0x11  }
0xbc: {  	s0 =	sor.u32 s1, s0  }
0xbd: {  	s0 =	sadd.s32 $0x8F2B, s0  }
0xbe: {  	[sflag:s0] =	ssyncadd.remote.s32 $0x1  }
0xbf: {  	_ =	sfence.sel $0xFFFF  }
0xc0: {  	[dreg:$0x0] =	wrdreg $0xFFFFFFFF;
	(pc) =	sbr.abs _section_cstart, $3  }
0xc1: {  	[dreg:$0x1] =	wrdreg $0xFFFFFFFF  }
0xc2: {  	_ =	task.clear_ibuf [dreg:s7], $0x2FFFF;
	_ =	strace $0x9FFFFFFF  }
0xc3: {  	(tm) =	ssettm $0x7FFFFFFF  }
tec
execute0_lowered:
.L_overlay_start_1:
0x0: {  	(tag) =	ssettag $0x1  }
0x1: {  	s4 =	rddreg [dreg:$0x0]  }
0x2: {  	s5 =	rddreg [dreg:$0x1]  }
0x3: {  	s2 =	rddreg [dreg:$0x2]  }
0x4: {  	s0 =	rddreg [dreg:$0x3];
	s1 =	stileid.u32  }
0x5: {  	s6 =	srdreg.scid;
	s3 =	simm.s32 $0x0;
	s13 =	simm.s32 $0x80  }
0x6: {  	s14 =	simm.s32 $0x2800;
	s15 =	simm.s32 $0x6800;
	s16 =	simm.s32 $0x1  }
0x7: {  	s17 =	simm.s32 $0x2;
	s18 =	simm.s32 $0x1380;
	s7 =	smul.u32 $0x500, s1  }
0x8: {  	s19 =	simm.s32 $0x2700;
	s20 =	simm.s32 $0x2780;
	s9 =	smul.u32 $0x50000, s1  }
0x9: {  	s6 =	sand.u32 $0x1, s6;
	[smem:$0x7FF] =	sst s3;
	s23 =	smul.u32 $0x2800, s1  }
0xa: {  	s31 =	sshll.u32 s1, $0x6;
	s8 =	smul.u32 $0x28000, s6;
	s6 =	ssub.s32 $0x2, s6  }
0xb: {  	_ =	strace $0x8000004D;
	s7 =	sadd.s32 s7, s4;
	s10 =	sshrl.u32 s6, $0x1  }
0xc: {  	s30 =	sshrl.u32 s9, $0x2;
	s11 =	sadd.s32 s8, s4;
	s10 =	ssub.s32 s6, s10  }
0xd: {  	s12 =	sadd.s32 s30, s2;
	s4 =	sadd.s32 s5, s23;
	s5 =	sor.u32 $0x1C03, s31  }
0xe: {  	s6 =	sadd.s32 $0x57C00, s7;
	s7 =	sadd.s32 $0x2400, s7;
	s8 =	sadd.s32 $0x7400, s11  }
0xf: {  	s24 =	sadd.s32 $0x5CC00, s11;
	s9 =	smax.u32 s10, $0x1;
	s10 =	sshrl.u32 s12, $0x3  }
0x10: {  	s11 =	simm.s32 $0x3;
	s12 =	simm.s32 $0x1400;
	s21 =	sadd.s32 $0x280, s6  }
0x11: {  	s22 =	sadd.s32 $0x280, s7;
	s23 =	sadd.s32 s23, s24;
	s24 =	simm.s32 $0x0  }
.LBB2_1:
0x12: {  	[spmem:s10], [sflag:s5] =	dma.local [hbm:s4], $0x2800  }
0x13: {  	_ =	swait.ge [sflag:s11], $0x2800  }
0x14: {  	[sflag:s11] =	ssyncset.done $0x0  }
0x15: {  	[sflag:s11] =	ssyncadd.s32 $0xFFFFD800  }
0x16: {  	[bflag:$0x0] =	sbarrier.arrive $0xFFFF  }
0x17: {  	[tilespmem:s3], [sflag:$0x3] =	stream.linear.gather [hbm4b:s6+s3], $0x1400, $0x38;
	[tilespmem:$0x1E800] =	vst v63  }
0x18: {  	_ =	swait.ge [sflag:s11], $0x1400  }
0x19: {  	[sflag:s11] =	ssyncset.done $0x0  }
0x1a: {  	[sflag:s11] =	ssyncadd.s32 $0xFFFFEC00  }
0x1b: {  	[tilespmem:s12], [sflag:$0x3] =	stream.linear.gather [hbm4b:s7+s3], $0x1400, $0x38;
	[tilespmem:$0x1E800] =	vst v63  }
0x1c: {  	_ =	swait.ge [sflag:s11], $0x1400  }
0x1d: {  	[sflag:s11] =	ssyncset.done $0x0  }
0x1e: {  	[sflag:s11] =	ssyncadd.s32 $0xFFFFEC00  }
0x1f: {  	[tilespmem:s14], [sflag:$0x1] =	stream.indirect.gather [hbm4b:s8+s13], $0x80, s3, s13, $0xb8;
	[tilespmem:$0x1E800] =	vst v63  }
0x20: {  	s25 =	simm.s32 $0x80  }
0x21: {  	[tilespmem:s15], [sflag:$0x2] =	stream.indirect.gather [hbm4b:s8+s13], $0x80, s25, s13, $0xb8;
	[tilespmem:$0x1E800] =	vst v63  }
0x22: {  	_ =	swait.ge [sflag:s16], $0x4000  }
0x23: {  	[sflag:s16] =	ssyncset.done $0x0  }
0x24: {  	s29 =	simm.s32 $0x1400;
	[sflag:s16] =	ssyncadd.s32 $0xFFFFC000  }
0x25: {  	[spmem:s2] =	stream.indirect.scatter.add.f32 [tilespmem:s14], [sflag:$0x3], $0x80, s29, s13, $0xb8;
	[tilespmem:$0x1E800] =	vst v63  }
0x26: {  	_ =	swait.ge [sflag:s11], $0x4000  }
0x27: {  	[sflag:s11] =	ssyncset.done $0x0  }
0x28: {  	s30 =	simm.s32 $0x100;
	[sflag:s11] =	ssyncadd.s32 $0xFFFFC000  }
0x29: {  	[tilespmem:s14], [sflag:$0x1] =	stream.indirect.gather [hbm4b:s8+s13], $0x80, s30, s13, $0xb8;
	[tilespmem:$0x1E800] =	vst v63  }
0x2a: {  	_ =	swait.ge [sflag:s17], $0x4000  }
0x2b: {  	[sflag:s17] =	ssyncset.done $0x0  }
0x2c: {  	s31 =	simm.s32 $0x1480;
	[sflag:s17] =	ssyncadd.s32 $0xFFFFC000  }
0x2d: {  	[spmem:s2] =	stream.indirect.scatter.add.f32 [tilespmem:s15], [sflag:$0x3], $0x80, s31, s13, $0xb8;
	[tilespmem:$0x1E800] =	vst v63  }
0x2e: {  	_ =	swait.ge [sflag:s11], $0x4000  }
0x2f: {  	s26 =	simm.s32 $0x800;
	s25 =	simm.s32 $0x100;
	[sflag:s11] =	ssyncset.done $0x0  }
.LBB2_2:
0x30: {  	s28 =	sadd.s32 $0x80, s25  }
0x31: {  	[sflag:s11] =	ssyncadd.s32 $0xFFFFC000;
	s29 =	smov.u32 s26;
	s30 =	sadd.s32 $0x400, s26  }
0x32: {  	[tilespmem:s15], [sflag:$0x2] =	stream.indirect.gather [hbm4b:s8+s13], $0x80, s28, s13, $0xb8;
	[tilespmem:$0x1E800] =	vst v63  }
0x33: {  	p0 =	sne.s32 s26, $0x4800;
	_ =	swait.ge [sflag:s16], $0x4000  }
0x34: {  	[sflag:s16] =	ssyncset.done $0x0  }
0x35: {  	s26 =	sadd.s32 $0x1400, s25;
	[sflag:s16] =	ssyncadd.s32 $0xFFFFC000  }
0x36: {  	[spmem:s2] =	stream.indirect.scatter.add.f32 [tilespmem:s14], [sflag:$0x3], $0x80, s26, s13, $0xb8;
	[tilespmem:$0x1E800] =	vst v63  }
0x37: {  	_ =	swait.ge [sflag:s11], $0x4000  }
0x38: {  	[sflag:s11] =	ssyncset.done $0x0  }
0x39: {  	s26 =	sadd.s32 $0x100, s25;
	[sflag:s11] =	ssyncadd.s32 $0xFFFFC000  }
0x3a: {  	[tilespmem:s14], [sflag:$0x1] =	stream.indirect.gather [hbm4b:s8+s13], $0x80, s26, s13, $0xb8;
	[tilespmem:$0x1E800] =	vst v63  }
0x3b: {  	_ =	swait.ge [sflag:s17], $0x4000  }
.Ltmp0:
0x3c: {  	[sflag:s17] =	ssyncset.done $0x0;
	(pc) =	sbr.rel @p0 .LBB2_2-.Ltmp0, $4  }
0x3d: {  	s25 =	sadd.s32 $0x1480, s25;
	[sflag:s17] =	ssyncadd.s32 $0xFFFFC000  }
0x3e: {  	[spmem:s2] =	stream.indirect.scatter.add.f32 [tilespmem:s15], [sflag:$0x3], $0x80, s25, s13, $0xb8;
	[tilespmem:$0x1E800] =	vst v63  }
0x3f: {  	_ =	swait.ge [sflag:s11], $0x4000  }
0x40: {  	s26 =	smov.u32 s30;
	s25 =	sshra.s32 s29, $0x2;
	[sflag:s11] =	ssyncset.done $0x0  }
0x41: {  	s26 =	sadd.s32 $0x80, s25;
	[sflag:s11] =	ssyncadd.s32 $0xFFFFC000  }
0x42: {  	[tilespmem:s15], [sflag:$0x2] =	stream.indirect.gather [hbm4b:s8+s13], $0x80, s26, s13, $0xb8;
	[tilespmem:$0x1E800] =	vst v63  }
0x43: {  	_ =	swait.ge [sflag:s16], $0x4000  }
0x44: {  	[sflag:s16] =	ssyncset.done $0x0  }
0x45: {  	s29 =	sadd.s32 $0x1400, s25;
	[sflag:s16] =	ssyncadd.s32 $0xFFFFC000  }
0x46: {  	[spmem:s2] =	stream.indirect.scatter.add.f32 [tilespmem:s14], [sflag:$0x3], $0x80, s29, s13, $0xb8;
	[tilespmem:$0x1E800] =	vst v63  }
0x47: {  	_ =	swait.ge [sflag:s11], $0x4000  }
0x48: {  	[sflag:s11] =	ssyncset.done $0x0  }
0x49: {  	s30 =	sadd.s32 $0x100, s25;
	[sflag:s11] =	ssyncadd.s32 $0xFFFFC000  }
0x4a: {  	[tilespmem:s14], [sflag:$0x1] =	stream.indirect.gather [hbm4b:s8+s13], $0x80, s30, s13, $0xb8;
	[tilespmem:$0x1E800] =	vst v63  }
0x4b: {  	_ =	swait.ge [sflag:s17], $0x4000  }
0x4c: {  	[sflag:s17] =	ssyncset.done $0x0  }
0x4d: {  	s31 =	sadd.s32 $0x1480, s25;
	[sflag:s17] =	ssyncadd.s32 $0xFFFFC000  }
0x4e: {  	[spmem:s2] =	stream.indirect.scatter.add.f32 [tilespmem:s15], [sflag:$0x3], $0x80, s31, s13, $0xb8;
	[tilespmem:$0x1E800] =	vst v63  }
0x4f: {  	_ =	swait.ge [sflag:s11], $0x4000  }
0x50: {  	[sflag:s11] =	ssyncset.done $0x0  }
0x51: {  	[sflag:s11] =	ssyncadd.s32 $0xFFFFC000  }
0x52: {  	[tilespmem:s15], [sflag:$0x2] =	stream.indirect.gather [hbm4b:s8+s13], $0x80, s18, s13, $0xb8;
	[tilespmem:$0x1E800] =	vst v63  }
0x53: {  	_ =	swait.ge [sflag:s16], $0x4000  }
0x54: {  	[sflag:s16] =	ssyncset.done $0x0  }
0x55: {  	[sflag:s16] =	ssyncadd.s32 $0xFFFFC000  }
0x56: {  	[spmem:s2] =	stream.indirect.scatter.add.f32 [tilespmem:s14], [sflag:$0x3], $0x80, s19, s13, $0xb8;
	[tilespmem:$0x1E800] =	vst v63  }
0x57: {  	_ =	swait.ge [sflag:s11], $0x4000  }
0x58: {  	[sflag:s11] =	ssyncset.done $0x0  }
0x59: {  	[sflag:s11] =	ssyncadd.s32 $0xFFFFC000  }
0x5a: {  	_ =	swait.ge [sflag:s17], $0x4000  }
0x5b: {  	[sflag:s17] =	ssyncset.done $0x0  }
0x5c: {  	[sflag:s17] =	ssyncadd.s32 $0xFFFFC000  }
0x5d: {  	[spmem:s2] =	stream.indirect.scatter.add.f32 [tilespmem:s15], [sflag:$0x3], $0x80, s20, s13, $0xb8;
	[tilespmem:$0x1E800] =	vst v63  }
0x5e: {  	_ =	swait.ge [sflag:s11], $0x4000  }
0x5f: {  	[sflag:s11] =	ssyncset.done $0x0  }
0x60: {  	s26 =	simm.s32 $0x0;
	[sflag:s11] =	ssyncadd.s32 $0xFFFFC000  }
0x61: {  	[tilespmem:s26], [sflag:$0x3] =	stream.linear.gather [hbm4b:s21+s26], $0x1400, $0x38;
	[tilespmem:$0x1E800] =	vst v63  }
0x62: {  	_ =	swait.ge [sflag:s11], $0x1400  }
0x63: {  	[sflag:s11] =	ssyncset.done $0x0  }
0x64: {  	[sflag:s11] =	ssyncadd.s32 $0xFFFFEC00  }
0x65: {  	[tilespmem:s12], [sflag:$0x3] =	stream.linear.gather [hbm4b:s22+s26], $0x1400, $0x38;
	[tilespmem:$0x1E800] =	vst v63  }
0x66: {  	_ =	swait.ge [sflag:s11], $0x1400  }
0x67: {  	[sflag:s11] =	ssyncset.done $0x0  }
0x68: {  	[sflag:s11] =	ssyncadd.s32 $0xFFFFEC00  }
0x69: {  	[tilespmem:s14], [sflag:$0x1] =	stream.indirect.gather [hbm4b:s8+s13], $0x80, s26, s13, $0xb8;
	[tilespmem:$0x1E800] =	vst v63  }
0x6a: {  	s28 =	simm.s32 $0x80  }
0x6b: {  	[tilespmem:s15], [sflag:$0x2] =	stream.indirect.gather [hbm4b:s8+s13], $0x80, s28, s13, $0xb8;
	[tilespmem:$0x1E800] =	vst v63  }
0x6c: {  	_ =	swait.ge [sflag:s16], $0x4000  }
0x6d: {  	[sflag:s16] =	ssyncset.done $0x0  }
0x6e: {  	s29 =	simm.s32 $0x1400;
	[sflag:s16] =	ssyncadd.s32 $0xFFFFC000  }
0x6f: {  	[spmem:s2] =	stream.indirect.scatter.add.f32 [tilespmem:s14], [sflag:$0x3], $0x80, s29, s13, $0xb8;
	[tilespmem:$0x1E800] =	vst v63  }
0x70: {  	_ =	swait.ge [sflag:s11], $0x4000  }
0x71: {  	[sflag:s11] =	ssyncset.done $0x0  }
0x72: {  	s30 =	simm.s32 $0x100;
	[sflag:s11] =	ssyncadd.s32 $0xFFFFC000  }
0x73: {  	[tilespmem:s14], [sflag:$0x1] =	stream.indirect.gather [hbm4b:s8+s13], $0x80, s30, s13, $0xb8;
	[tilespmem:$0x1E800] =	vst v63  }
0x74: {  	_ =	swait.ge [sflag:s17], $0x4000  }
0x75: {  	[sflag:s17] =	ssyncset.done $0x0  }
0x76: {  	s31 =	simm.s32 $0x1480;
	[sflag:s17] =	ssyncadd.s32 $0xFFFFC000  }
0x77: {  	[spmem:s2] =	stream.indirect.scatter.add.f32 [tilespmem:s15], [sflag:$0x3], $0x80, s31, s13, $0xb8;
	[tilespmem:$0x1E800] =	vst v63  }
0x78: {  	_ =	swait.ge [sflag:s11], $0x4000  }
0x79: {  	s25 =	simm.s32 $0x100;
	s26 =	simm.s32 $0x800;
	[sflag:s11] =	ssyncset.done $0x0  }
.LBB2_4:
0x7a: {  	s28 =	sadd.s32 $0x80, s25  }
0x7b: {  	[sflag:s11] =	ssyncadd.s32 $0xFFFFC000;
	s29 =	smov.u32 s26;
	s30 =	sadd.s32 $0x400, s26  }
0x7c: {  	[tilespmem:s15], [sflag:$0x2] =	stream.indirect.gather [hbm4b:s8+s13], $0x80, s28, s13, $0xb8;
	[tilespmem:$0x1E800] =	vst v63  }
0x7d: {  	p0 =	sne.s32 s26, $0x4800;
	_ =	swait.ge [sflag:s16], $0x4000  }
0x7e: {  	[sflag:s16] =	ssyncset.done $0x0  }
0x7f: {  	s26 =	sadd.s32 $0x1400, s25;
	[sflag:s16] =	ssyncadd.s32 $0xFFFFC000  }
0x80: {  	[spmem:s2] =	stream.indirect.scatter.add.f32 [tilespmem:s14], [sflag:$0x3], $0x80, s26, s13, $0xb8;
	[tilespmem:$0x1E800] =	vst v63  }
0x81: {  	_ =	swait.ge [sflag:s11], $0x4000  }
0x82: {  	[sflag:s11] =	ssyncset.done $0x0  }
0x83: {  	s26 =	sadd.s32 $0x100, s25;
	[sflag:s11] =	ssyncadd.s32 $0xFFFFC000  }
0x84: {  	[tilespmem:s14], [sflag:$0x1] =	stream.indirect.gather [hbm4b:s8+s13], $0x80, s26, s13, $0xb8;
	[tilespmem:$0x1E800] =	vst v63  }
0x85: {  	_ =	swait.ge [sflag:s17], $0x4000  }
.Ltmp1:
0x86: {  	[sflag:s17] =	ssyncset.done $0x0;
	(pc) =	sbr.rel @p0 .LBB2_4-.Ltmp1, $4  }
0x87: {  	s25 =	sadd.s32 $0x1480, s25;
	[sflag:s17] =	ssyncadd.s32 $0xFFFFC000  }
0x88: {  	[spmem:s2] =	stream.indirect.scatter.add.f32 [tilespmem:s15], [sflag:$0x3], $0x80, s25, s13, $0xb8;
	[tilespmem:$0x1E800] =	vst v63  }
0x89: {  	_ =	swait.ge [sflag:s11], $0x4000  }
0x8a: {  	s26 =	smov.u32 s30;
	s25 =	sshra.s32 s29, $0x2;
	[sflag:s11] =	ssyncset.done $0x0  }
0x8b: {  	s26 =	sadd.s32 $0x80, s25;
	[sflag:s11] =	ssyncadd.s32 $0xFFFFC000  }
0x8c: {  	[tilespmem:s15], [sflag:$0x2] =	stream.indirect.gather [hbm4b:s8+s13], $0x80, s26, s13, $0xb8;
	[tilespmem:$0x1E800] =	vst v63  }
0x8d: {  	_ =	swait.ge [sflag:s16], $0x4000  }
0x8e: {  	[sflag:s16] =	ssyncset.done $0x0  }
0x8f: {  	s29 =	sadd.s32 $0x1400, s25;
	[sflag:s16] =	ssyncadd.s32 $0xFFFFC000  }
0x90: {  	[spmem:s2] =	stream.indirect.scatter.add.f32 [tilespmem:s14], [sflag:$0x3], $0x80, s29, s13, $0xb8;
	[tilespmem:$0x1E800] =	vst v63  }
0x91: {  	_ =	swait.ge [sflag:s11], $0x4000  }
0x92: {  	[sflag:s11] =	ssyncset.done $0x0  }
0x93: {  	s30 =	sadd.s32 $0x100, s25;
	[sflag:s11] =	ssyncadd.s32 $0xFFFFC000  }
0x94: {  	[tilespmem:s14], [sflag:$0x1] =	stream.indirect.gather [hbm4b:s8+s13], $0x80, s30, s13, $0xb8;
	[tilespmem:$0x1E800] =	vst v63  }
0x95: {  	_ =	swait.ge [sflag:s17], $0x4000  }
0x96: {  	[sflag:s17] =	ssyncset.done $0x0  }
0x97: {  	s31 =	sadd.s32 $0x1480, s25;
	[sflag:s17] =	ssyncadd.s32 $0xFFFFC000  }
0x98: {  	[spmem:s2] =	stream.indirect.scatter.add.f32 [tilespmem:s15], [sflag:$0x3], $0x80, s31, s13, $0xb8;
	[tilespmem:$0x1E800] =	vst v63  }
0x99: {  	_ =	swait.ge [sflag:s11], $0x4000  }
0x9a: {  	[sflag:s11] =	ssyncset.done $0x0  }
0x9b: {  	[sflag:s11] =	ssyncadd.s32 $0xFFFFC000  }
0x9c: {  	[tilespmem:s15], [sflag:$0x2] =	stream.indirect.gather [hbm4b:s8+s13], $0x80, s18, s13, $0xb8;
	[tilespmem:$0x1E800] =	vst v63  }
0x9d: {  	_ =	swait.ge [sflag:s16], $0x4000  }
0x9e: {  	[sflag:s16] =	ssyncset.done $0x0  }
0x9f: {  	[sflag:s16] =	ssyncadd.s32 $0xFFFFC000  }
0xa0: {  	[spmem:s2] =	stream.indirect.scatter.add.f32 [tilespmem:s14], [sflag:$0x3], $0x80, s19, s13, $0xb8;
	[tilespmem:$0x1E800] =	vst v63  }
0xa1: {  	_ =	swait.ge [sflag:s11], $0x4000  }
0xa2: {  	[sflag:s11] =	ssyncset.done $0x0  }
0xa3: {  	[sflag:s11] =	ssyncadd.s32 $0xFFFFC000  }
0xa4: {  	_ =	swait.ge [sflag:s17], $0x4000  }
0xa5: {  	[sflag:s17] =	ssyncset.done $0x0  }
0xa6: {  	[sflag:s17] =	ssyncadd.s32 $0xFFFFC000  }
0xa7: {  	[spmem:s2] =	stream.indirect.scatter.add.f32 [tilespmem:s15], [sflag:$0x3], $0x80, s20, s13, $0xb8;
	[tilespmem:$0x1E800] =	vst v63  }
0xa8: {  	_ =	swait.ge [sflag:s11], $0x4000  }
0xa9: {  	s24 =	sadd.s32 $0x1, s24;
	[sflag:s11] =	ssyncset.done $0x0  }
0xaa: {  	p0 =	sne.s32 s24, s9;
	[sflag:s11] =	ssyncadd.s32 $0xFFFFC000  }
.Ltmp2:
0xab: {  	[bflag:$0x0] =	sbarrier.arrive $0xFFFF;
	(pc) =	sbr.rel @p0 .LBB2_1-.Ltmp2, $4  }
0xac: {  	[hbm:s23], [sflag:s5] =	dma.local [spmem:s10], $0x2800  }
0xad: {  	_ =	swait.ge [sflag:s11], $0x2800  }
0xae: {  	[sflag:s11] =	ssyncset.done $0x0  }
0xaf: {  	[sflag:s11] =	ssyncadd.s32 $0xFFFFD800  }
0xb0: {  	_ =	sfence.sel $0x180000  }
0xb1: {  	[bflag:$0x0] =	sbarrier.arrive $0xFFFF  }
0xb2: {  	p0 =	sne.s32 s1, $0x0;
	_ =	strace $0x9000004D  }
0xb3: {  	s0 =	sadd.s32 @!p0 $0x100000, s0;
	[bflag:$0x2] =	sbarrier.arrive $0xFFFF  }
0xb4: {  	[sflag:s0] =	ssyncadd.tile.s32 @!p0 $0x1;
	_ =	shalt  }
.Lfunc_end2:
_tile_overlayer_lowered:
.L_overlay_start_2:
0xb5: {  	(tag) =	ssettag $0x2  }
0xb6: {  	s0 =	rddreg [dreg:$0x0];
	s2 =	stileid.u32  }
0xb7: {  	s1 =	rddreg [dreg:$0x1];
	p0 =	sne.s32 s2, $0x0  }
0xb8: {  	s3 =	rddreg [dreg:$0x2];
	[bflag:$0x3] =	sbarrier.arrive $0xFFFF;
	s2 =	simm.s32 @!p0 $0x1C03  }
0xb9: {  	[timem:s3], [sflag:s2] =	dma.local @!p0 [hbm:s0], s1  }
0xba: {  	s0 =	simm.s32 @!p0 $0x3  }
0xbb: {  	_ =	swait.ge @!p0 [sflag:s0], s1  }
0xbc: {  	s1 =	ssub.s32 @!p0 $0x0, s1;
	[sflag:s0] =	ssyncset.done @!p0 $0x0  }
0xbd: {  	[sflag:s0] =	ssyncadd.s32 @!p0 s1  }
0xbe: {  	[bflag:$0x3] =	sbarrier.arrive $0xFFFF  }
0xbf: {  	_ =	shalt  }

// kernel: kernel.20.cloned.1.call-start
scs
__scs_entry_jumppad:
0x0: {  	(pc) =	sbr.rel $0x88, $3  }
0x1: {  	(tag) =	ssettag $0x0;
	lr =	simm.s32 $0x1  }
0x2: {  	[smem:$0x3F9D] =	sst lr;
	_ =	strace $0xD0000000  }
0x3: {  	_ = 	snop  }
0x4: {  	_ = 	snop  }
0x5: {  	_ = 	snop  }
0x6: {  	_ = 	snop  }
0x7: {  	_ = 	snop  }
__scs_overlays_trampoline_lowered:
0x8: {  	[smem:$0x3FAC] =	sst s0  }
0x9: {  	[smem:$0x3FAD] =	sst s1  }
0xa: {  	[smem:$0x3FAE] =	sst s2  }
0xb: {  	[smem:$0x3FAF] =	sst s3  }
0xc: {  	[smem:$0x3FB0] =	sst s4  }
0xd: {  	[smem:$0x3FB1] =	sst s5  }
0xe: {  	[smem:$0x3FB2] =	sst s6  }
0xf: {  	[smem:$0x3FB3] =	sst s7  }
0x10: {  	[smem:$0x3FB4] =	sst s8  }
0x11: {  	[smem:$0x3FB5] =	sst s9;
	s0 =	simm.s32 @!p0 $0x0  }
0x12: {  	s1 =	sld [smem:$0x3F9B];
	s0 =	simm.s32 @p0 $0x1  }
0x13: {  	[smem:$0x3FB6] =	sst s0;
	s0 =	simm.s32 @!p1 $0x0  }
0x14: {  	s2 =	sld [smem:$0x3F9A];
	s0 =	simm.s32 @p1 $0x1  }
0x15: {  	[smem:$0x3FB7] =	sst s0;
	s0 =	simm.s32 @!p2 $0x0  }
0x16: {  	s3 =	sld [smem:$0x3FDB];
	s0 =	simm.s32 @p2 $0x1  }
0x17: {  	s4 =	simm.s32 $0x1BF5;
	[smem:$0x3FB9] =	sst s0  }
0x18: {  	s0 =	sld [smem:$0x3F9C];
	_ =	swait.ge [sflag:s4], $0x0  }
0x19: {  	s7 =	sld [smem:$0x3F9D]  }
0x1a: {  	s8 =	sadd.s32 $0xFFFFE003, lr  }
0x1b: {  	s9 =	sadd.s32 $0xFFFFFEF7, lr;
	s5 =	simm.s32 $0xFFFFFFFF;
	p2 =	slt.u32 s8, $0xFFFFF086  }
0x1c: {  	p1 =	slt.u32 s9, $0xF7A;
	s5 =	simm.s32 @!p2 $0x0  }
0x1d: {  	s5 =	simm.s32 @p1 $0x1;
	p0 =	seq.s32 s7, s2  }
0x1e: {  	s7 =	smul.u32 @!p0 $0xF7A, s2;
	p2 =	seq.s32 @!p0 s5, $0x0  }
0x1f: {  	s9 =	smul.u32 $0xF7A, s1;
	s8 =	simm.s32 @!p0 $0x1BF5;
	p2 =	por !p2, p0  }
0x20: {  	[sflag:s8] =	ssyncset.s32 @!p0 $0xFFFFF086;
	s6 =	sadd.s32 @!p0 s3, s7;
	s7 =	simm.s32 @!p0 $0x108  }
0x21: {  	s3 =	sadd.s32 s3, s9;
	s6 =	sadd.s32 @!p0 $0x88, s6;
	s7 =	simm.s32 @p2 $0x1082  }
0x22: {  	[simem:s7], [sflag:s8] =	dma.local @!p0 [hbm:s6], $0xF7A  }
0x23: {  	s9 =	sor.u32 $0xD0000000, s2;
	s6 =	simm.s32 $0x108;
	_ =	swait.ge @!p0 [sflag:s8], $0x0  }
0x24: {  	s3 =	sadd.s32 $0x88, s3;
	s6 =	simm.s32 @!p1 $0x1082;
	[sflag:s4] =	ssyncset.s32 $0xFFFFF086  }
0x25: {  	[simem:s6], [sflag:s4] =	dma.local [hbm:s3], $0xF7A  }
0x26: {  	[smem:$0x3F9D] =	sst s1;
	(tag) =	ssettag s2;
	_ =	strace s9  }
0x27: {  	s1 =	sld [smem:$0x3FAD]  }
0x28: {  	s2 =	sld [smem:$0x3FAE]  }
0x29: {  	s4 =	sld [smem:$0x3FB0]  }
0x2a: {  	p0 =	seq.s32 s5, $0x0;
	s5 =	sld [smem:$0x3FB1]  }
0x2b: {  	s6 =	sld [smem:$0x3FB2]  }
0x2c: {  	s7 =	sld [smem:$0x3FB3]  }
0x2d: {  	s3 =	simm.s32 $0x108;
	s8 =	sld [smem:$0x3FB4]  }
0x2e: {  	s3 =	simm.s32 @!p0 $0x1082;
	s9 =	sld [smem:$0x3FB5]  }
0x2f: {  	lr =	sadd.s32 s0, s3;
	s0 =	sld [smem:$0x3FAC]  }
0x30: {  	s3 =	sld [smem:$0x3FAF]  }
0x31: {  	[smem:$0x3FB8] =	sst s10  }
0x32: {  	s10 =	sld [smem:$0x3FB6];
	_ =	sdelay $0x3  }
0x33: {  	p0 =	seq.s32 s10, $0x1;
	s10 =	sld [smem:$0x3FB8];
	_ =	sdelay $0x3  }
0x34: {  	[smem:$0x3FB8] =	sst s10  }
0x35: {  	s10 =	sld [smem:$0x3FB7];
	_ =	sdelay $0x3  }
0x36: {  	p1 =	seq.s32 s10, $0x1;
	s10 =	sld [smem:$0x3FB8];
	_ =	sdelay $0x3  }
0x37: {  	[smem:$0x3FB8] =	sst s10  }
0x38: {  	s10 =	sld [smem:$0x3FB9]  }
0x39: {  	_ = 	snop;
	(pc) =	sbr.ind lr, $3  }
0x3a: {  	_ = 	snop  }
0x3b: {  	_ = 	snop  }
0x3c: {  	p2 =	seq.s32 s10, $0x1;
	s10 =	sld [smem:$0x3FB8]  }
0x3d: {  	_ =	shalt  }
0x3e: {  	_ =	shalt  }
0x3f: {  	_ =	shalt  }
0x40: {  	_ =	shalt  }
0x41: {  	_ =	shalt  }
0x42: {  	_ =	shalt  }
0x43: {  	_ =	shalt  }
0x44: {  	_ =	shalt  }
0x45: {  	_ =	shalt  }
0x46: {  	_ =	shalt  }
0x47: {  	_ =	shalt  }
0x48: {  	_ =	shalt  }
0x49: {  	_ =	shalt  }
0x4a: {  	_ =	shalt  }
0x4b: {  	_ =	shalt  }
0x4c: {  	_ =	shalt  }
0x4d: {  	_ =	shalt  }
0x4e: {  	_ =	shalt  }
0x4f: {  	_ =	shalt  }
0x50: {  	_ =	shalt  }
0x51: {  	_ =	shalt  }
0x52: {  	_ =	shalt  }
0x53: {  	_ =	shalt  }
0x54: {  	_ =	shalt  }
0x55: {  	_ =	shalt  }
0x56: {  	_ =	shalt  }
0x57: {  	_ =	shalt  }
0x58: {  	_ =	shalt  }
0x59: {  	_ =	shalt  }
0x5a: {  	_ =	shalt  }
0x5b: {  	_ =	shalt  }
0x5c: {  	_ =	shalt  }
0x5d: {  	_ =	shalt  }
0x5e: {  	_ =	shalt  }
0x5f: {  	_ =	shalt  }
0x60: {  	_ =	shalt  }
0x61: {  	_ =	shalt  }
0x62: {  	_ =	shalt  }
0x63: {  	_ =	shalt  }
0x64: {  	_ =	shalt  }
0x65: {  	_ =	shalt  }
0x66: {  	_ =	shalt  }
0x67: {  	_ =	shalt  }
0x68: {  	_ =	shalt  }
0x69: {  	_ =	shalt  }
0x6a: {  	_ =	shalt  }
0x6b: {  	_ =	shalt  }
0x6c: {  	_ =	shalt  }
0x6d: {  	_ =	shalt  }
0x6e: {  	_ =	shalt  }
0x6f: {  	_ =	shalt  }
0x70: {  	_ =	shalt  }
0x71: {  	_ =	shalt  }
0x72: {  	_ =	shalt  }
0x73: {  	_ =	shalt  }
0x74: {  	_ =	shalt  }
0x75: {  	_ =	shalt  }
0x76: {  	_ =	shalt  }
0x77: {  	_ =	shalt  }
0x78: {  	_ =	shalt  }
0x79: {  	_ =	shalt  }
0x7a: {  	_ =	shalt  }
0x7b: {  	_ =	shalt  }
0x7c: {  	_ =	shalt  }
0x7d: {  	_ =	shalt  }
0x7e: {  	_ =	shalt  }
0x7f: {  	_ =	shalt  }
0x80: {  	_ =	shalt  }
0x81: {  	_ =	shalt  }
0x82: {  	_ =	shalt  }
0x83: {  	_ =	shalt  }
0x84: {  	_ =	shalt  }
0x85: {  	_ =	shalt  }
0x86: {  	_ =	shalt  }
0x87: {  	_ =	shalt  }
.Lfunc_end0:
.L_simem_size_0:
called_computation.3_lowered:
.L_overlay_start_0:
0x88: {  	s2 =	sld [smem:$0x3FD9]  }
0x89: {  	s3 =	sld [smem:$0x3FFE];
	_ =	sdelay $0x1  }
0x8a: {  	s1 =	srdreg.scid  }
0x8b: {  	s0 =	sand.u32 $0x1, s1  }
0x8c: {  	s17 =	sshll.u32 s0, $0xA;
	s2 =	sadd.s32 s3, s2  }
0x8d: {  	s2 =	sadd.s32 s2, s17  }
0x8e: {  	[smem:$0x3FC4] =	sst s2  }
0x8f: {  	_ = 	snop  }
0x90: {  	s2 =	sld [smem:$0x3FD0];
	(tm) =	ssettm $0x1  }
0x91: {  	s18 =	sld [smem:$0x3FFB];
	_ =	sdelay $0x3  }
0x92: {  	_ =	strace s18  }
0x93: {  	s3 =	sld [smem:$0x3FFC];
	_ =	sdelay $0x3  }
0x94: {  	_ =	strace s3  }
0x95: {  	s3 =	sld [smem:$0x3FFD];
	_ =	sdelay $0x3  }
0x96: {  	_ =	strace s3  }
0x97: {  	_ =	strace $0x8FFFFFFF  }
0x98: {  	s19 =	sld [smem:$0x3FDB];
	_ =	sdelay $0x1  }
0x99: {  	s4 =	simm.s32 $_scs_section_size  }
0x9a: {  	s5 =	simm.s32 $_size__tile_overlayer_lowered;
	s6 =	simm.s32 $_tile_overlayer_lowered  }
0x9b: {  	s22 =	simm.s32 $0x1BFF;
	s21 =	sshll.u32 s6, $0x1;
	s3 =	sadd.s32 s4, s19  }
0x9c: {  	s7 =	simm.s32 $0x0;
	s20 =	sshll.u32 s5, $0x1;
	s5 =	sadd.s32 s21, s3  }
0x9d: {  	[timem:s7], [sflag:s22] =	dma.local [hbm:s5], s20  }
0x9e: {  	_ =	swait.ge [sflag:s22], s20  }
0x9f: {  	s4 =	ssub.s32 $0x0, s20;
	[sflag:s22] =	ssyncset.done $0x0  }
0xa0: {  	[sflag:s22] =	ssyncadd.s32 s4;
	_ =	sdelay $0x1  }
0xa1: {  	s23 =	simm.s32 $0x1B8B  }
0xa2: {  	_ =	swait.ge [sflag:s23], $0x1  }
0xa3: {  	[sflag:s23] =	ssyncset.done $0x0  }
0xa4: {  	s25 =	simm.s32 $0x1B8E;
	s24 =	sld [smem:$0x3FFE];
	[sflag:s23] =	ssyncadd.s32 $0xFFFFFFFF  }
0xa5: {  	s26 =	simm.s32 $execute0_lowered;
	[smem:$0x3FD2] =	sst s25  }
0xa6: {  	s5 =	sshll.u32 s26, $0x1;
	_ =	strace $0x8000004F;
	[dreg:$0x1] =	wrdreg $0xFFFFFFFF  }
0xa7: {  	s28 =	simm.s32 $_size_execute0_lowered;
	s3 =	sadd.s32 s3, s5;
	[dreg:$0x0] =	wrdreg $0x0  }
0xa8: {  	s5 =	sshll.u32 s28, $0x1;
	[dreg:$0x2] =	wrdreg s3  }
0xa9: {  	[dreg:$0x3] =	wrdreg s5  }
0xaa: {  	[dreg:$0x4] =	wrdreg $0xC0  }
0xab: {  	_ =	task [dreg:s7], $0x5FFFF  }
0xac: {  	[dreg:$0x1] =	wrdreg $0xFFFFFFFF  }
0xad: {  	[dreg:$0x0] =	wrdreg $0x60  }
0xae: {  	[dreg:$0x2] =	wrdreg s24  }
0xaf: {  	[dreg:$0x3] =	wrdreg s2  }
0xb0: {  	[dreg:$0x4] =	wrdreg $0xA8000  }
0xb1: {  	[dreg:$0x5] =	wrdreg $0x9  }
0xb2: {  	_ =	task.clear_ibuf [dreg:s7], $0x6FFFF;
	_ =	strace $0x9000004F  }
0xb3: {  	s29 =	simm.s32 $0x9;
	_ =	strace $0x80000051  }
0xb4: {  	_ =	swait.ge [sflag:s29], $0x1  }
0xb5: {  	[sflag:s29] =	ssyncadd.s32 $0xFFFFFFFF  }
0xb6: {  	_ =	strace $0x90000051  }
0xb7: {  	_ =	sfence  }
0xb8: {  	s30 =	sld [smem:$0x0];
	_ =	sdelay $0x2  }
0xb9: {  	s31 =	sshll.u32 s1, $0xD;
	s1 =	sshrl.u32 s1, $0x2  }
0xba: {  	s3 =	sand.u32 $0x4000, s31;
	s1 =	sadd.s32 s1, s30  }
0xbb: {  	s0 =	sor.u32 s3, s0;
	s1 =	sshll.u32 s1, $0x11  }
0xbc: {  	s0 =	sor.u32 s1, s0  }
0xbd: {  	s0 =	sadd.s32 $0x8F2B, s0  }
0xbe: {  	[sflag:s0] =	ssyncadd.remote.s32 $0x1  }
0xbf: {  	_ =	sfence.sel $0xFFFF  }
0xc0: {  	[dreg:$0x0] =	wrdreg $0xFFFFFFFF;
	(pc) =	sbr.abs _section_cstart, $3  }
0xc1: {  	[dreg:$0x1] =	wrdreg $0xFFFFFFFF  }
0xc2: {  	_ =	task.clear_ibuf [dreg:s7], $0x2FFFF;
	_ =	strace $0x9FFFFFFF  }
0xc3: {  	(tm) =	ssettm $0x7FFFFFFF  }
tec
execute0_lowered:
.L_overlay_start_1:
0x0: {  	(tag) =	ssettag $0x1  }
0x1: {  	s4 =	rddreg [dreg:$0x0]  }
0x2: {  	s5 =	rddreg [dreg:$0x1]  }
0x3: {  	s2 =	rddreg [dreg:$0x2]  }
0x4: {  	s0 =	rddreg [dreg:$0x3];
	s1 =	stileid.u32  }
0x5: {  	s6 =	srdreg.scid;
	s3 =	simm.s32 $0x0;
	s13 =	simm.s32 $0x80  }
0x6: {  	s14 =	simm.s32 $0x2800;
	s15 =	simm.s32 $0x6800;
	s16 =	simm.s32 $0x1  }
0x7: {  	s17 =	simm.s32 $0x2;
	s18 =	simm.s32 $0x1380;
	s7 =	smul.u32 $0x500, s1  }
0x8: {  	s19 =	simm.s32 $0x2700;
	s20 =	simm.s32 $0x2780;
	s9 =	smul.u32 $0x50000, s1  }
0x9: {  	s6 =	sand.u32 $0x1, s6;
	[smem:$0x7FF] =	sst s3;
	s23 =	smul.u32 $0x2800, s1  }
0xa: {  	s31 =	sshll.u32 s1, $0x6;
	s8 =	smul.u32 $0x28000, s6;
	s6 =	ssub.s32 $0x2, s6  }
0xb: {  	_ =	strace $0x80000050;
	s7 =	sadd.s32 s7, s4;
	s10 =	sshrl.u32 s6, $0x1  }
0xc: {  	s30 =	sshrl.u32 s9, $0x2;
	s11 =	sadd.s32 s8, s4;
	s10 =	ssub.s32 s6, s10  }
0xd: {  	s12 =	sadd.s32 s30, s2;
	s4 =	sadd.s32 s5, s23;
	s5 =	sor.u32 $0x1C03, s31  }
0xe: {  	s6 =	sadd.s32 $0x57C00, s7;
	s7 =	sadd.s32 $0x2400, s7;
	s8 =	sadd.s32 $0x7400, s11  }
0xf: {  	s24 =	sadd.s32 $0x5CC00, s11;
	s9 =	smax.u32 s10, $0x1;
	s10 =	sshrl.u32 s12, $0x3  }
0x10: {  	s11 =	simm.s32 $0x3;
	s12 =	simm.s32 $0x1400;
	s21 =	sadd.s32 $0x280, s6  }
0x11: {  	s22 =	sadd.s32 $0x280, s7;
	s23 =	sadd.s32 s23, s24;
	s24 =	simm.s32 $0x0  }
.LBB2_1:
0x12: {  	[spmem:s10], [sflag:s5] =	dma.local [hbm:s4], $0x2800  }
0x13: {  	_ =	swait.ge [sflag:s11], $0x2800  }
0x14: {  	[sflag:s11] =	ssyncset.done $0x0  }
0x15: {  	[sflag:s11] =	ssyncadd.s32 $0xFFFFD800  }
0x16: {  	[bflag:$0x0] =	sbarrier.arrive $0xFFFF  }
0x17: {  	[tilespmem:s3], [sflag:$0x3] =	stream.linear.gather [hbm4b:s6+s3], $0x1400, $0x38;
	[tilespmem:$0x1E800] =	vst v63  }
0x18: {  	_ =	swait.ge [sflag:s11], $0x1400  }
0x19: {  	[sflag:s11] =	ssyncset.done $0x0  }
0x1a: {  	[sflag:s11] =	ssyncadd.s32 $0xFFFFEC00  }
0x1b: {  	[tilespmem:s12], [sflag:$0x3] =	stream.linear.gather [hbm4b:s7+s3], $0x1400, $0x38;
	[tilespmem:$0x1E800] =	vst v63  }
0x1c: {  	_ =	swait.ge [sflag:s11], $0x1400  }
0x1d: {  	[sflag:s11] =	ssyncset.done $0x0  }
0x1e: {  	[sflag:s11] =	ssyncadd.s32 $0xFFFFEC00  }
0x1f: {  	[tilespmem:s14], [sflag:$0x1] =	stream.indirect.gather [hbm4b:s8+s13], $0x80, s3, s13, $0xb8;
	[tilespmem:$0x1E800] =	vst v63  }
0x20: {  	s25 =	simm.s32 $0x80  }
0x21: {  	[tilespmem:s15], [sflag:$0x2] =	stream.indirect.gather [hbm4b:s8+s13], $0x80, s25, s13, $0xb8;
	[tilespmem:$0x1E800] =	vst v63  }
0x22: {  	_ =	swait.ge [sflag:s16], $0x4000  }
0x23: {  	[sflag:s16] =	ssyncset.done $0x0  }
0x24: {  	s29 =	simm.s32 $0x1400;
	[sflag:s16] =	ssyncadd.s32 $0xFFFFC000  }
0x25: {  	[spmem:s2] =	stream.indirect.scatter.add.f32 [tilespmem:s14], [sflag:$0x3], $0x80, s29, s13, $0xb8;
	[tilespmem:$0x1E800] =	vst v63  }
0x26: {  	_ =	swait.ge [sflag:s11], $0x4000  }
0x27: {  	[sflag:s11] =	ssyncset.done $0x0  }
0x28: {  	s30 =	simm.s32 $0x100;
	[sflag:s11] =	ssyncadd.s32 $0xFFFFC000  }
0x29: {  	[tilespmem:s14], [sflag:$0x1] =	stream.indirect.gather [hbm4b:s8+s13], $0x80, s30, s13, $0xb8;
	[tilespmem:$0x1E800] =	vst v63  }
0x2a: {  	_ =	swait.ge [sflag:s17], $0x4000  }
0x2b: {  	[sflag:s17] =	ssyncset.done $0x0  }
0x2c: {  	s31 =	simm.s32 $0x1480;
	[sflag:s17] =	ssyncadd.s32 $0xFFFFC000  }
0x2d: {  	[spmem:s2] =	stream.indirect.scatter.add.f32 [tilespmem:s15], [sflag:$0x3], $0x80, s31, s13, $0xb8;
	[tilespmem:$0x1E800] =	vst v63  }
0x2e: {  	_ =	swait.ge [sflag:s11], $0x4000  }
0x2f: {  	s26 =	simm.s32 $0x800;
	s25 =	simm.s32 $0x100;
	[sflag:s11] =	ssyncset.done $0x0  }
.LBB2_2:
0x30: {  	s28 =	sadd.s32 $0x80, s25  }
0x31: {  	[sflag:s11] =	ssyncadd.s32 $0xFFFFC000;
	s29 =	smov.u32 s26;
	s30 =	sadd.s32 $0x400, s26  }
0x32: {  	[tilespmem:s15], [sflag:$0x2] =	stream.indirect.gather [hbm4b:s8+s13], $0x80, s28, s13, $0xb8;
	[tilespmem:$0x1E800] =	vst v63  }
0x33: {  	p0 =	sne.s32 s26, $0x4800;
	_ =	swait.ge [sflag:s16], $0x4000  }
0x34: {  	[sflag:s16] =	ssyncset.done $0x0  }
0x35: {  	s26 =	sadd.s32 $0x1400, s25;
	[sflag:s16] =	ssyncadd.s32 $0xFFFFC000  }
0x36: {  	[spmem:s2] =	stream.indirect.scatter.add.f32 [tilespmem:s14], [sflag:$0x3], $0x80, s26, s13, $0xb8;
	[tilespmem:$0x1E800] =	vst v63  }
0x37: {  	_ =	swait.ge [sflag:s11], $0x4000  }
0x38: {  	[sflag:s11] =	ssyncset.done $0x0  }
0x39: {  	s26 =	sadd.s32 $0x100, s25;
	[sflag:s11] =	ssyncadd.s32 $0xFFFFC000  }
0x3a: {  	[tilespmem:s14], [sflag:$0x1] =	stream.indirect.gather [hbm4b:s8+s13], $0x80, s26, s13, $0xb8;
	[tilespmem:$0x1E800] =	vst v63  }
0x3b: {  	_ =	swait.ge [sflag:s17], $0x4000  }
.Ltmp0:
0x3c: {  	[sflag:s17] =	ssyncset.done $0x0;
	(pc) =	sbr.rel @p0 .LBB2_2-.Ltmp0, $4  }
0x3d: {  	s25 =	sadd.s32 $0x1480, s25;
	[sflag:s17] =	ssyncadd.s32 $0xFFFFC000  }
0x3e: {  	[spmem:s2] =	stream.indirect.scatter.add.f32 [tilespmem:s15], [sflag:$0x3], $0x80, s25, s13, $0xb8;
	[tilespmem:$0x1E800] =	vst v63  }
0x3f: {  	_ =	swait.ge [sflag:s11], $0x4000  }
0x40: {  	s26 =	smov.u32 s30;
	s25 =	sshra.s32 s29, $0x2;
	[sflag:s11] =	ssyncset.done $0x0  }
0x41: {  	s26 =	sadd.s32 $0x80, s25;
	[sflag:s11] =	ssyncadd.s32 $0xFFFFC000  }
0x42: {  	[tilespmem:s15], [sflag:$0x2] =	stream.indirect.gather [hbm4b:s8+s13], $0x80, s26, s13, $0xb8;
	[tilespmem:$0x1E800] =	vst v63  }
0x43: {  	_ =	swait.ge [sflag:s16], $0x4000  }
0x44: {  	[sflag:s16] =	ssyncset.done $0x0  }
0x45: {  	s29 =	sadd.s32 $0x1400, s25;
	[sflag:s16] =	ssyncadd.s32 $0xFFFFC000  }
0x46: {  	[spmem:s2] =	stream.indirect.scatter.add.f32 [tilespmem:s14], [sflag:$0x3], $0x80, s29, s13, $0xb8;
	[tilespmem:$0x1E800] =	vst v63  }
0x47: {  	_ =	swait.ge [sflag:s11], $0x4000  }
0x48: {  	[sflag:s11] =	ssyncset.done $0x0  }
0x49: {  	s30 =	sadd.s32 $0x100, s25;
	[sflag:s11] =	ssyncadd.s32 $0xFFFFC000  }
0x4a: {  	[tilespmem:s14], [sflag:$0x1] =	stream.indirect.gather [hbm4b:s8+s13], $0x80, s30, s13, $0xb8;
	[tilespmem:$0x1E800] =	vst v63  }
0x4b: {  	_ =	swait.ge [sflag:s17], $0x4000  }
0x4c: {  	[sflag:s17] =	ssyncset.done $0x0  }
0x4d: {  	s31 =	sadd.s32 $0x1480, s25;
	[sflag:s17] =	ssyncadd.s32 $0xFFFFC000  }
0x4e: {  	[spmem:s2] =	stream.indirect.scatter.add.f32 [tilespmem:s15], [sflag:$0x3], $0x80, s31, s13, $0xb8;
	[tilespmem:$0x1E800] =	vst v63  }
0x4f: {  	_ =	swait.ge [sflag:s11], $0x4000  }
0x50: {  	[sflag:s11] =	ssyncset.done $0x0  }
0x51: {  	[sflag:s11] =	ssyncadd.s32 $0xFFFFC000  }
0x52: {  	[tilespmem:s15], [sflag:$0x2] =	stream.indirect.gather [hbm4b:s8+s13], $0x80, s18, s13, $0xb8;
	[tilespmem:$0x1E800] =	vst v63  }
0x53: {  	_ =	swait.ge [sflag:s16], $0x4000  }
0x54: {  	[sflag:s16] =	ssyncset.done $0x0  }
0x55: {  	[sflag:s16] =	ssyncadd.s32 $0xFFFFC000  }
0x56: {  	[spmem:s2] =	stream.indirect.scatter.add.f32 [tilespmem:s14], [sflag:$0x3], $0x80, s19, s13, $0xb8;
	[tilespmem:$0x1E800] =	vst v63  }
0x57: {  	_ =	swait.ge [sflag:s11], $0x4000  }
0x58: {  	[sflag:s11] =	ssyncset.done $0x0  }
0x59: {  	[sflag:s11] =	ssyncadd.s32 $0xFFFFC000  }
0x5a: {  	_ =	swait.ge [sflag:s17], $0x4000  }
0x5b: {  	[sflag:s17] =	ssyncset.done $0x0  }
0x5c: {  	[sflag:s17] =	ssyncadd.s32 $0xFFFFC000  }
0x5d: {  	[spmem:s2] =	stream.indirect.scatter.add.f32 [tilespmem:s15], [sflag:$0x3], $0x80, s20, s13, $0xb8;
	[tilespmem:$0x1E800] =	vst v63  }
0x5e: {  	_ =	swait.ge [sflag:s11], $0x4000  }
0x5f: {  	[sflag:s11] =	ssyncset.done $0x0  }
0x60: {  	s26 =	simm.s32 $0x0;
	[sflag:s11] =	ssyncadd.s32 $0xFFFFC000  }
0x61: {  	[tilespmem:s26], [sflag:$0x3] =	stream.linear.gather [hbm4b:s21+s26], $0x1400, $0x38;
	[tilespmem:$0x1E800] =	vst v63  }
0x62: {  	_ =	swait.ge [sflag:s11], $0x1400  }
0x63: {  	[sflag:s11] =	ssyncset.done $0x0  }
0x64: {  	[sflag:s11] =	ssyncadd.s32 $0xFFFFEC00  }
0x65: {  	[tilespmem:s12], [sflag:$0x3] =	stream.linear.gather [hbm4b:s22+s26], $0x1400, $0x38;
	[tilespmem:$0x1E800] =	vst v63  }
0x66: {  	_ =	swait.ge [sflag:s11], $0x1400  }
0x67: {  	[sflag:s11] =	ssyncset.done $0x0  }
0x68: {  	[sflag:s11] =	ssyncadd.s32 $0xFFFFEC00  }
0x69: {  	[tilespmem:s14], [sflag:$0x1] =	stream.indirect.gather [hbm4b:s8+s13], $0x80, s26, s13, $0xb8;
	[tilespmem:$0x1E800] =	vst v63  }
0x6a: {  	s28 =	simm.s32 $0x80  }
0x6b: {  	[tilespmem:s15], [sflag:$0x2] =	stream.indirect.gather [hbm4b:s8+s13], $0x80, s28, s13, $0xb8;
	[tilespmem:$0x1E800] =	vst v63  }
0x6c: {  	_ =	swait.ge [sflag:s16], $0x4000  }
0x6d: {  	[sflag:s16] =	ssyncset.done $0x0  }
0x6e: {  	s29 =	simm.s32 $0x1400;
	[sflag:s16] =	ssyncadd.s32 $0xFFFFC000  }
0x6f: {  	[spmem:s2] =	stream.indirect.scatter.add.f32 [tilespmem:s14], [sflag:$0x3], $0x80, s29, s13, $0xb8;
	[tilespmem:$0x1E800] =	vst v63  }
0x70: {  	_ =	swait.ge [sflag:s11], $0x4000  }
0x71: {  	[sflag:s11] =	ssyncset.done $0x0  }
0x72: {  	s30 =	simm.s32 $0x100;
	[sflag:s11] =	ssyncadd.s32 $0xFFFFC000  }
0x73: {  	[tilespmem:s14], [sflag:$0x1] =	stream.indirect.gather [hbm4b:s8+s13], $0x80, s30, s13, $0xb8;
	[tilespmem:$0x1E800] =	vst v63  }
0x74: {  	_ =	swait.ge [sflag:s17], $0x4000  }
0x75: {  	[sflag:s17] =	ssyncset.done $0x0  }
0x76: {  	s31 =	simm.s32 $0x1480;
	[sflag:s17] =	ssyncadd.s32 $0xFFFFC000  }
0x77: {  	[spmem:s2] =	stream.indirect.scatter.add.f32 [tilespmem:s15], [sflag:$0x3], $0x80, s31, s13, $0xb8;
	[tilespmem:$0x1E800] =	vst v63  }
0x78: {  	_ =	swait.ge [sflag:s11], $0x4000  }
0x79: {  	s25 =	simm.s32 $0x100;
	s26 =	simm.s32 $0x800;
	[sflag:s11] =	ssyncset.done $0x0  }
.LBB2_4:
0x7a: {  	s28 =	sadd.s32 $0x80, s25  }
0x7b: {  	[sflag:s11] =	ssyncadd.s32 $0xFFFFC000;
	s29 =	smov.u32 s26;
	s30 =	sadd.s32 $0x400, s26  }
0x7c: {  	[tilespmem:s15], [sflag:$0x2] =	stream.indirect.gather [hbm4b:s8+s13], $0x80, s28, s13, $0xb8;
	[tilespmem:$0x1E800] =	vst v63  }
0x7d: {  	p0 =	sne.s32 s26, $0x4800;
	_ =	swait.ge [sflag:s16], $0x4000  }
0x7e: {  	[sflag:s16] =	ssyncset.done $0x0  }
0x7f: {  	s26 =	sadd.s32 $0x1400, s25;
	[sflag:s16] =	ssyncadd.s32 $0xFFFFC000  }
0x80: {  	[spmem:s2] =	stream.indirect.scatter.add.f32 [tilespmem:s14], [sflag:$0x3], $0x80, s26, s13, $0xb8;
	[tilespmem:$0x1E800] =	vst v63  }
0x81: {  	_ =	swait.ge [sflag:s11], $0x4000  }
0x82: {  	[sflag:s11] =	ssyncset.done $0x0  }
0x83: {  	s26 =	sadd.s32 $0x100, s25;
	[sflag:s11] =	ssyncadd.s32 $0xFFFFC000  }
0x84: {  	[tilespmem:s14], [sflag:$0x1] =	stream.indirect.gather [hbm4b:s8+s13], $0x80, s26, s13, $0xb8;
	[tilespmem:$0x1E800] =	vst v63  }
0x85: {  	_ =	swait.ge [sflag:s17], $0x4000  }
.Ltmp1:
0x86: {  	[sflag:s17] =	ssyncset.done $0x0;
	(pc) =	sbr.rel @p0 .LBB2_4-.Ltmp1, $4  }
0x87: {  	s25 =	sadd.s32 $0x1480, s25;
	[sflag:s17] =	ssyncadd.s32 $0xFFFFC000  }
0x88: {  	[spmem:s2] =	stream.indirect.scatter.add.f32 [tilespmem:s15], [sflag:$0x3], $0x80, s25, s13, $0xb8;
	[tilespmem:$0x1E800] =	vst v63  }
0x89: {  	_ =	swait.ge [sflag:s11], $0x4000  }
0x8a: {  	s26 =	smov.u32 s30;
	s25 =	sshra.s32 s29, $0x2;
	[sflag:s11] =	ssyncset.done $0x0  }
0x8b: {  	s26 =	sadd.s32 $0x80, s25;
	[sflag:s11] =	ssyncadd.s32 $0xFFFFC000  }
0x8c: {  	[tilespmem:s15], [sflag:$0x2] =	stream.indirect.gather [hbm4b:s8+s13], $0x80, s26, s13, $0xb8;
	[tilespmem:$0x1E800] =	vst v63  }
0x8d: {  	_ =	swait.ge [sflag:s16], $0x4000  }
0x8e: {  	[sflag:s16] =	ssyncset.done $0x0  }
0x8f: {  	s29 =	sadd.s32 $0x1400, s25;
	[sflag:s16] =	ssyncadd.s32 $0xFFFFC000  }
0x90: {  	[spmem:s2] =	stream.indirect.scatter.add.f32 [tilespmem:s14], [sflag:$0x3], $0x80, s29, s13, $0xb8;
	[tilespmem:$0x1E800] =	vst v63  }
0x91: {  	_ =	swait.ge [sflag:s11], $0x4000  }
0x92: {  	[sflag:s11] =	ssyncset.done $0x0  }
0x93: {  	s30 =	sadd.s32 $0x100, s25;
	[sflag:s11] =	ssyncadd.s32 $0xFFFFC000  }
0x94: {  	[tilespmem:s14], [sflag:$0x1] =	stream.indirect.gather [hbm4b:s8+s13], $0x80, s30, s13, $0xb8;
	[tilespmem:$0x1E800] =	vst v63  }
0x95: {  	_ =	swait.ge [sflag:s17], $0x4000  }
0x96: {  	[sflag:s17] =	ssyncset.done $0x0  }
0x97: {  	s31 =	sadd.s32 $0x1480, s25;
	[sflag:s17] =	ssyncadd.s32 $0xFFFFC000  }
0x98: {  	[spmem:s2] =	stream.indirect.scatter.add.f32 [tilespmem:s15], [sflag:$0x3], $0x80, s31, s13, $0xb8;
	[tilespmem:$0x1E800] =	vst v63  }
0x99: {  	_ =	swait.ge [sflag:s11], $0x4000  }
0x9a: {  	[sflag:s11] =	ssyncset.done $0x0  }
0x9b: {  	[sflag:s11] =	ssyncadd.s32 $0xFFFFC000  }
0x9c: {  	[tilespmem:s15], [sflag:$0x2] =	stream.indirect.gather [hbm4b:s8+s13], $0x80, s18, s13, $0xb8;
	[tilespmem:$0x1E800] =	vst v63  }
0x9d: {  	_ =	swait.ge [sflag:s16], $0x4000  }
0x9e: {  	[sflag:s16] =	ssyncset.done $0x0  }
0x9f: {  	[sflag:s16] =	ssyncadd.s32 $0xFFFFC000  }
0xa0: {  	[spmem:s2] =	stream.indirect.scatter.add.f32 [tilespmem:s14], [sflag:$0x3], $0x80, s19, s13, $0xb8;
	[tilespmem:$0x1E800] =	vst v63  }
0xa1: {  	_ =	swait.ge [sflag:s11], $0x4000  }
0xa2: {  	[sflag:s11] =	ssyncset.done $0x0  }
0xa3: {  	[sflag:s11] =	ssyncadd.s32 $0xFFFFC000  }
0xa4: {  	_ =	swait.ge [sflag:s17], $0x4000  }
0xa5: {  	[sflag:s17] =	ssyncset.done $0x0  }
0xa6: {  	[sflag:s17] =	ssyncadd.s32 $0xFFFFC000  }
0xa7: {  	[spmem:s2] =	stream.indirect.scatter.add.f32 [tilespmem:s15], [sflag:$0x3], $0x80, s20, s13, $0xb8;
	[tilespmem:$0x1E800] =	vst v63  }
0xa8: {  	_ =	swait.ge [sflag:s11], $0x4000  }
0xa9: {  	s24 =	sadd.s32 $0x1, s24;
	[sflag:s11] =	ssyncset.done $0x0  }
0xaa: {  	p0 =	sne.s32 s24, s9;
	[sflag:s11] =	ssyncadd.s32 $0xFFFFC000  }
.Ltmp2:
0xab: {  	[bflag:$0x0] =	sbarrier.arrive $0xFFFF;
	(pc) =	sbr.rel @p0 .LBB2_1-.Ltmp2, $4  }
0xac: {  	[hbm:s23], [sflag:s5] =	dma.local [spmem:s10], $0x2800  }
0xad: {  	_ =	swait.ge [sflag:s11], $0x2800  }
0xae: {  	[sflag:s11] =	ssyncset.done $0x0  }
0xaf: {  	[sflag:s11] =	ssyncadd.s32 $0xFFFFD800  }
0xb0: {  	_ =	sfence.sel $0x180000  }
0xb1: {  	[bflag:$0x0] =	sbarrier.arrive $0xFFFF  }
0xb2: {  	p0 =	sne.s32 s1, $0x0;
	_ =	strace $0x90000050  }
0xb3: {  	s0 =	sadd.s32 @!p0 $0x100000, s0;
	[bflag:$0x2] =	sbarrier.arrive $0xFFFF  }
0xb4: {  	[sflag:s0] =	ssyncadd.tile.s32 @!p0 $0x1;
	_ =	shalt  }
.Lfunc_end2:
_tile_overlayer_lowered:
.L_overlay_start_2:
0xb5: {  	(tag) =	ssettag $0x2  }
0xb6: {  	s0 =	rddreg [dreg:$0x0];
	s2 =	stileid.u32  }
0xb7: {  	s1 =	rddreg [dreg:$0x1];
	p0 =	sne.s32 s2, $0x0  }
0xb8: {  	s3 =	rddreg [dreg:$0x2];
	[bflag:$0x3] =	sbarrier.arrive $0xFFFF;
	s2 =	simm.s32 @!p0 $0x1C03  }
0xb9: {  	[timem:s3], [sflag:s2] =	dma.local @!p0 [hbm:s0], s1  }
0xba: {  	s0 =	simm.s32 @!p0 $0x3  }
0xbb: {  	_ =	swait.ge @!p0 [sflag:s0], s1  }
0xbc: {  	s1 =	ssub.s32 @!p0 $0x0, s1;
	[sflag:s0] =	ssyncset.done @!p0 $0x0  }
0xbd: {  	[sflag:s0] =	ssyncadd.s32 @!p0 s1  }
0xbe: {  	[bflag:$0x3] =	sbarrier.arrive $0xFFFF  }
0xbf: {  	_ =	shalt  }

</sc_bundles>
